<compile_context>
chip_gen: v7x
topology: tpu7x:2x2x1
jax: 0.10.2.dev20260603
libtpu: 0.0.44.dev20260713+nightly
codegen_flags: <defaults>
</compile_context>

<pallas_src>
import functools

import jax
import jax.numpy as jnp
from jax import lax
from jax.experimental import pallas as pl
from jax.experimental.pallas import tpu as pltpu
from jax.experimental.pallas import tpu_sc as plsc

N = 10000
E = 160000
DIN = 256
DE = 16
DH = 128
DOUT = 256

NC = 2
NS = 16
NW = NC * NS
EPT = E // NW
CH = 100
NCH = EPT // CH
STRIPE = 640
RZC = 80

_mesh = plsc.VectorSubcoreMesh(core_axis_name="c", subcore_axis_name="s")
_f32 = jnp.float32


def _zero_vmem_2d(ref, nrows, ncols):
    zeros16 = jnp.zeros((16,), _f32)

    def body(r, carry):
        for cc in range(ncols // 16):
            ref[r, pl.ds(cc * 16, 16)] = zeros16
        return carry

    lax.fori_loop(0, nrows, body, None)


def _ef_body(ef_hbm, dst3_hbm, out_a_hbm, acc_a, dbuf, efbuf):
    c = lax.axis_index("c")
    s = lax.axis_index("s")
    wid = c * NS + s
    pltpu.sync_copy(dst3_hbm.at[wid], dbuf)
    _zero_vmem_2d(efbuf, CH, 32)
    r0 = s * STRIPE
    nz = jnp.where(s < NS - 1, STRIPE // RZC, (N - (NS - 1) * STRIPE) // RZC)

    def zc(q, carry):
        pltpu.sync_copy(efbuf.at[pl.ds(0, RZC)],
                        acc_a.at[pl.ds(r0 + q * RZC, RZC)])
        return carry

    lax.fori_loop(0, nz, zc, None)

    ones16 = jnp.where(lax.iota(jnp.int32, 16) == 0,
                       jnp.float32(1.0), jnp.float32(0.0))

    def setone(r, carry):
        efbuf[r, pl.ds(DE, 16)] = ones16
        return carry

    lax.fori_loop(0, CH, setone, None)
    plsc.subcore_barrier()

    def body(k, carry):
        pltpu.sync_copy(ef_hbm.at[wid].at[k], efbuf.at[:, pl.ds(0, DE)])
        pltpu.sync_copy(efbuf, acc_a.at[dbuf.at[k]], add=True)
        return carry

    lax.fori_loop(0, NCH, body, None)
    plsc.subcore_barrier()

    def oc(q, carry):
        pltpu.sync_copy(acc_a.at[pl.ds(r0 + q * RZC, RZC)],
                        out_a_hbm.at[c].at[pl.ds(r0 + q * RZC, RZC)])
        return carry

    lax.fori_loop(0, nz, oc, None)


def _gs_body(table_hbm, src3_hbm, dst3_hbm, out_b_hbm,
             acc_b, sbuf, dbuf, rows0, rows1, sem0, sem1):
    c = lax.axis_index("c")
    s = lax.axis_index("s")
    wid = c * NS + s
    pltpu.sync_copy(src3_hbm.at[wid], sbuf)
    pltpu.sync_copy(dst3_hbm.at[wid], dbuf)
    _zero_vmem_2d(rows0, RZC, DH)
    r0 = s * STRIPE
    nz = jnp.where(s < NS - 1, STRIPE // RZC, (N - (NS - 1) * STRIPE) // RZC)

    def zc(q, carry):
        pltpu.sync_copy(rows0.at[pl.ds(0, RZC)],
                        acc_b.at[pl.ds(r0 + q * RZC, RZC)])
        return carry

    lax.fori_loop(0, nz, zc, None)
    plsc.subcore_barrier()

    pltpu.async_copy(table_hbm.at[sbuf.at[0]], rows0, sem0)

    def body(p, carry):
        k = p * 2
        pltpu.async_copy(table_hbm.at[sbuf.at[k + 1]], rows1, sem1)
        pltpu.make_async_copy(table_hbm.at[sbuf.at[k]], rows0, sem0).wait()
        pltpu.sync_copy(rows0, acc_b.at[dbuf.at[k]], add=True)

        @pl.when(k + 2 < NCH)
        def _():
            pltpu.async_copy(table_hbm.at[sbuf.at[k + 2]], rows0, sem0)

        pltpu.make_async_copy(table_hbm.at[sbuf.at[k + 1]], rows1, sem1).wait()
        pltpu.sync_copy(rows1, acc_b.at[dbuf.at[k + 1]], add=True)
        return carry

    lax.fori_loop(0, NCH // 2, body, None)
    plsc.subcore_barrier()

    def oc(q, carry):
        pltpu.sync_copy(acc_b.at[pl.ds(r0 + q * RZC, RZC)],
                        out_b_hbm.at[c].at[pl.ds(r0 + q * RZC, RZC)])
        return carry

    lax.fori_loop(0, nz, oc, None)


_ef_call = functools.partial(
    pl.kernel,
    out_type=jax.ShapeDtypeStruct((NC, N, 32), _f32),
    mesh=_mesh,
    compiler_params=pltpu.CompilerParams(use_tc_tiling_on_sc=False),
    scratch_types=[
        pltpu.VMEM_SHARED((N, 32), _f32),
        pltpu.VMEM((NCH, CH), jnp.int32),
        pltpu.VMEM((CH, 32), _f32),
    ],
)(_ef_body)

_gs_call = functools.partial(
    pl.kernel,
    out_type=jax.ShapeDtypeStruct((NC, N, DH), _f32),
    mesh=_mesh,
    compiler_params=pltpu.CompilerParams(use_tc_tiling_on_sc=False),
    scratch_types=[
        pltpu.VMEM_SHARED((N, DH), _f32),
        pltpu.VMEM((NCH, CH), jnp.int32),
        pltpu.VMEM((NCH, CH), jnp.int32),
        pltpu.VMEM((CH, DH), _f32),
        pltpu.VMEM((CH, DH), _f32),
        pltpu.SemaphoreType.DMA,
        pltpu.SemaphoreType.DMA,
    ],
)(_gs_body)


def _pred_body(uv_hbm, src_hbm, dst_hbm, ep_hbm, out_hbm,
               uvbuf, sbuf, dbuf, epbuf, outbuf):
    c = lax.axis_index("c")
    s = lax.axis_index("s")
    wid = c * NS + s
    base = wid * EPT
    pltpu.sync_copy(uv_hbm, uvbuf)
    pltpu.sync_copy(src_hbm.at[pl.ds(base, EPT)], sbuf.at[pl.ds(0, EPT)])
    pltpu.sync_copy(dst_hbm.at[pl.ds(base, EPT)], dbuf.at[pl.ds(0, EPT)])
    pltpu.sync_copy(ep_hbm.at[pl.ds(base * 2, EPT * 2)], epbuf)
    iota = lax.iota(jnp.int32, 16)
    nfull = EPT // 16

    def step(j, mask):
        sv = sbuf[pl.ds(j * 16, 16)] * 4
        dv = dbuf[pl.ds(j * 16, 16)] * 4
        u0 = plsc.load_gather(uvbuf, [sv], mask=mask)
        u1 = plsc.load_gather(uvbuf, [sv + 1], mask=mask)
        v0 = plsc.load_gather(uvbuf, [dv + 2], mask=mask)
        v1 = plsc.load_gather(uvbuf, [dv + 3], mask=mask)
        o = j * 32 + 2 * iota
        e0 = plsc.load_gather(epbuf, [o], mask=mask)
        e1 = plsc.load_gather(epbuf, [o + 1], mask=mask)
        plsc.store_scatter(outbuf, [o], u0 + v0 + e0, mask=mask)
        plsc.store_scatter(outbuf, [o + 1], u1 + v1 + e1, mask=mask)

    def body(j, carry):
        step(j, None)
        return carry

    lax.fori_loop(0, nfull, body, None)
    step(nfull, iota < (EPT - nfull * 16))
    pltpu.sync_copy(outbuf, out_hbm.at[pl.ds(base * 2, EPT * 2)])


_pred_call = functools.partial(
    pl.kernel,
    out_type=jax.ShapeDtypeStruct((2 * E,), _f32),
    mesh=_mesh,
    compiler_params=pltpu.CompilerParams(needs_layout_passes=False, use_tc_tiling_on_sc=False),
    scratch_types=[
        pltpu.VMEM((N * 4,), _f32),
        pltpu.VMEM((EPT + 16, ), jnp.int32),
        pltpu.VMEM((EPT + 16, ), jnp.int32),
        pltpu.VMEM((2 * EPT,), _f32),
        pltpu.VMEM((2 * EPT,), _f32),
    ],
)(_pred_body)


_NB = 1000
_EB = 8000


def _mm_body(x_ref, w_ref, o_ref):
    o_ref[...] = jnp.dot(x_ref[...], w_ref[...],
                         preferred_element_type=_f32)


def _tc_matmul(x, w):
    n, k = x.shape
    m = w.shape[1]
    return pl.pallas_call(
        _mm_body,
        grid=(n // _NB,),
        in_specs=[pl.BlockSpec((_NB, k), lambda i: (i, 0)),
                  pl.BlockSpec((k, m), lambda i: (0, 0))],
        out_specs=pl.BlockSpec((_NB, m), lambda i: (i, 0)),
        out_shape=jax.ShapeDtypeStruct((n, m), _f32),
    )(x, w)


def _apply_body(h_ref, pb_ref, pa_ref, wmsg_ref, we_ref, b_ref,
                wah_ref, wan_ref, ba_ref, o_ref):
    pa = pa_ref[0] + pa_ref[1]
    ge = pa[:, :DE]
    deg = pa[:, DE]
    gs = pb_ref[0] + pb_ref[1]
    if wmsg_ref is not None:
        gs = jnp.dot(gs, wmsg_ref[...], preferred_element_type=_f32)
    ssum = (gs + jnp.dot(ge, we_ref[...], preferred_element_type=_f32)
            + deg[:, None] * b_ref[...])
    hn = ssum / jnp.maximum(deg, 1.0)[:, None]
    o_ref[...] = jnp.maximum(
        jnp.dot(h_ref[...], wah_ref[...], preferred_element_type=_f32)
        + jnp.dot(hn, wan_ref[...], preferred_element_type=_f32)
        + ba_ref[...], 0.0)


def _tc_apply(h, pb, pa, wmsg, we, b, wah, wan, ba, dout):
    din = h.shape[1]
    dmid = pb.shape[2]
    have_wmsg = wmsg is not None
    body = _apply_body if have_wmsg else (
        lambda h_ref, pb_ref, pa_ref, we_ref, b_ref, wah_ref, wan_ref,
               ba_ref, o_ref:
        _apply_body(h_ref, pb_ref, pa_ref, None, we_ref, b_ref,
                    wah_ref, wan_ref, ba_ref, o_ref))
    in_specs = [pl.BlockSpec((_NB, din), lambda i: (i, 0)),
                pl.BlockSpec((NC, _NB, dmid), lambda i: (0, i, 0)),
                pl.BlockSpec((NC, _NB, 32), lambda i: (0, i, 0))]
    args = [h, pb, pa]
    if have_wmsg:
        in_specs.append(pl.BlockSpec(wmsg.shape, lambda i: (0, 0)))
        args.append(wmsg)
    in_specs += [pl.BlockSpec(we.shape, lambda i: (0, 0)),
                 pl.BlockSpec((1, dout), lambda i: (0, 0)),
                 pl.BlockSpec(wah.shape, lambda i: (0, 0)),
                 pl.BlockSpec(wan.shape, lambda i: (0, 0)),
                 pl.BlockSpec((1, dout), lambda i: (0, 0))]
    args += [we, b.reshape(1, dout), wah, wan, ba.reshape(1, dout)]
    return pl.pallas_call(
        body,
        grid=(N // _NB,),
        in_specs=in_specs,
        out_specs=pl.BlockSpec((_NB, dout), lambda i: (i, 0)),
        out_shape=jax.ShapeDtypeStruct((N, dout), _f32),
    )(*args)


def _uv_body(h_ref, pb_ref, pa_ref, wmsg_ref, we_ref, b_ref,
             wah_ref, wan_ref, ba_ref, wuv_ref, o_ref):
    pa = pa_ref[0] + pa_ref[1]
    ge = pa[:, :DE]
    deg = pa[:, DE]
    gs = jnp.dot(pb_ref[0] + pb_ref[1], wmsg_ref[...],
                 preferred_element_type=_f32)
    ssum = (gs + jnp.dot(ge, we_ref[...], preferred_element_type=_f32)
            + deg[:, None] * b_ref[...])
    hn = ssum / jnp.maximum(deg, 1.0)[:, None]
    h2 = jnp.maximum(
        jnp.dot(h_ref[...], wah_ref[...], preferred_element_type=_f32)
        + jnp.dot(hn, wan_ref[...], preferred_element_type=_f32)
        + ba_ref[...], 0.0)
    o_ref[...] = jnp.dot(h2, wuv_ref[...], preferred_element_type=_f32)


def _ep_body(ef_ref, w_ref, b_ref, o_ref):
    o_ref[...] = jnp.dot(ef_ref[...], w_ref[...],
                         preferred_element_type=_f32) + b_ref[...]


def kernel(nfeats, edge_index, efeats,
           W_msg1, b_msg1, W_apply1, b_apply1,
           W_msg2, b_msg2, W_apply2, b_apply2,
           W_pred, b_pred):
    h0 = nfeats.reshape(N, DIN)
    ef2 = efeats.reshape(E, DE)
    ei = edge_index.astype(jnp.int32)
    src = ei[0]
    dst = ei[1]
    e3 = ei.reshape(2, NW, NCH, CH)
    src3 = e3[0]
    dst3 = e3[1]
    Wm1h, We1 = W_msg1[:DIN], W_msg1[DIN:]
    Wa1h, Wa1n = W_apply1[:DIN], W_apply1[DIN:]
    Wm2h, We2 = W_msg2[:DH], W_msg2[DH:]
    Wa2h, Wa2n = W_apply2[:DH], W_apply2[DH:]
    Wuv = jnp.concatenate([W_pred[:DOUT], W_pred[DOUT:2 * DOUT]], axis=1)
    Wpe = W_pred[2 * DOUT:]

    t1 = _tc_matmul(h0, Wm1h)

    ep = pl.pallas_call(
        _ep_body,
        grid=(E // _EB,),
        in_specs=[pl.BlockSpec((_EB, DE), lambda i: (i, 0)),
                  pl.BlockSpec((DE, 2), lambda i: (0, 0)),
                  pl.BlockSpec((1, 2), lambda i: (0, 0))],
        out_specs=pl.BlockSpec((_EB, 2), lambda i: (i, 0)),
        out_shape=jax.ShapeDtypeStruct((E, 2), _f32),
    )(ef2, Wpe, b_pred.reshape(1, 2))

    pa = _ef_call(ef2.reshape(NW, NCH, CH, DE), dst3)
    pb1 = _gs_call(t1, src3, dst3)

    h1 = _tc_apply(h0, pb1, pa, None, We1, b_msg1, Wa1h, Wa1n, b_apply1, DH)

    pb2 = _gs_call(h1, src3, dst3)

    uv = pl.pallas_call(
        _uv_body,
        grid=(N // _NB,),
        in_specs=[pl.BlockSpec((_NB, DH), lambda i: (i, 0)),
                  pl.BlockSpec((NC, _NB, DH), lambda i: (0, i, 0)),
                  pl.BlockSpec((NC, _NB, 32), lambda i: (0, i, 0)),
                  pl.BlockSpec((DH, DOUT), lambda i: (0, 0)),
                  pl.BlockSpec((DE, DOUT), lambda i: (0, 0)),
                  pl.BlockSpec((1, DOUT), lambda i: (0, 0)),
                  pl.BlockSpec((DH, DOUT), lambda i: (0, 0)),
                  pl.BlockSpec((DOUT, DOUT), lambda i: (0, 0)),
                  pl.BlockSpec((1, DOUT), lambda i: (0, 0)),
                  pl.BlockSpec((DOUT, 4), lambda i: (0, 0))],
        out_specs=pl.BlockSpec((_NB, 4), lambda i: (i, 0)),
        out_shape=jax.ShapeDtypeStruct((N, 4), _f32),
    )(h1, pb2, pa, Wm2h, We2, b_msg2.reshape(1, DOUT),
      Wa2h, Wa2n, b_apply2.reshape(1, DOUT), Wuv)

    score_flat = _pred_call(uv.reshape(N * 4), src, dst, ep.reshape(2 * E))
    return score_flat.reshape(E, 2)

# --- scband reference (transcript-rebuilt; emitter-appended) ---
"""Pipeline reference for scband-egcn-5403068859074 (READ-ONLY COPY).

The authoritative reference and input builder live on the scoring server;
editing this copy changes nothing except your own understanding.
"""

import jax, jax.numpy as jnp
import numpy as np

N_NODES = 10000
N_EDGES = 160000
NDIM_IN = 256
EDIM = 16
HID = 128
NDIM_OUT = 256

def setup_inputs(seed: int = 0) -> dict:
    key = jax.random.key(seed)
    ks = jax.random.split(key, 16)
    nfeats = jax.random.normal(ks[0], (N_NODES, 1, NDIM_IN), dtype=jnp.float32)
    efeats = jax.random.normal(ks[1], (N_EDGES, 1, EDIM), dtype=jnp.float32)
    edge_index = jax.random.randint(ks[2], (2, N_EDGES), 0, N_NODES, dtype=jnp.int64 if jax.config.jax_enable_x64 else jnp.int32)
    s = 0.02
    # layer 1: W_msg (ndim_in+edim -> 128), W_apply (ndim_in+128 -> 128)
    W_msg1 = jax.random.normal(ks[3], (NDIM_IN + EDIM, HID), dtype=jnp.float32) * s
    b_msg1 = jnp.zeros((HID,), dtype=jnp.float32)
    W_apply1 = jax.random.normal(ks[4], (NDIM_IN + HID, HID), dtype=jnp.float32) * s
    b_apply1 = jnp.zeros((HID,), dtype=jnp.float32)
    # layer 2: W_msg (128+edim -> ndim_out), W_apply (128+ndim_out -> ndim_out)
    W_msg2 = jax.random.normal(ks[5], (HID + EDIM, NDIM_OUT), dtype=jnp.float32) * s
    b_msg2 = jnp.zeros((NDIM_OUT,), dtype=jnp.float32)
    W_apply2 = jax.random.normal(ks[6], (HID + NDIM_OUT, NDIM_OUT), dtype=jnp.float32) * s
    b_apply2 = jnp.zeros((NDIM_OUT,), dtype=jnp.float32)
    # predictor (residual=True): ndim_out*2 + edim -> 2
    W_pred = jax.random.normal(ks[7], (NDIM_OUT * 2 + EDIM, 2), dtype=jnp.float32) * s
    b_pred = jnp.zeros((2,), dtype=jnp.float32)
    return {"nfeats": nfeats, "edge_index": edge_index, "efeats": efeats,
            "W_msg1": W_msg1, "b_msg1": b_msg1, "W_apply1": W_apply1, "b_apply1": b_apply1,
            "W_msg2": W_msg2, "b_msg2": b_msg2, "W_apply2": W_apply2, "b_apply2": b_apply2,
            "W_pred": W_pred, "b_pred": b_pred}

def _gcn_layer(h, efeats, src, dst, n_nodes, W_msg, b_msg, W_apply, b_apply):
    # message: W_msg(cat([h_src, e_feat], dim=2))  -> [E, 1, d_out]
    m = jnp.concatenate([h[src], efeats], axis=2) @ W_msg + b_msg
    # fn.mean over incoming edges grouped by dst node
    s = jax.ops.segment_sum(m, dst, num_segments=n_nodes)
    deg = jax.ops.segment_sum(jnp.ones((dst.shape[0],), dtype=h.dtype), dst, num_segments=n_nodes)
    h_neigh = s / jnp.maximum(deg, 1.0)[:, None, None]
    # apply: relu(W_apply(cat([h, h_neigh], dim=2)))
    return jax.nn.relu(jnp.concatenate([h, h_neigh], axis=2) @ W_apply + b_apply)

def reference(nfeats, edge_index, efeats,
              W_msg1, b_msg1, W_apply1, b_apply1,
              W_msg2, b_msg2, W_apply2, b_apply2,
              W_pred, b_pred):
    src = edge_index[0]
    dst = edge_index[1]
    n_nodes = nfeats.shape[0]
    h = _gcn_layer(nfeats, efeats, src, dst, n_nodes, W_msg1, b_msg1, W_apply1, b_apply1)
    # dropout p=0.0 (inference) -> identity
    h = _gcn_layer(h, efeats, src, dst, n_nodes, W_msg2, b_msg2, W_apply2, b_apply2)
    h = h.sum(axis=1)  # [N, ndim_out]
    # MLPPredictor with residual=True
    h_u = h[src]
    h_v = h[dst]
    h_uv = efeats.reshape(efeats.shape[0], -1)
    score = jnp.concatenate([h_u, h_v, h_uv], axis=1) @ W_pred + b_pred
    return score

if __name__ == "__main__":
    import jax
    _d = setup_inputs()
    print(jax.jit(kernel)(*tuple(_d.values())))

</pallas_src>

<mosaic_0001>
#map = affine_map<(d0, d1) -> (0, 0, 0, 0)>
#map1 = affine_map<(d0, d1) -> (0, 0, 0)>
module attributes {stable_mosaic.version = 14 : i64} {
  func.func @_ef_body(%arg0: i32, %arg1: i32, %arg2: memref<32x50x100x16xf32, #tpu.memory_space<hbm>>, %arg3: memref<32x50x100xi32, #tpu.memory_space<hbm>>, %arg4: memref<2x10000x32xf32, #tpu.memory_space<hbm>>, %arg5: memref<10000x32xf32, #tpu.memory_space<vmem_shared>>, %arg6: memref<50x100xi32, #tpu.memory_space<vmem>>, %arg7: memref<100x32xf32, #tpu.memory_space<vmem>>) attributes {dimension_semantics = [#tpu.dimension_semantics<core_parallel>, #tpu.dimension_semantics<subcore_parallel>], iteration_bounds = array<i64: 2, 16>, scalar_prefetch = 0 : i64, scratch_operands = 3 : i64, tpu.core_type = #tpu.core_type<sc_vector_subcore>, window_params = [{transform_indices = #map}, {transform_indices = #map1}, {transform_indices = #map1}]} {
    %mul3A = arith.constant 16 : i32
    %mul3A_0 = arith.muli %arg0, %mul3A : i32
    %add3A = arith.addi %mul3A_0, %arg1 : i32
    "tpu.region"() ({
      %run_scoped3A = tpu.sem_alloc : memref<!tpu.dma_semaphore, #tpu.memory_space<semaphore_mem>>
      %dma_start3A = arith.constant 0 : i32
      %dma_start3A_45 = arith.constant 0 : i32
      %dma_start3A_46 = tpu.memref_slice %arg3[%add3A, %dma_start3A, %dma_start3A_45] : memref<32x50x100xi32, #tpu.memory_space<hbm>> -> memref<1x50x100xi32, #tpu.memory_space<hbm>>
      %dma_start3A_47 = tpu.memref_squeeze %dma_start3A_46 : memref<1x50x100xi32, #tpu.memory_space<hbm>> -> memref<50x100xi32, #tpu.memory_space<hbm>>
      %dma_start3A_48 = arith.constant 0 : i32
      %dma_start3A_49 = arith.constant 0 : i32
      %dma_start3A_50 = tpu.memref_slice %arg3[%add3A, %dma_start3A_48, %dma_start3A_49] : memref<32x50x100xi32, #tpu.memory_space<hbm>> -> memref<1x50x100xi32, #tpu.memory_space<hbm>>
      %dma_start3A_51 = tpu.memref_squeeze %dma_start3A_50 : memref<1x50x100xi32, #tpu.memory_space<hbm>> -> memref<50x100xi32, #tpu.memory_space<hbm>>
      tpu.enqueue_dma source(%dma_start3A_51 : memref<50x100xi32, #tpu.memory_space<hbm>>) target(%arg6 : memref<50x100xi32, #tpu.memory_space<vmem>>) target_semaphore(%run_scoped3A : memref<!tpu.dma_semaphore, #tpu.memory_space<semaphore_mem>>)
      %dma_wait3A = arith.constant 0 : i32
      %dma_wait3A_52 = arith.constant 0 : i32
      %dma_wait3A_53 = tpu.memref_slice %arg3[%add3A, %dma_wait3A, %dma_wait3A_52] : memref<32x50x100xi32, #tpu.memory_space<hbm>> -> memref<1x50x100xi32, #tpu.memory_space<hbm>>
      %dma_wait3A_54 = tpu.memref_squeeze %dma_wait3A_53 : memref<1x50x100xi32, #tpu.memory_space<hbm>> -> memref<50x100xi32, #tpu.memory_space<hbm>>
      %dma_wait3A_55 = arith.constant 0 : i32
      %dma_wait3A_56 = arith.constant 0 : i32
      %dma_wait3A_57 = tpu.memref_slice %arg3[%add3A, %dma_wait3A_55, %dma_wait3A_56] : memref<32x50x100xi32, #tpu.memory_space<hbm>> -> memref<1x50x100xi32, #tpu.memory_space<hbm>>
      %dma_wait3A_58 = tpu.memref_squeeze %dma_wait3A_57 : memref<1x50x100xi32, #tpu.memory_space<hbm>> -> memref<50x100xi32, #tpu.memory_space<hbm>>
      tpu.wait_dma2 semaphore(%run_scoped3A : memref<!tpu.dma_semaphore, #tpu.memory_space<semaphore_mem>>) src(%dma_wait3A_58 : memref<50x100xi32, #tpu.memory_space<hbm>>) dst(%arg6 : memref<50x100xi32, #tpu.memory_space<vmem>>)
      tpu.yield
    }) : () -> ()
    %broadcast_in_dim3A = arith.constant 0.000000e+00 : f32
    %broadcast_in_dim3A_1 = vector.broadcast %broadcast_in_dim3A : f32 to vector<16xf32>
    %scan3A = arith.constant 0 : i32
    %scan3A_2 = arith.constant 100 : i32
    %scan3A_3 = arith.addi %scan3A, %scan3A_2 : i32
    %scan3A_4 = arith.constant 1 : i32
    scf.for %scan3A_45 = %scan3A to %scan3A_3 step %scan3A_4  : i32 {
      %swap3A = arith.index_cast %scan3A_45 : i32 to index
      %swap3A_46 = arith.constant 0 : index
      %swap3A_47 = tpu.vector_load %arg7[%swap3A, %swap3A_46] {strides = array<i32>} : memref<100x32xf32, #tpu.memory_space<vmem>>, vector<1x16xf32>,
      %swap3A_48 = vector.shape_cast %swap3A_47 : vector<1x16xf32> to vector<16xf32>
      %swap3A_49 = vector.shape_cast %broadcast_in_dim3A_1 : vector<16xf32> to vector<1x16xf32>
      tpu.vector_store %arg7[%swap3A, %swap3A_46], %swap3A_49 {strides = array<i32>} : memref<100x32xf32, #tpu.memory_space<vmem>>, vector<1x16xf32>,
      %swap3A_50 = arith.index_cast %scan3A_45 : i32 to index
      %swap3A_51 = arith.constant 16 : index
      %swap3A_52 = tpu.vector_load %arg7[%swap3A_50, %swap3A_51] {strides = array<i32>} : memref<100x32xf32, #tpu.memory_space<vmem>>, vector<1x16xf32>,
      %swap3A_53 = vector.shape_cast %swap3A_52 : vector<1x16xf32> to vector<16xf32>
      %swap3A_54 = vector.shape_cast %broadcast_in_dim3A_1 : vector<16xf32> to vector<1x16xf32>
      tpu.vector_store %arg7[%swap3A_50, %swap3A_51], %swap3A_54 {strides = array<i32>} : memref<100x32xf32, #tpu.memory_space<vmem>>, vector<1x16xf32>,
    }
    %scan3A_5 = arith.constant 100 : i32
    %mul3A_6 = arith.constant 640 : i32
    %mul3A_7 = arith.muli %arg1, %mul3A_6 : i32
    %lt3A = arith.constant 15 : i32
    %lt3A_8 = arith.cmpi slt, %arg1, %lt3A : i32
    %jit3A = arith.constant 8 : i32
    %jit3A_9 = arith.constant 5 : i32
    %select_n3A = arith.select %lt3A_8, %jit3A, %jit3A_9 : i32
    %while3A = arith.constant 0 : i32
    %while3A_10 = arith.subi %select_n3A, %while3A : i32
    %while3A_11 = arith.addi %while3A, %while3A_10 : i32
    %while3A_12 = arith.constant 1 : i32
    %while3A_13 = arith.divsi %while3A_10, %while3A_12 : i32
    %while3A_14 = arith.muli %while3A_13, %while3A_12 : i32
    %while3A_15 = arith.addi %while3A, %while3A_14 : i32
    %while3A_16 = arith.constant 1 : i32
    scf.for %while3A_45 = %while3A to %while3A_15 step %while3A_16  : i32 {
      %mul3A_46 = arith.constant 80 : i32
      %mul3A_47 = arith.muli %while3A_45, %mul3A_46 : i32
      %add3A_48 = arith.addi %mul3A_7, %mul3A_47 : i32
      "tpu.region"() ({
        %run_scoped3A = tpu.sem_alloc : memref<!tpu.dma_semaphore, #tpu.memory_space<semaphore_mem>>
        %dma_start3A = arith.constant 0 : i32
        %dma_start3A_49 = arith.constant 0 : i32
        %dma_start3A_50 = tpu.memref_slice %arg7[%dma_start3A, %dma_start3A_49] : memref<100x32xf32, #tpu.memory_space<vmem>> -> memref<80x32xf32, #tpu.memory_space<vmem>>
        %dma_start3A_51 = arith.constant 0 : i32
        %dma_start3A_52 = tpu.memref_slice %arg5[%add3A_48, %dma_start3A_51] : memref<10000x32xf32, #tpu.memory_space<vmem_shared>> -> memref<80x32xf32, #tpu.memory_space<vmem_shared>>
        %dma_start3A_53 = arith.constant 0 : i32
        %dma_start3A_54 = tpu.memref_slice %arg5[%add3A_48, %dma_start3A_53] : memref<10000x32xf32, #tpu.memory_space<vmem_shared>> -> memref<80x32xf32, #tpu.memory_space<vmem_shared>>
        %dma_start3A_55 = arith.constant 0 : i32
        %dma_start3A_56 = arith.constant 0 : i32
        %dma_start3A_57 = tpu.memref_slice %arg7[%dma_start3A_55, %dma_start3A_56] : memref<100x32xf32, #tpu.memory_space<vmem>> -> memref<80x32xf32, #tpu.memory_space<vmem>>
        tpu.enqueue_dma source(%dma_start3A_57 : memref<80x32xf32, #tpu.memory_space<vmem>>) target(%dma_start3A_54 : memref<80x32xf32, #tpu.memory_space<vmem_shared>>) target_semaphore(%run_scoped3A : memref<!tpu.dma_semaphore, #tpu.memory_space<semaphore_mem>>)
        %dma_wait3A = arith.constant 0 : i32
        %dma_wait3A_58 = arith.constant 0 : i32
        %dma_wait3A_59 = tpu.memref_slice %arg7[%dma_wait3A, %dma_wait3A_58] : memref<100x32xf32, #tpu.memory_space<vmem>> -> memref<80x32xf32, #tpu.memory_space<vmem>>
        %dma_wait3A_60 = arith.constant 0 : i32
        %dma_wait3A_61 = tpu.memref_slice %arg5[%add3A_48, %dma_wait3A_60] : memref<10000x32xf32, #tpu.memory_space<vmem_shared>> -> memref<80x32xf32, #tpu.memory_space<vmem_shared>>
        %dma_wait3A_62 = arith.constant 0 : i32
        %dma_wait3A_63 = tpu.memref_slice %arg5[%add3A_48, %dma_wait3A_62] : memref<10000x32xf32, #tpu.memory_space<vmem_shared>> -> memref<80x32xf32, #tpu.memory_space<vmem_shared>>
        %dma_wait3A_64 = arith.constant 0 : i32
        %dma_wait3A_65 = arith.constant 0 : i32
        %dma_wait3A_66 = tpu.memref_slice %arg7[%dma_wait3A_64, %dma_wait3A_65] : memref<100x32xf32, #tpu.memory_space<vmem>> -> memref<80x32xf32, #tpu.memory_space<vmem>>
        tpu.wait_dma2 semaphore(%run_scoped3A : memref<!tpu.dma_semaphore, #tpu.memory_space<semaphore_mem>>) src(%dma_wait3A_66 : memref<80x32xf32, #tpu.memory_space<vmem>>) dst(%dma_wait3A_63 : memref<80x32xf32, #tpu.memory_space<vmem_shared>>)
        tpu.yield
      }) : () -> ()
    }
    %while3A_17 = arith.constant 1 : i32
    scf.for %while3A_45 = %while3A_15 to %while3A_11 step %while3A_17  : i32 {
      %mul3A_46 = arith.constant 80 : i32
      %mul3A_47 = arith.muli %while3A_45, %mul3A_46 : i32
      %add3A_48 = arith.addi %mul3A_7, %mul3A_47 : i32
      "tpu.region"() ({
        %run_scoped3A = tpu.sem_alloc : memref<!tpu.dma_semaphore, #tpu.memory_space<semaphore_mem>>
        %dma_start3A = arith.constant 0 : i32
        %dma_start3A_49 = arith.constant 0 : i32
        %dma_start3A_50 = tpu.memref_slice %arg7[%dma_start3A, %dma_start3A_49] : memref<100x32xf32, #tpu.memory_space<vmem>> -> memref<80x32xf32, #tpu.memory_space<vmem>>
        %dma_start3A_51 = arith.constant 0 : i32
        %dma_start3A_52 = tpu.memref_slice %arg5[%add3A_48, %dma_start3A_51] : memref<10000x32xf32, #tpu.memory_space<vmem_shared>> -> memref<80x32xf32, #tpu.memory_space<vmem_shared>>
        %dma_start3A_53 = arith.constant 0 : i32
        %dma_start3A_54 = tpu.memref_slice %arg5[%add3A_48, %dma_start3A_53] : memref<10000x32xf32, #tpu.memory_space<vmem_shared>> -> memref<80x32xf32, #tpu.memory_space<vmem_shared>>
        %dma_start3A_55 = arith.constant 0 : i32
        %dma_start3A_56 = arith.constant 0 : i32
        %dma_start3A_57 = tpu.memref_slice %arg7[%dma_start3A_55, %dma_start3A_56] : memref<100x32xf32, #tpu.memory_space<vmem>> -> memref<80x32xf32, #tpu.memory_space<vmem>>
        tpu.enqueue_dma source(%dma_start3A_57 : memref<80x32xf32, #tpu.memory_space<vmem>>) target(%dma_start3A_54 : memref<80x32xf32, #tpu.memory_space<vmem_shared>>) target_semaphore(%run_scoped3A : memref<!tpu.dma_semaphore, #tpu.memory_space<semaphore_mem>>)
        %dma_wait3A = arith.constant 0 : i32
        %dma_wait3A_58 = arith.constant 0 : i32
        %dma_wait3A_59 = tpu.memref_slice %arg7[%dma_wait3A, %dma_wait3A_58] : memref<100x32xf32, #tpu.memory_space<vmem>> -> memref<80x32xf32, #tpu.memory_space<vmem>>
        %dma_wait3A_60 = arith.constant 0 : i32
        %dma_wait3A_61 = tpu.memref_slice %arg5[%add3A_48, %dma_wait3A_60] : memref<10000x32xf32, #tpu.memory_space<vmem_shared>> -> memref<80x32xf32, #tpu.memory_space<vmem_shared>>
        %dma_wait3A_62 = arith.constant 0 : i32
        %dma_wait3A_63 = tpu.memref_slice %arg5[%add3A_48, %dma_wait3A_62] : memref<10000x32xf32, #tpu.memory_space<vmem_shared>> -> memref<80x32xf32, #tpu.memory_space<vmem_shared>>
        %dma_wait3A_64 = arith.constant 0 : i32
        %dma_wait3A_65 = arith.constant 0 : i32
        %dma_wait3A_66 = tpu.memref_slice %arg7[%dma_wait3A_64, %dma_wait3A_65] : memref<100x32xf32, #tpu.memory_space<vmem>> -> memref<80x32xf32, #tpu.memory_space<vmem>>
        tpu.wait_dma2 semaphore(%run_scoped3A : memref<!tpu.dma_semaphore, #tpu.memory_space<semaphore_mem>>) src(%dma_wait3A_66 : memref<80x32xf32, #tpu.memory_space<vmem>>) dst(%dma_wait3A_63 : memref<80x32xf32, #tpu.memory_space<vmem_shared>>)
        tpu.yield
      }) : () -> ()
    }
    %iota3A = tpu.iota {dimensions = array<i32: 0>} : vector<16xi32>
    %eq3A = arith.constant 0 : i32
    %eq3A_18 = vector.broadcast %eq3A : i32 to vector<16xi32>
    %eq3A_19 = arith.cmpi eq, %iota3A, %eq3A_18 : vector<16xi32>
    %jit3A_20 = arith.constant 1.000000e+00 : f32
    %jit3A_21 = arith.constant 0.000000e+00 : f32
    %broadcast_in_dim3A_22 = vector.broadcast %jit3A_20 : f32 to vector<16xf32>
    %broadcast_in_dim3A_23 = vector.broadcast %jit3A_21 : f32 to vector<16xf32>
    %select_n3A_24 = arith.select %eq3A_19, %broadcast_in_dim3A_22, %broadcast_in_dim3A_23 : vector<16xi1>, vector<16xf32>
    %scan3A_25 = arith.constant 0 : i32
    %scan3A_26 = arith.constant 100 : i32
    %scan3A_27 = arith.addi %scan3A_25, %scan3A_26 : i32
    %scan3A_28 = arith.constant 1 : i32
    scf.for %scan3A_45 = %scan3A_25 to %scan3A_27 step %scan3A_28  : i32 {
      %swap3A = arith.index_cast %scan3A_45 : i32 to index
      %swap3A_46 = arith.constant 16 : index
      %swap3A_47 = tpu.vector_load %arg7[%swap3A, %swap3A_46] {strides = array<i32>} : memref<100x32xf32, #tpu.memory_space<vmem>>, vector<1x16xf32>,
      %swap3A_48 = vector.shape_cast %swap3A_47 : vector<1x16xf32> to vector<16xf32>
      %swap3A_49 = vector.shape_cast %select_n3A_24 : vector<16xf32> to vector<1x16xf32>
      tpu.vector_store %arg7[%swap3A, %swap3A_46], %swap3A_49 {strides = array<i32>} : memref<100x32xf32, #tpu.memory_space<vmem>>, vector<1x16xf32>,
    }
    %scan3A_29 = arith.constant 100 : i32
    %barrier3A = arith.constant 0 : index
    tpu.barrier barrier_id(%barrier3A)
    %scan3A_30 = arith.constant 0 : i32
    %scan3A_31 = arith.constant 50 : i32
    %scan3A_32 = arith.addi %scan3A_30, %scan3A_31 : i32
    %scan3A_33 = arith.constant 1 : i32
    scf.for %scan3A_45 = %scan3A_30 to %scan3A_32 step %scan3A_33  : i32 {
      "tpu.region"() ({
        %run_scoped3A = tpu.sem_alloc : memref<!tpu.dma_semaphore, #tpu.memory_space<semaphore_mem>>
        %dma_start3A = arith.constant 0 : i32
        %dma_start3A_46 = arith.constant 0 : i32
        %dma_start3A_47 = tpu.memref_slice %arg7[%dma_start3A, %dma_start3A_46] : memref<100x32xf32, #tpu.memory_space<vmem>> -> memref<100x16xf32, #tpu.memory_space<vmem>>
        %dma_start3A_48 = arith.constant 0 : i32
        %dma_start3A_49 = arith.constant 0 : i32
        %dma_start3A_50 = arith.constant 0 : i32
        %dma_start3A_51 = tpu.memref_slice %arg2[%add3A, %dma_start3A_48, %dma_start3A_49, %dma_start3A_50] : memref<32x50x100x16xf32, #tpu.memory_space<hbm>> -> memref<1x50x100x16xf32, #tpu.memory_space<hbm>>
        %dma_start3A_52 = tpu.memref_squeeze %dma_start3A_51 : memref<1x50x100x16xf32, #tpu.memory_space<hbm>> -> memref<50x100x16xf32, #tpu.memory_space<hbm>>
        %dma_start3A_53 = arith.constant 0 : i32
        %dma_start3A_54 = arith.constant 0 : i32
        %dma_start3A_55 = tpu.memref_slice %dma_start3A_52[%scan3A_45, %dma_start3A_53, %dma_start3A_54] : memref<50x100x16xf32, #tpu.memory_space<hbm>> -> memref<1x100x16xf32, #tpu.memory_space<hbm>>
        %dma_start3A_56 = tpu.memref_squeeze %dma_start3A_55 : memref<1x100x16xf32, #tpu.memory_space<hbm>> -> memref<100x16xf32, #tpu.memory_space<hbm>>
        %dma_start3A_57 = arith.constant 0 : i32
        %dma_start3A_58 = arith.constant 0 : i32
        %dma_start3A_59 = tpu.memref_slice %arg7[%dma_start3A_57, %dma_start3A_58] : memref<100x32xf32, #tpu.memory_space<vmem>> -> memref<100x16xf32, #tpu.memory_space<vmem>>
        %dma_start3A_60 = arith.constant 0 : i32
        %dma_start3A_61 = arith.constant 0 : i32
        %dma_start3A_62 = arith.constant 0 : i32
        %dma_start3A_63 = tpu.memref_slice %arg2[%add3A, %dma_start3A_60, %dma_start3A_61, %dma_start3A_62] : memref<32x50x100x16xf32, #tpu.memory_space<hbm>> -> memref<1x50x100x16xf32, #tpu.memory_space<hbm>>
        %dma_start3A_64 = tpu.memref_squeeze %dma_start3A_63 : memref<1x50x100x16xf32, #tpu.memory_space<hbm>> -> memref<50x100x16xf32, #tpu.memory_space<hbm>>
        %dma_start3A_65 = arith.constant 0 : i32
        %dma_start3A_66 = arith.constant 0 : i32
        %dma_start3A_67 = tpu.memref_slice %dma_start3A_64[%scan3A_45, %dma_start3A_65, %dma_start3A_66] : memref<50x100x16xf32, #tpu.memory_space<hbm>> -> memref<1x100x16xf32, #tpu.memory_space<hbm>>
        %dma_start3A_68 = tpu.memref_squeeze %dma_start3A_67 : memref<1x100x16xf32, #tpu.memory_space<hbm>> -> memref<100x16xf32, #tpu.memory_space<hbm>>
        tpu.enqueue_dma source(%dma_start3A_68 : memref<100x16xf32, #tpu.memory_space<hbm>>) target(%dma_start3A_59 : memref<100x16xf32, #tpu.memory_space<vmem>>) target_semaphore(%run_scoped3A : memref<!tpu.dma_semaphore, #tpu.memory_space<semaphore_mem>>)
        %dma_wait3A = arith.constant 0 : i32
        %dma_wait3A_69 = arith.constant 0 : i32
        %dma_wait3A_70 = tpu.memref_slice %arg7[%dma_wait3A, %dma_wait3A_69] : memref<100x32xf32, #tpu.memory_space<vmem>> -> memref<100x16xf32, #tpu.memory_space<vmem>>
        %dma_wait3A_71 = arith.constant 0 : i32
        %dma_wait3A_72 = arith.constant 0 : i32
        %dma_wait3A_73 = arith.constant 0 : i32
        %dma_wait3A_74 = tpu.memref_slice %arg2[%add3A, %dma_wait3A_71, %dma_wait3A_72, %dma_wait3A_73] : memref<32x50x100x16xf32, #tpu.memory_space<hbm>> -> memref<1x50x100x16xf32, #tpu.memory_space<hbm>>
        %dma_wait3A_75 = tpu.memref_squeeze %dma_wait3A_74 : memref<1x50x100x16xf32, #tpu.memory_space<hbm>> -> memref<50x100x16xf32, #tpu.memory_space<hbm>>
        %dma_wait3A_76 = arith.constant 0 : i32
        %dma_wait3A_77 = arith.constant 0 : i32
        %dma_wait3A_78 = tpu.memref_slice %dma_wait3A_75[%scan3A_45, %dma_wait3A_76, %dma_wait3A_77] : memref<50x100x16xf32, #tpu.memory_space<hbm>> -> memref<1x100x16xf32, #tpu.memory_space<hbm>>
        %dma_wait3A_79 = tpu.memref_squeeze %dma_wait3A_78 : memref<1x100x16xf32, #tpu.memory_space<hbm>> -> memref<100x16xf32, #tpu.memory_space<hbm>>
        %dma_wait3A_80 = arith.constant 0 : i32
        %dma_wait3A_81 = arith.constant 0 : i32
        %dma_wait3A_82 = tpu.memref_slice %arg7[%dma_wait3A_80, %dma_wait3A_81] : memref<100x32xf32, #tpu.memory_space<vmem>> -> memref<100x16xf32, #tpu.memory_space<vmem>>
        %dma_wait3A_83 = arith.constant 0 : i32
        %dma_wait3A_84 = arith.constant 0 : i32
        %dma_wait3A_85 = arith.constant 0 : i32
        %dma_wait3A_86 = tpu.memref_slice %arg2[%add3A, %dma_wait3A_83, %dma_wait3A_84, %dma_wait3A_85] : memref<32x50x100x16xf32, #tpu.memory_space<hbm>> -> memref<1x50x100x16xf32, #tpu.memory_space<hbm>>
        %dma_wait3A_87 = tpu.memref_squeeze %dma_wait3A_86 : memref<1x50x100x16xf32, #tpu.memory_space<hbm>> -> memref<50x100x16xf32, #tpu.memory_space<hbm>>
        %dma_wait3A_88 = arith.constant 0 : i32
        %dma_wait3A_89 = arith.constant 0 : i32
        %dma_wait3A_90 = tpu.memref_slice %dma_wait3A_87[%scan3A_45, %dma_wait3A_88, %dma_wait3A_89] : memref<50x100x16xf32, #tpu.memory_space<hbm>> -> memref<1x100x16xf32, #tpu.memory_space<hbm>>
        %dma_wait3A_91 = tpu.memref_squeeze %dma_wait3A_90 : memref<1x100x16xf32, #tpu.memory_space<hbm>> -> memref<100x16xf32, #tpu.memory_space<hbm>>
        tpu.wait_dma2 semaphore(%run_scoped3A : memref<!tpu.dma_semaphore, #tpu.memory_space<semaphore_mem>>) src(%dma_wait3A_91 : memref<100x16xf32, #tpu.memory_space<hbm>>) dst(%dma_wait3A_82 : memref<100x16xf32, #tpu.memory_space<vmem>>)
        tpu.yield
      }) : () -> ()
      "tpu.region"() ({
        %run_scoped3A = tpu.sem_alloc : memref<!tpu.dma_semaphore, #tpu.memory_space<semaphore_mem>>
        %dma_start3A = arith.constant 0 : i32
        %dma_start3A_46 = tpu.memref_slice %arg6[%scan3A_45, %dma_start3A] : memref<50x100xi32, #tpu.memory_space<vmem>> -> memref<1x100xi32, #tpu.memory_space<vmem>>
        %dma_start3A_47 = tpu.memref_squeeze %dma_start3A_46 : memref<1x100xi32, #tpu.memory_space<vmem>> -> memref<100xi32, #tpu.memory_space<vmem>>
        %dma_start3A_48 = arith.constant 0 : i32
        %dma_start3A_49 = arith.constant 0 : i32
        %dma_start3A_50 = tpu.memref_slice %arg5[%dma_start3A_48, %dma_start3A_49] : memref<10000x32xf32, #tpu.memory_space<vmem_shared>> -> memref<10000x32xf32, #tpu.memory_space<vmem_shared>>
        tpu.enqueue_indirect_dma source(%arg7 : memref<100x32xf32, #tpu.memory_space<vmem>>) target(%dma_start3A_50 : memref<10000x32xf32, #tpu.memory_space<vmem_shared>>) offsets(%dma_start3A_47 : memref<100xi32, #tpu.memory_space<vmem>>) semaphore(%run_scoped3A : memref<!tpu.dma_semaphore, #tpu.memory_space<semaphore_mem>>) {add = true}
        %dma_wait3A = arith.constant 0 : i32
        %dma_wait3A_51 = tpu.memref_slice %arg6[%scan3A_45, %dma_wait3A] : memref<50x100xi32, #tpu.memory_space<vmem>> -> memref<1x100xi32, #tpu.memory_space<vmem>>
        %dma_wait3A_52 = tpu.memref_squeeze %dma_wait3A_51 : memref<1x100xi32, #tpu.memory_space<vmem>> -> memref<100xi32, #tpu.memory_space<vmem>>
        %dma_wait3A_53 = arith.constant 0 : i32
        %dma_wait3A_54 = arith.constant 0 : i32
        %dma_wait3A_55 = tpu.memref_slice %arg5[%dma_wait3A_53, %dma_wait3A_54] : memref<10000x32xf32, #tpu.memory_space<vmem_shared>> -> memref<10000x32xf32, #tpu.memory_space<vmem_shared>>
        tpu.wait_indirect_dma semaphore(%run_scoped3A : memref<!tpu.dma_semaphore, #tpu.memory_space<semaphore_mem>>) src(%arg7 : memref<100x32xf32, #tpu.memory_space<vmem>>) dst(%dma_wait3A_55 : memref<10000x32xf32, #tpu.memory_space<vmem_shared>>)
        tpu.yield
      }) : () -> ()
    }
    %scan3A_34 = arith.constant 50 : i32
    %barrier3A_35 = arith.constant 0 : index
    tpu.barrier barrier_id(%barrier3A_35)
    %while3A_36 = arith.constant 0 : i32
    %while3A_37 = arith.subi %select_n3A, %while3A_36 : i32
    %while3A_38 = arith.addi %while3A_36, %while3A_37 : i32
    %while3A_39 = arith.constant 1 : i32
    %while3A_40 = arith.divsi %while3A_37, %while3A_39 : i32
    %while3A_41 = arith.muli %while3A_40, %while3A_39 : i32
    %while3A_42 = arith.addi %while3A_36, %while3A_41 : i32
    %while3A_43 = arith.constant 1 : i32
    scf.for %while3A_45 = %while3A_36 to %while3A_42 step %while3A_43  : i32 {
      %mul3A_46 = arith.constant 80 : i32
      %mul3A_47 = arith.muli %while3A_45, %mul3A_46 : i32
      %add3A_48 = arith.addi %mul3A_7, %mul3A_47 : i32
      %mul3A_49 = arith.constant 80 : i32
      %mul3A_50 = arith.muli %while3A_45, %mul3A_49 : i32
      %add3A_51 = arith.addi %mul3A_7, %mul3A_50 : i32
      "tpu.region"() ({
        %run_scoped3A = tpu.sem_alloc : memref<!tpu.dma_semaphore, #tpu.memory_space<semaphore_mem>>
        %dma_start3A = arith.constant 0 : i32
        %dma_start3A_52 = arith.constant 0 : i32
        %dma_start3A_53 = tpu.memref_slice %arg4[%arg0, %dma_start3A, %dma_start3A_52] : memref<2x10000x32xf32, #tpu.memory_space<hbm>> -> memref<1x10000x32xf32, #tpu.memory_space<hbm>>
        %dma_start3A_54 = tpu.memref_squeeze %dma_start3A_53 : memref<1x10000x32xf32, #tpu.memory_space<hbm>> -> memref<10000x32xf32, #tpu.memory_space<hbm>>
        %dma_start3A_55 = arith.constant 0 : i32
        %dma_start3A_56 = tpu.memref_slice %dma_start3A_54[%add3A_51, %dma_start3A_55] : memref<10000x32xf32, #tpu.memory_space<hbm>> -> memref<80x32xf32, #tpu.memory_space<hbm>>
        %dma_start3A_57 = arith.constant 0 : i32
        %dma_start3A_58 = tpu.memref_slice %arg5[%add3A_48, %dma_start3A_57] : memref<10000x32xf32, #tpu.memory_space<vmem_shared>> -> memref<80x32xf32, #tpu.memory_space<vmem_shared>>
        tpu.enqueue_dma source(%dma_start3A_58 : memref<80x32xf32, #tpu.memory_space<vmem_shared>>) target(%dma_start3A_56 : memref<80x32xf32, #tpu.memory_space<hbm>>) target_semaphore(%run_scoped3A : memref<!tpu.dma_semaphore, #tpu.memory_space<semaphore_mem>>)
        %dma_wait3A = arith.constant 0 : i32
        %dma_wait3A_59 = arith.constant 0 : i32
        %dma_wait3A_60 = tpu.memref_slice %arg4[%arg0, %dma_wait3A, %dma_wait3A_59] : memref<2x10000x32xf32, #tpu.memory_space<hbm>> -> memref<1x10000x32xf32, #tpu.memory_space<hbm>>
        %dma_wait3A_61 = tpu.memref_squeeze %dma_wait3A_60 : memref<1x10000x32xf32, #tpu.memory_space<hbm>> -> memref<10000x32xf32, #tpu.memory_space<hbm>>
        %dma_wait3A_62 = arith.constant 0 : i32
        %dma_wait3A_63 = tpu.memref_slice %dma_wait3A_61[%add3A_51, %dma_wait3A_62] : memref<10000x32xf32, #tpu.memory_space<hbm>> -> memref<80x32xf32, #tpu.memory_space<hbm>>
        %dma_wait3A_64 = arith.constant 0 : i32
        %dma_wait3A_65 = tpu.memref_slice %arg5[%add3A_48, %dma_wait3A_64] : memref<10000x32xf32, #tpu.memory_space<vmem_shared>> -> memref<80x32xf32, #tpu.memory_space<vmem_shared>>
        tpu.wait_dma2 semaphore(%run_scoped3A : memref<!tpu.dma_semaphore, #tpu.memory_space<semaphore_mem>>) src(%dma_wait3A_65 : memref<80x32xf32, #tpu.memory_space<vmem_shared>>) dst(%dma_wait3A_63 : memref<80x32xf32, #tpu.memory_space<hbm>>)
        tpu.yield
      }) : () -> ()
    }
    %while3A_44 = arith.constant 1 : i32
    scf.for %while3A_45 = %while3A_42 to %while3A_38 step %while3A_44  : i32 {
      %mul3A_46 = arith.constant 80 : i32
      %mul3A_47 = arith.muli %while3A_45, %mul3A_46 : i32
      %add3A_48 = arith.addi %mul3A_7, %mul3A_47 : i32
      %mul3A_49 = arith.constant 80 : i32
      %mul3A_50 = arith.muli %while3A_45, %mul3A_49 : i32
      %add3A_51 = arith.addi %mul3A_7, %mul3A_50 : i32
      "tpu.region"() ({
        %run_scoped3A = tpu.sem_alloc : memref<!tpu.dma_semaphore, #tpu.memory_space<semaphore_mem>>
        %dma_start3A = arith.constant 0 : i32
        %dma_start3A_52 = arith.constant 0 : i32
        %dma_start3A_53 = tpu.memref_slice %arg4[%arg0, %dma_start3A, %dma_start3A_52] : memref<2x10000x32xf32, #tpu.memory_space<hbm>> -> memref<1x10000x32xf32, #tpu.memory_space<hbm>>
        %dma_start3A_54 = tpu.memref_squeeze %dma_start3A_53 : memref<1x10000x32xf32, #tpu.memory_space<hbm>> -> memref<10000x32xf32, #tpu.memory_space<hbm>>
        %dma_start3A_55 = arith.constant 0 : i32
        %dma_start3A_56 = tpu.memref_slice %dma_start3A_54[%add3A_51, %dma_start3A_55] : memref<10000x32xf32, #tpu.memory_space<hbm>> -> memref<80x32xf32, #tpu.memory_space<hbm>>
        %dma_start3A_57 = arith.constant 0 : i32
        %dma_start3A_58 = tpu.memref_slice %arg5[%add3A_48, %dma_start3A_57] : memref<10000x32xf32, #tpu.memory_space<vmem_shared>> -> memref<80x32xf32, #tpu.memory_space<vmem_shared>>
        tpu.enqueue_dma source(%dma_start3A_58 : memref<80x32xf32, #tpu.memory_space<vmem_shared>>) target(%dma_start3A_56 : memref<80x32xf32, #tpu.memory_space<hbm>>) target_semaphore(%run_scoped3A : memref<!tpu.dma_semaphore, #tpu.memory_space<semaphore_mem>>)
        %dma_wait3A = arith.constant 0 : i32
        %dma_wait3A_59 = arith.constant 0 : i32
        %dma_wait3A_60 = tpu.memref_slice %arg4[%arg0, %dma_wait3A, %dma_wait3A_59] : memref<2x10000x32xf32, #tpu.memory_space<hbm>> -> memref<1x10000x32xf32, #tpu.memory_space<hbm>>
        %dma_wait3A_61 = tpu.memref_squeeze %dma_wait3A_60 : memref<1x10000x32xf32, #tpu.memory_space<hbm>> -> memref<10000x32xf32, #tpu.memory_space<hbm>>
        %dma_wait3A_62 = arith.constant 0 : i32
        %dma_wait3A_63 = tpu.memref_slice %dma_wait3A_61[%add3A_51, %dma_wait3A_62] : memref<10000x32xf32, #tpu.memory_space<hbm>> -> memref<80x32xf32, #tpu.memory_space<hbm>>
        %dma_wait3A_64 = arith.constant 0 : i32
        %dma_wait3A_65 = tpu.memref_slice %arg5[%add3A_48, %dma_wait3A_64] : memref<10000x32xf32, #tpu.memory_space<vmem_shared>> -> memref<80x32xf32, #tpu.memory_space<vmem_shared>>
        tpu.wait_dma2 semaphore(%run_scoped3A : memref<!tpu.dma_semaphore, #tpu.memory_space<semaphore_mem>>) src(%dma_wait3A_65 : memref<80x32xf32, #tpu.memory_space<vmem_shared>>) dst(%dma_wait3A_63 : memref<80x32xf32, #tpu.memory_space<hbm>>)
        tpu.yield
      }) : () -> ()
    }
    return
  }
}

#map = affine_map<(d0, d1) -> (0, 0)>
#map1 = affine_map<(d0, d1) -> (0, 0, 0)>
module attributes {stable_mosaic.version = 14 : i64} {
  func.func @_gs_body(%arg0: i32, %arg1: i32, %arg2: memref<10000x128xf32, #tpu.memory_space<hbm>>, %arg3: memref<32x50x100xi32, #tpu.memory_space<hbm>>, %arg4: memref<32x50x100xi32, #tpu.memory_space<hbm>>, %arg5: memref<2x10000x128xf32, #tpu.memory_space<hbm>>, %arg6: memref<10000x128xf32, #tpu.memory_space<vmem_shared>>, %arg7: memref<50x100xi32, #tpu.memory_space<vmem>>, %arg8: memref<50x100xi32, #tpu.memory_space<vmem>>, %arg9: memref<100x128xf32, #tpu.memory_space<vmem>>, %arg10: memref<100x128xf32, #tpu.memory_space<vmem>>, %arg11: memref<!tpu.dma_semaphore, #tpu.memory_space<semaphore_mem>>, %arg12: memref<!tpu.dma_semaphore, #tpu.memory_space<semaphore_mem>>) attributes {dimension_semantics = [#tpu.dimension_semantics<core_parallel>, #tpu.dimension_semantics<subcore_parallel>], iteration_bounds = array<i64: 2, 16>, scalar_prefetch = 0 : i64, scratch_operands = 7 : i64, tpu.core_type = #tpu.core_type<sc_vector_subcore>, window_params = [{transform_indices = #map}, {transform_indices = #map1}, {transform_indices = #map1}, {transform_indices = #map1}]} {
    %mul3A = arith.constant 16 : i32
    %mul3A_0 = arith.muli %arg0, %mul3A : i32
    %add3A = arith.addi %mul3A_0, %arg1 : i32
    "tpu.region"() ({
      %run_scoped3A = tpu.sem_alloc : memref<!tpu.dma_semaphore, #tpu.memory_space<semaphore_mem>>
      %dma_start3A_39 = arith.constant 0 : i32
      %dma_start3A_40 = arith.constant 0 : i32
      %dma_start3A_41 = tpu.memref_slice %arg3[%add3A, %dma_start3A_39, %dma_start3A_40] : memref<32x50x100xi32, #tpu.memory_space<hbm>> -> memref<1x50x100xi32, #tpu.memory_space<hbm>>
      %dma_start3A_42 = tpu.memref_squeeze %dma_start3A_41 : memref<1x50x100xi32, #tpu.memory_space<hbm>> -> memref<50x100xi32, #tpu.memory_space<hbm>>
      %dma_start3A_43 = arith.constant 0 : i32
      %dma_start3A_44 = arith.constant 0 : i32
      %dma_start3A_45 = tpu.memref_slice %arg3[%add3A, %dma_start3A_43, %dma_start3A_44] : memref<32x50x100xi32, #tpu.memory_space<hbm>> -> memref<1x50x100xi32, #tpu.memory_space<hbm>>
      %dma_start3A_46 = tpu.memref_squeeze %dma_start3A_45 : memref<1x50x100xi32, #tpu.memory_space<hbm>> -> memref<50x100xi32, #tpu.memory_space<hbm>>
      tpu.enqueue_dma source(%dma_start3A_46 : memref<50x100xi32, #tpu.memory_space<hbm>>) target(%arg7 : memref<50x100xi32, #tpu.memory_space<vmem>>) target_semaphore(%run_scoped3A : memref<!tpu.dma_semaphore, #tpu.memory_space<semaphore_mem>>)
      %dma_wait3A = arith.constant 0 : i32
      %dma_wait3A_47 = arith.constant 0 : i32
      %dma_wait3A_48 = tpu.memref_slice %arg3[%add3A, %dma_wait3A, %dma_wait3A_47] : memref<32x50x100xi32, #tpu.memory_space<hbm>> -> memref<1x50x100xi32, #tpu.memory_space<hbm>>
      %dma_wait3A_49 = tpu.memref_squeeze %dma_wait3A_48 : memref<1x50x100xi32, #tpu.memory_space<hbm>> -> memref<50x100xi32, #tpu.memory_space<hbm>>
      %dma_wait3A_50 = arith.constant 0 : i32
      %dma_wait3A_51 = arith.constant 0 : i32
      %dma_wait3A_52 = tpu.memref_slice %arg3[%add3A, %dma_wait3A_50, %dma_wait3A_51] : memref<32x50x100xi32, #tpu.memory_space<hbm>> -> memref<1x50x100xi32, #tpu.memory_space<hbm>>
      %dma_wait3A_53 = tpu.memref_squeeze %dma_wait3A_52 : memref<1x50x100xi32, #tpu.memory_space<hbm>> -> memref<50x100xi32, #tpu.memory_space<hbm>>
      tpu.wait_dma2 semaphore(%run_scoped3A : memref<!tpu.dma_semaphore, #tpu.memory_space<semaphore_mem>>) src(%dma_wait3A_53 : memref<50x100xi32, #tpu.memory_space<hbm>>) dst(%arg7 : memref<50x100xi32, #tpu.memory_space<vmem>>)
      tpu.yield
    }) : () -> ()
    "tpu.region"() ({
      %run_scoped3A = tpu.sem_alloc : memref<!tpu.dma_semaphore, #tpu.memory_space<semaphore_mem>>
      %dma_start3A_39 = arith.constant 0 : i32
      %dma_start3A_40 = arith.constant 0 : i32
      %dma_start3A_41 = tpu.memref_slice %arg4[%add3A, %dma_start3A_39, %dma_start3A_40] : memref<32x50x100xi32, #tpu.memory_space<hbm>> -> memref<1x50x100xi32, #tpu.memory_space<hbm>>
      %dma_start3A_42 = tpu.memref_squeeze %dma_start3A_41 : memref<1x50x100xi32, #tpu.memory_space<hbm>> -> memref<50x100xi32, #tpu.memory_space<hbm>>
      %dma_start3A_43 = arith.constant 0 : i32
      %dma_start3A_44 = arith.constant 0 : i32
      %dma_start3A_45 = tpu.memref_slice %arg4[%add3A, %dma_start3A_43, %dma_start3A_44] : memref<32x50x100xi32, #tpu.memory_space<hbm>> -> memref<1x50x100xi32, #tpu.memory_space<hbm>>
      %dma_start3A_46 = tpu.memref_squeeze %dma_start3A_45 : memref<1x50x100xi32, #tpu.memory_space<hbm>> -> memref<50x100xi32, #tpu.memory_space<hbm>>
      tpu.enqueue_dma source(%dma_start3A_46 : memref<50x100xi32, #tpu.memory_space<hbm>>) target(%arg8 : memref<50x100xi32, #tpu.memory_space<vmem>>) target_semaphore(%run_scoped3A : memref<!tpu.dma_semaphore, #tpu.memory_space<semaphore_mem>>)
      %dma_wait3A = arith.constant 0 : i32
      %dma_wait3A_47 = arith.constant 0 : i32
      %dma_wait3A_48 = tpu.memref_slice %arg4[%add3A, %dma_wait3A, %dma_wait3A_47] : memref<32x50x100xi32, #tpu.memory_space<hbm>> -> memref<1x50x100xi32, #tpu.memory_space<hbm>>
      %dma_wait3A_49 = tpu.memref_squeeze %dma_wait3A_48 : memref<1x50x100xi32, #tpu.memory_space<hbm>> -> memref<50x100xi32, #tpu.memory_space<hbm>>
      %dma_wait3A_50 = arith.constant 0 : i32
      %dma_wait3A_51 = arith.constant 0 : i32
      %dma_wait3A_52 = tpu.memref_slice %arg4[%add3A, %dma_wait3A_50, %dma_wait3A_51] : memref<32x50x100xi32, #tpu.memory_space<hbm>> -> memref<1x50x100xi32, #tpu.memory_space<hbm>>
      %dma_wait3A_53 = tpu.memref_squeeze %dma_wait3A_52 : memref<1x50x100xi32, #tpu.memory_space<hbm>> -> memref<50x100xi32, #tpu.memory_space<hbm>>
      tpu.wait_dma2 semaphore(%run_scoped3A : memref<!tpu.dma_semaphore, #tpu.memory_space<semaphore_mem>>) src(%dma_wait3A_53 : memref<50x100xi32, #tpu.memory_space<hbm>>) dst(%arg8 : memref<50x100xi32, #tpu.memory_space<vmem>>)
      tpu.yield
    }) : () -> ()
    %broadcast_in_dim3A = arith.constant 0.000000e+00 : f32
    %broadcast_in_dim3A_1 = vector.broadcast %broadcast_in_dim3A : f32 to vector<16xf32>
    %scan3A = arith.constant 0 : i32
    %scan3A_2 = arith.constant 80 : i32
    %scan3A_3 = arith.addi %scan3A, %scan3A_2 : i32
    %scan3A_4 = arith.constant 1 : i32
    scf.for %scan3A_39 = %scan3A to %scan3A_3 step %scan3A_4  : i32 {
      %swap3A = arith.index_cast %scan3A_39 : i32 to index
      %swap3A_40 = arith.constant 0 : index
      %swap3A_41 = tpu.vector_load %arg9[%swap3A, %swap3A_40] {strides = array<i32>} : memref<100x128xf32, #tpu.memory_space<vmem>>, vector<1x16xf32>,
      %swap3A_42 = vector.shape_cast %swap3A_41 : vector<1x16xf32> to vector<16xf32>
      %swap3A_43 = vector.shape_cast %broadcast_in_dim3A_1 : vector<16xf32> to vector<1x16xf32>
      tpu.vector_store %arg9[%swap3A, %swap3A_40], %swap3A_43 {strides = array<i32>} : memref<100x128xf32, #tpu.memory_space<vmem>>, vector<1x16xf32>,
      %swap3A_44 = arith.index_cast %scan3A_39 : i32 to index
      %swap3A_45 = arith.constant 16 : index
      %swap3A_46 = tpu.vector_load %arg9[%swap3A_44, %swap3A_45] {strides = array<i32>} : memref<100x128xf32, #tpu.memory_space<vmem>>, vector<1x16xf32>,
      %swap3A_47 = vector.shape_cast %swap3A_46 : vector<1x16xf32> to vector<16xf32>
      %swap3A_48 = vector.shape_cast %broadcast_in_dim3A_1 : vector<16xf32> to vector<1x16xf32>
      tpu.vector_store %arg9[%swap3A_44, %swap3A_45], %swap3A_48 {strides = array<i32>} : memref<100x128xf32, #tpu.memory_space<vmem>>, vector<1x16xf32>,
      %swap3A_49 = arith.index_cast %scan3A_39 : i32 to index
      %swap3A_50 = arith.constant 32 : index
      %swap3A_51 = tpu.vector_load %arg9[%swap3A_49, %swap3A_50] {strides = array<i32>} : memref<100x128xf32, #tpu.memory_space<vmem>>, vector<1x16xf32>,
      %swap3A_52 = vector.shape_cast %swap3A_51 : vector<1x16xf32> to vector<16xf32>
      %swap3A_53 = vector.shape_cast %broadcast_in_dim3A_1 : vector<16xf32> to vector<1x16xf32>
      tpu.vector_store %arg9[%swap3A_49, %swap3A_50], %swap3A_53 {strides = array<i32>} : memref<100x128xf32, #tpu.memory_space<vmem>>, vector<1x16xf32>,
      %swap3A_54 = arith.index_cast %scan3A_39 : i32 to index
      %swap3A_55 = arith.constant 48 : index
      %swap3A_56 = tpu.vector_load %arg9[%swap3A_54, %swap3A_55] {strides = array<i32>} : memref<100x128xf32, #tpu.memory_space<vmem>>, vector<1x16xf32>,
      %swap3A_57 = vector.shape_cast %swap3A_56 : vector<1x16xf32> to vector<16xf32>
      %swap3A_58 = vector.shape_cast %broadcast_in_dim3A_1 : vector<16xf32> to vector<1x16xf32>
      tpu.vector_store %arg9[%swap3A_54, %swap3A_55], %swap3A_58 {strides = array<i32>} : memref<100x128xf32, #tpu.memory_space<vmem>>, vector<1x16xf32>,
      %swap3A_59 = arith.index_cast %scan3A_39 : i32 to index
      %swap3A_60 = arith.constant 64 : index
      %swap3A_61 = tpu.vector_load %arg9[%swap3A_59, %swap3A_60] {strides = array<i32>} : memref<100x128xf32, #tpu.memory_space<vmem>>, vector<1x16xf32>,
      %swap3A_62 = vector.shape_cast %swap3A_61 : vector<1x16xf32> to vector<16xf32>
      %swap3A_63 = vector.shape_cast %broadcast_in_dim3A_1 : vector<16xf32> to vector<1x16xf32>
      tpu.vector_store %arg9[%swap3A_59, %swap3A_60], %swap3A_63 {strides = array<i32>} : memref<100x128xf32, #tpu.memory_space<vmem>>, vector<1x16xf32>,
      %swap3A_64 = arith.index_cast %scan3A_39 : i32 to index
      %swap3A_65 = arith.constant 80 : index
      %swap3A_66 = tpu.vector_load %arg9[%swap3A_64, %swap3A_65] {strides = array<i32>} : memref<100x128xf32, #tpu.memory_space<vmem>>, vector<1x16xf32>,
      %swap3A_67 = vector.shape_cast %swap3A_66 : vector<1x16xf32> to vector<16xf32>
      %swap3A_68 = vector.shape_cast %broadcast_in_dim3A_1 : vector<16xf32> to vector<1x16xf32>
      tpu.vector_store %arg9[%swap3A_64, %swap3A_65], %swap3A_68 {strides = array<i32>} : memref<100x128xf32, #tpu.memory_space<vmem>>, vector<1x16xf32>,
      %swap3A_69 = arith.index_cast %scan3A_39 : i32 to index
      %swap3A_70 = arith.constant 96 : index
      %swap3A_71 = tpu.vector_load %arg9[%swap3A_69, %swap3A_70] {strides = array<i32>} : memref<100x128xf32, #tpu.memory_space<vmem>>, vector<1x16xf32>,
      %swap3A_72 = vector.shape_cast %swap3A_71 : vector<1x16xf32> to vector<16xf32>
      %swap3A_73 = vector.shape_cast %broadcast_in_dim3A_1 : vector<16xf32> to vector<1x16xf32>
      tpu.vector_store %arg9[%swap3A_69, %swap3A_70], %swap3A_73 {strides = array<i32>} : memref<100x128xf32, #tpu.memory_space<vmem>>, vector<1x16xf32>,
      %swap3A_74 = arith.index_cast %scan3A_39 : i32 to index
      %swap3A_75 = arith.constant 112 : index
      %swap3A_76 = tpu.vector_load %arg9[%swap3A_74, %swap3A_75] {strides = array<i32>} : memref<100x128xf32, #tpu.memory_space<vmem>>, vector<1x16xf32>,
      %swap3A_77 = vector.shape_cast %swap3A_76 : vector<1x16xf32> to vector<16xf32>
      %swap3A_78 = vector.shape_cast %broadcast_in_dim3A_1 : vector<16xf32> to vector<1x16xf32>
      tpu.vector_store %arg9[%swap3A_74, %swap3A_75], %swap3A_78 {strides = array<i32>} : memref<100x128xf32, #tpu.memory_space<vmem>>, vector<1x16xf32>,
    }
    %scan3A_5 = arith.constant 80 : i32
    %mul3A_6 = arith.constant 640 : i32
    %mul3A_7 = arith.muli %arg1, %mul3A_6 : i32
    %lt3A = arith.constant 15 : i32
    %lt3A_8 = arith.cmpi slt, %arg1, %lt3A : i32
    %jit3A = arith.constant 8 : i32
    %jit3A_9 = arith.constant 5 : i32
    %select_n3A = arith.select %lt3A_8, %jit3A, %jit3A_9 : i32
    %while3A = arith.constant 0 : i32
    %while3A_10 = arith.subi %select_n3A, %while3A : i32
    %while3A_11 = arith.addi %while3A, %while3A_10 : i32
    %while3A_12 = arith.constant 1 : i32
    %while3A_13 = arith.divsi %while3A_10, %while3A_12 : i32
    %while3A_14 = arith.muli %while3A_13, %while3A_12 : i32
    %while3A_15 = arith.addi %while3A, %while3A_14 : i32
    %while3A_16 = arith.constant 1 : i32
    scf.for %while3A_39 = %while3A to %while3A_15 step %while3A_16  : i32 {
      %mul3A_40 = arith.constant 80 : i32
      %mul3A_41 = arith.muli %while3A_39, %mul3A_40 : i32
      %add3A_42 = arith.addi %mul3A_7, %mul3A_41 : i32
      "tpu.region"() ({
        %run_scoped3A = tpu.sem_alloc : memref<!tpu.dma_semaphore, #tpu.memory_space<semaphore_mem>>
        %dma_start3A_43 = arith.constant 0 : i32
        %dma_start3A_44 = arith.constant 0 : i32
        %dma_start3A_45 = tpu.memref_slice %arg9[%dma_start3A_43, %dma_start3A_44] : memref<100x128xf32, #tpu.memory_space<vmem>> -> memref<80x128xf32, #tpu.memory_space<vmem>>
        %dma_start3A_46 = arith.constant 0 : i32
        %dma_start3A_47 = tpu.memref_slice %arg6[%add3A_42, %dma_start3A_46] : memref<10000x128xf32, #tpu.memory_space<vmem_shared>> -> memref<80x128xf32, #tpu.memory_space<vmem_shared>>
        %dma_start3A_48 = arith.constant 0 : i32
        %dma_start3A_49 = tpu.memref_slice %arg6[%add3A_42, %dma_start3A_48] : memref<10000x128xf32, #tpu.memory_space<vmem_shared>> -> memref<80x128xf32, #tpu.memory_space<vmem_shared>>
        %dma_start3A_50 = arith.constant 0 : i32
        %dma_start3A_51 = arith.constant 0 : i32
        %dma_start3A_52 = tpu.memref_slice %arg9[%dma_start3A_50, %dma_start3A_51] : memref<100x128xf32, #tpu.memory_space<vmem>> -> memref<80x128xf32, #tpu.memory_space<vmem>>
        tpu.enqueue_dma source(%dma_start3A_52 : memref<80x128xf32, #tpu.memory_space<vmem>>) target(%dma_start3A_49 : memref<80x128xf32, #tpu.memory_space<vmem_shared>>) target_semaphore(%run_scoped3A : memref<!tpu.dma_semaphore, #tpu.memory_space<semaphore_mem>>)
        %dma_wait3A = arith.constant 0 : i32
        %dma_wait3A_53 = arith.constant 0 : i32
        %dma_wait3A_54 = tpu.memref_slice %arg9[%dma_wait3A, %dma_wait3A_53] : memref<100x128xf32, #tpu.memory_space<vmem>> -> memref<80x128xf32, #tpu.memory_space<vmem>>
        %dma_wait3A_55 = arith.constant 0 : i32
        %dma_wait3A_56 = tpu.memref_slice %arg6[%add3A_42, %dma_wait3A_55] : memref<10000x128xf32, #tpu.memory_space<vmem_shared>> -> memref<80x128xf32, #tpu.memory_space<vmem_shared>>
        %dma_wait3A_57 = arith.constant 0 : i32
        %dma_wait3A_58 = tpu.memref_slice %arg6[%add3A_42, %dma_wait3A_57] : memref<10000x128xf32, #tpu.memory_space<vmem_shared>> -> memref<80x128xf32, #tpu.memory_space<vmem_shared>>
        %dma_wait3A_59 = arith.constant 0 : i32
        %dma_wait3A_60 = arith.constant 0 : i32
        %dma_wait3A_61 = tpu.memref_slice %arg9[%dma_wait3A_59, %dma_wait3A_60] : memref<100x128xf32, #tpu.memory_space<vmem>> -> memref<80x128xf32, #tpu.memory_space<vmem>>
        tpu.wait_dma2 semaphore(%run_scoped3A : memref<!tpu.dma_semaphore, #tpu.memory_space<semaphore_mem>>) src(%dma_wait3A_61 : memref<80x128xf32, #tpu.memory_space<vmem>>) dst(%dma_wait3A_58 : memref<80x128xf32, #tpu.memory_space<vmem_shared>>)
        tpu.yield
      }) : () -> ()
    }
    %while3A_17 = arith.constant 1 : i32
    scf.for %while3A_39 = %while3A_15 to %while3A_11 step %while3A_17  : i32 {
      %mul3A_40 = arith.constant 80 : i32
      %mul3A_41 = arith.muli %while3A_39, %mul3A_40 : i32
      %add3A_42 = arith.addi %mul3A_7, %mul3A_41 : i32
      "tpu.region"() ({
        %run_scoped3A = tpu.sem_alloc : memref<!tpu.dma_semaphore, #tpu.memory_space<semaphore_mem>>
        %dma_start3A_43 = arith.constant 0 : i32
        %dma_start3A_44 = arith.constant 0 : i32
        %dma_start3A_45 = tpu.memref_slice %arg9[%dma_start3A_43, %dma_start3A_44] : memref<100x128xf32, #tpu.memory_space<vmem>> -> memref<80x128xf32, #tpu.memory_space<vmem>>
        %dma_start3A_46 = arith.constant 0 : i32
        %dma_start3A_47 = tpu.memref_slice %arg6[%add3A_42, %dma_start3A_46] : memref<10000x128xf32, #tpu.memory_space<vmem_shared>> -> memref<80x128xf32, #tpu.memory_space<vmem_shared>>
        %dma_start3A_48 = arith.constant 0 : i32
        %dma_start3A_49 = tpu.memref_slice %arg6[%add3A_42, %dma_start3A_48] : memref<10000x128xf32, #tpu.memory_space<vmem_shared>> -> memref<80x128xf32, #tpu.memory_space<vmem_shared>>
        %dma_start3A_50 = arith.constant 0 : i32
        %dma_start3A_51 = arith.constant 0 : i32
        %dma_start3A_52 = tpu.memref_slice %arg9[%dma_start3A_50, %dma_start3A_51] : memref<100x128xf32, #tpu.memory_space<vmem>> -> memref<80x128xf32, #tpu.memory_space<vmem>>
        tpu.enqueue_dma source(%dma_start3A_52 : memref<80x128xf32, #tpu.memory_space<vmem>>) target(%dma_start3A_49 : memref<80x128xf32, #tpu.memory_space<vmem_shared>>) target_semaphore(%run_scoped3A : memref<!tpu.dma_semaphore, #tpu.memory_space<semaphore_mem>>)
        %dma_wait3A = arith.constant 0 : i32
        %dma_wait3A_53 = arith.constant 0 : i32
        %dma_wait3A_54 = tpu.memref_slice %arg9[%dma_wait3A, %dma_wait3A_53] : memref<100x128xf32, #tpu.memory_space<vmem>> -> memref<80x128xf32, #tpu.memory_space<vmem>>
        %dma_wait3A_55 = arith.constant 0 : i32
        %dma_wait3A_56 = tpu.memref_slice %arg6[%add3A_42, %dma_wait3A_55] : memref<10000x128xf32, #tpu.memory_space<vmem_shared>> -> memref<80x128xf32, #tpu.memory_space<vmem_shared>>
        %dma_wait3A_57 = arith.constant 0 : i32
        %dma_wait3A_58 = tpu.memref_slice %arg6[%add3A_42, %dma_wait3A_57] : memref<10000x128xf32, #tpu.memory_space<vmem_shared>> -> memref<80x128xf32, #tpu.memory_space<vmem_shared>>
        %dma_wait3A_59 = arith.constant 0 : i32
        %dma_wait3A_60 = arith.constant 0 : i32
        %dma_wait3A_61 = tpu.memref_slice %arg9[%dma_wait3A_59, %dma_wait3A_60] : memref<100x128xf32, #tpu.memory_space<vmem>> -> memref<80x128xf32, #tpu.memory_space<vmem>>
        tpu.wait_dma2 semaphore(%run_scoped3A : memref<!tpu.dma_semaphore, #tpu.memory_space<semaphore_mem>>) src(%dma_wait3A_61 : memref<80x128xf32, #tpu.memory_space<vmem>>) dst(%dma_wait3A_58 : memref<80x128xf32, #tpu.memory_space<vmem_shared>>)
        tpu.yield
      }) : () -> ()
    }
    %barrier3A = arith.constant 0 : index
    tpu.barrier barrier_id(%barrier3A)
    %dma_start3A = arith.constant 0 : i32
    %dma_start3A_18 = arith.constant 0 : i32
    %dma_start3A_19 = tpu.memref_slice %arg7[%dma_start3A, %dma_start3A_18] : memref<50x100xi32, #tpu.memory_space<vmem>> -> memref<1x100xi32, #tpu.memory_space<vmem>>
    %dma_start3A_20 = tpu.memref_squeeze %dma_start3A_19 : memref<1x100xi32, #tpu.memory_space<vmem>> -> memref<100xi32, #tpu.memory_space<vmem>>
    %dma_start3A_21 = arith.constant 0 : i32
    %dma_start3A_22 = arith.constant 0 : i32
    %dma_start3A_23 = tpu.memref_slice %arg2[%dma_start3A_21, %dma_start3A_22] : memref<10000x128xf32, #tpu.memory_space<hbm>> -> memref<10000x128xf32, #tpu.memory_space<hbm>>
    tpu.enqueue_indirect_dma source(%dma_start3A_23 : memref<10000x128xf32, #tpu.memory_space<hbm>>) target(%arg9 : memref<100x128xf32, #tpu.memory_space<vmem>>) offsets(%dma_start3A_20 : memref<100xi32, #tpu.memory_space<vmem>>) semaphore(%arg11 : memref<!tpu.dma_semaphore, #tpu.memory_space<semaphore_mem>>)
    %scan3A_24 = arith.constant 0 : i32
    %scan3A_25 = arith.constant 25 : i32
    %scan3A_26 = arith.addi %scan3A_24, %scan3A_25 : i32
    %scan3A_27 = arith.constant 1 : i32
    scf.for %scan3A_39 = %scan3A_24 to %scan3A_26 step %scan3A_27  : i32 {
      %mul3A_40 = arith.constant 2 : i32
      %mul3A_41 = arith.muli %scan3A_39, %mul3A_40 : i32
      %add3A_42 = arith.constant 1 : i32
      %add3A_43 = arith.addi %mul3A_41, %add3A_42 : i32
      %dma_start3A_44 = arith.constant 0 : i32
      %dma_start3A_45 = tpu.memref_slice %arg7[%add3A_43, %dma_start3A_44] : memref<50x100xi32, #tpu.memory_space<vmem>> -> memref<1x100xi32, #tpu.memory_space<vmem>>
      %dma_start3A_46 = tpu.memref_squeeze %dma_start3A_45 : memref<1x100xi32, #tpu.memory_space<vmem>> -> memref<100xi32, #tpu.memory_space<vmem>>
      %dma_start3A_47 = arith.constant 0 : i32
      %dma_start3A_48 = arith.constant 0 : i32
      %dma_start3A_49 = tpu.memref_slice %arg2[%dma_start3A_47, %dma_start3A_48] : memref<10000x128xf32, #tpu.memory_space<hbm>> -> memref<10000x128xf32, #tpu.memory_space<hbm>>
      tpu.enqueue_indirect_dma source(%dma_start3A_49 : memref<10000x128xf32, #tpu.memory_space<hbm>>) target(%arg10 : memref<100x128xf32, #tpu.memory_space<vmem>>) offsets(%dma_start3A_46 : memref<100xi32, #tpu.memory_space<vmem>>) semaphore(%arg12 : memref<!tpu.dma_semaphore, #tpu.memory_space<semaphore_mem>>)
      %dma_wait3A = arith.constant 0 : i32
      %dma_wait3A_50 = tpu.memref_slice %arg7[%mul3A_41, %dma_wait3A] : memref<50x100xi32, #tpu.memory_space<vmem>> -> memref<1x100xi32, #tpu.memory_space<vmem>>
      %dma_wait3A_51 = tpu.memref_squeeze %dma_wait3A_50 : memref<1x100xi32, #tpu.memory_space<vmem>> -> memref<100xi32, #tpu.memory_space<vmem>>
      %dma_wait3A_52 = arith.constant 0 : i32
      %dma_wait3A_53 = arith.constant 0 : i32
      %dma_wait3A_54 = tpu.memref_slice %arg2[%dma_wait3A_52, %dma_wait3A_53] : memref<10000x128xf32, #tpu.memory_space<hbm>> -> memref<10000x128xf32, #tpu.memory_space<hbm>>
      tpu.wait_indirect_dma semaphore(%arg11 : memref<!tpu.dma_semaphore, #tpu.memory_space<semaphore_mem>>) src(%dma_wait3A_54 : memref<10000x128xf32, #tpu.memory_space<hbm>>) dst(%arg9 : memref<100x128xf32, #tpu.memory_space<vmem>>)
      "tpu.region"() ({
        %run_scoped3A = tpu.sem_alloc : memref<!tpu.dma_semaphore, #tpu.memory_space<semaphore_mem>>
        %dma_start3A_70 = arith.constant 0 : i32
        %dma_start3A_71 = tpu.memref_slice %arg8[%mul3A_41, %dma_start3A_70] : memref<50x100xi32, #tpu.memory_space<vmem>> -> memref<1x100xi32, #tpu.memory_space<vmem>>
        %dma_start3A_72 = tpu.memref_squeeze %dma_start3A_71 : memref<1x100xi32, #tpu.memory_space<vmem>> -> memref<100xi32, #tpu.memory_space<vmem>>
        %dma_start3A_73 = arith.constant 0 : i32
        %dma_start3A_74 = arith.constant 0 : i32
        %dma_start3A_75 = tpu.memref_slice %arg6[%dma_start3A_73, %dma_start3A_74] : memref<10000x128xf32, #tpu.memory_space<vmem_shared>> -> memref<10000x128xf32, #tpu.memory_space<vmem_shared>>
        tpu.enqueue_indirect_dma source(%arg9 : memref<100x128xf32, #tpu.memory_space<vmem>>) target(%dma_start3A_75 : memref<10000x128xf32, #tpu.memory_space<vmem_shared>>) offsets(%dma_start3A_72 : memref<100xi32, #tpu.memory_space<vmem>>) semaphore(%run_scoped3A : memref<!tpu.dma_semaphore, #tpu.memory_space<semaphore_mem>>) {add = true}
        %dma_wait3A_76 = arith.constant 0 : i32
        %dma_wait3A_77 = tpu.memref_slice %arg8[%mul3A_41, %dma_wait3A_76] : memref<50x100xi32, #tpu.memory_space<vmem>> -> memref<1x100xi32, #tpu.memory_space<vmem>>
        %dma_wait3A_78 = tpu.memref_squeeze %dma_wait3A_77 : memref<1x100xi32, #tpu.memory_space<vmem>> -> memref<100xi32, #tpu.memory_space<vmem>>
        %dma_wait3A_79 = arith.constant 0 : i32
        %dma_wait3A_80 = arith.constant 0 : i32
        %dma_wait3A_81 = tpu.memref_slice %arg6[%dma_wait3A_79, %dma_wait3A_80] : memref<10000x128xf32, #tpu.memory_space<vmem_shared>> -> memref<10000x128xf32, #tpu.memory_space<vmem_shared>>
        tpu.wait_indirect_dma semaphore(%run_scoped3A : memref<!tpu.dma_semaphore, #tpu.memory_space<semaphore_mem>>) src(%arg9 : memref<100x128xf32, #tpu.memory_space<vmem>>) dst(%dma_wait3A_81 : memref<10000x128xf32, #tpu.memory_space<vmem_shared>>)
        tpu.yield
      }) : () -> ()
      %add3A_55 = arith.constant 2 : i32
      %add3A_56 = arith.addi %mul3A_41, %add3A_55 : i32
      %lt3A_57 = arith.constant 50 : i32
      %lt3A_58 = arith.cmpi slt, %add3A_56, %lt3A_57 : i32
      %convert_element_type3A = arith.extui %lt3A_58 : i1 to i32
      %cond3A = arith.constant 0 : i32
      %cond3A_59 = arith.cmpi ne, %convert_element_type3A, %cond3A : i32
      scf.if %cond3A_59 {
        %add3A_70 = arith.constant 2 : i32
        %add3A_71 = arith.addi %mul3A_41, %add3A_70 : i32
        %dma_start3A_72 = arith.constant 0 : i32
        %dma_start3A_73 = tpu.memref_slice %arg7[%add3A_71, %dma_start3A_72] : memref<50x100xi32, #tpu.memory_space<vmem>> -> memref<1x100xi32, #tpu.memory_space<vmem>>
        %dma_start3A_74 = tpu.memref_squeeze %dma_start3A_73 : memref<1x100xi32, #tpu.memory_space<vmem>> -> memref<100xi32, #tpu.memory_space<vmem>>
        %dma_start3A_75 = arith.constant 0 : i32
        %dma_start3A_76 = arith.constant 0 : i32
        %dma_start3A_77 = tpu.memref_slice %arg2[%dma_start3A_75, %dma_start3A_76] : memref<10000x128xf32, #tpu.memory_space<hbm>> -> memref<10000x128xf32, #tpu.memory_space<hbm>>
        tpu.enqueue_indirect_dma source(%dma_start3A_77 : memref<10000x128xf32, #tpu.memory_space<hbm>>) target(%arg9 : memref<100x128xf32, #tpu.memory_space<vmem>>) offsets(%dma_start3A_74 : memref<100xi32, #tpu.memory_space<vmem>>) semaphore(%arg11 : memref<!tpu.dma_semaphore, #tpu.memory_space<semaphore_mem>>)
      } else {
      }
      %add3A_60 = arith.constant 1 : i32
      %add3A_61 = arith.addi %mul3A_41, %add3A_60 : i32
      %dma_wait3A_62 = arith.constant 0 : i32
      %dma_wait3A_63 = tpu.memref_slice %arg7[%add3A_61, %dma_wait3A_62] : memref<50x100xi32, #tpu.memory_space<vmem>> -> memref<1x100xi32, #tpu.memory_space<vmem>>
      %dma_wait3A_64 = tpu.memref_squeeze %dma_wait3A_63 : memref<1x100xi32, #tpu.memory_space<vmem>> -> memref<100xi32, #tpu.memory_space<vmem>>
      %dma_wait3A_65 = arith.constant 0 : i32
      %dma_wait3A_66 = arith.constant 0 : i32
      %dma_wait3A_67 = tpu.memref_slice %arg2[%dma_wait3A_65, %dma_wait3A_66] : memref<10000x128xf32, #tpu.memory_space<hbm>> -> memref<10000x128xf32, #tpu.memory_space<hbm>>
      tpu.wait_indirect_dma semaphore(%arg12 : memref<!tpu.dma_semaphore, #tpu.memory_space<semaphore_mem>>) src(%dma_wait3A_67 : memref<10000x128xf32, #tpu.memory_space<hbm>>) dst(%arg10 : memref<100x128xf32, #tpu.memory_space<vmem>>)
      %add3A_68 = arith.constant 1 : i32
      %add3A_69 = arith.addi %mul3A_41, %add3A_68 : i32
      "tpu.region"() ({
        %run_scoped3A = tpu.sem_alloc : memref<!tpu.dma_semaphore, #tpu.memory_space<semaphore_mem>>
        %dma_start3A_70 = arith.constant 0 : i32
        %dma_start3A_71 = tpu.memref_slice %arg8[%add3A_69, %dma_start3A_70] : memref<50x100xi32, #tpu.memory_space<vmem>> -> memref<1x100xi32, #tpu.memory_space<vmem>>
        %dma_start3A_72 = tpu.memref_squeeze %dma_start3A_71 : memref<1x100xi32, #tpu.memory_space<vmem>> -> memref<100xi32, #tpu.memory_space<vmem>>
        %dma_start3A_73 = arith.constant 0 : i32
        %dma_start3A_74 = arith.constant 0 : i32
        %dma_start3A_75 = tpu.memref_slice %arg6[%dma_start3A_73, %dma_start3A_74] : memref<10000x128xf32, #tpu.memory_space<vmem_shared>> -> memref<10000x128xf32, #tpu.memory_space<vmem_shared>>
        tpu.enqueue_indirect_dma source(%arg10 : memref<100x128xf32, #tpu.memory_space<vmem>>) target(%dma_start3A_75 : memref<10000x128xf32, #tpu.memory_space<vmem_shared>>) offsets(%dma_start3A_72 : memref<100xi32, #tpu.memory_space<vmem>>) semaphore(%run_scoped3A : memref<!tpu.dma_semaphore, #tpu.memory_space<semaphore_mem>>) {add = true}
        %dma_wait3A_76 = arith.constant 0 : i32
        %dma_wait3A_77 = tpu.memref_slice %arg8[%add3A_69, %dma_wait3A_76] : memref<50x100xi32, #tpu.memory_space<vmem>> -> memref<1x100xi32, #tpu.memory_space<vmem>>
        %dma_wait3A_78 = tpu.memref_squeeze %dma_wait3A_77 : memref<1x100xi32, #tpu.memory_space<vmem>> -> memref<100xi32, #tpu.memory_space<vmem>>
        %dma_wait3A_79 = arith.constant 0 : i32
        %dma_wait3A_80 = arith.constant 0 : i32
        %dma_wait3A_81 = tpu.memref_slice %arg6[%dma_wait3A_79, %dma_wait3A_80] : memref<10000x128xf32, #tpu.memory_space<vmem_shared>> -> memref<10000x128xf32, #tpu.memory_space<vmem_shared>>
        tpu.wait_indirect_dma semaphore(%run_scoped3A : memref<!tpu.dma_semaphore, #tpu.memory_space<semaphore_mem>>) src(%arg10 : memref<100x128xf32, #tpu.memory_space<vmem>>) dst(%dma_wait3A_81 : memref<10000x128xf32, #tpu.memory_space<vmem_shared>>)
        tpu.yield
      }) : () -> ()
    }
    %scan3A_28 = arith.constant 25 : i32
    %barrier3A_29 = arith.constant 0 : index
    tpu.barrier barrier_id(%barrier3A_29)
    %while3A_30 = arith.constant 0 : i32
    %while3A_31 = arith.subi %select_n3A, %while3A_30 : i32
    %while3A_32 = arith.addi %while3A_30, %while3A_31 : i32
    %while3A_33 = arith.constant 1 : i32
    %while3A_34 = arith.divsi %while3A_31, %while3A_33 : i32
    %while3A_35 = arith.muli %while3A_34, %while3A_33 : i32
    %while3A_36 = arith.addi %while3A_30, %while3A_35 : i32
    %while3A_37 = arith.constant 1 : i32
    scf.for %while3A_39 = %while3A_30 to %while3A_36 step %while3A_37  : i32 {
      %mul3A_40 = arith.constant 80 : i32
      %mul3A_41 = arith.muli %while3A_39, %mul3A_40 : i32
      %add3A_42 = arith.addi %mul3A_7, %mul3A_41 : i32
      %mul3A_43 = arith.constant 80 : i32
      %mul3A_44 = arith.muli %while3A_39, %mul3A_43 : i32
      %add3A_45 = arith.addi %mul3A_7, %mul3A_44 : i32
      "tpu.region"() ({
        %run_scoped3A = tpu.sem_alloc : memref<!tpu.dma_semaphore, #tpu.memory_space<semaphore_mem>>
        %dma_start3A_46 = arith.constant 0 : i32
        %dma_start3A_47 = arith.constant 0 : i32
        %dma_start3A_48 = tpu.memref_slice %arg5[%arg0, %dma_start3A_46, %dma_start3A_47] : memref<2x10000x128xf32, #tpu.memory_space<hbm>> -> memref<1x10000x128xf32, #tpu.memory_space<hbm>>
        %dma_start3A_49 = tpu.memref_squeeze %dma_start3A_48 : memref<1x10000x128xf32, #tpu.memory_space<hbm>> -> memref<10000x128xf32, #tpu.memory_space<hbm>>
        %dma_start3A_50 = arith.constant 0 : i32
        %dma_start3A_51 = tpu.memref_slice %dma_start3A_49[%add3A_45, %dma_start3A_50] : memref<10000x128xf32, #tpu.memory_space<hbm>> -> memref<80x128xf32, #tpu.memory_space<hbm>>
        %dma_start3A_52 = arith.constant 0 : i32
        %dma_start3A_53 = tpu.memref_slice %arg6[%add3A_42, %dma_start3A_52] : memref<10000x128xf32, #tpu.memory_space<vmem_shared>> -> memref<80x128xf32, #tpu.memory_space<vmem_shared>>
        tpu.enqueue_dma source(%dma_start3A_53 : memref<80x128xf32, #tpu.memory_space<vmem_shared>>) target(%dma_start3A_51 : memref<80x128xf32, #tpu.memory_space<hbm>>) target_semaphore(%run_scoped3A : memref<!tpu.dma_semaphore, #tpu.memory_space<semaphore_mem>>)
        %dma_wait3A = arith.constant 0 : i32
        %dma_wait3A_54 = arith.constant 0 : i32
        %dma_wait3A_55 = tpu.memref_slice %arg5[%arg0, %dma_wait3A, %dma_wait3A_54] : memref<2x10000x128xf32, #tpu.memory_space<hbm>> -> memref<1x10000x128xf32, #tpu.memory_space<hbm>>
        %dma_wait3A_56 = tpu.memref_squeeze %dma_wait3A_55 : memref<1x10000x128xf32, #tpu.memory_space<hbm>> -> memref<10000x128xf32, #tpu.memory_space<hbm>>
        %dma_wait3A_57 = arith.constant 0 : i32
        %dma_wait3A_58 = tpu.memref_slice %dma_wait3A_56[%add3A_45, %dma_wait3A_57] : memref<10000x128xf32, #tpu.memory_space<hbm>> -> memref<80x128xf32, #tpu.memory_space<hbm>>
        %dma_wait3A_59 = arith.constant 0 : i32
        %dma_wait3A_60 = tpu.memref_slice %arg6[%add3A_42, %dma_wait3A_59] : memref<10000x128xf32, #tpu.memory_space<vmem_shared>> -> memref<80x128xf32, #tpu.memory_space<vmem_shared>>
        tpu.wait_dma2 semaphore(%run_scoped3A : memref<!tpu.dma_semaphore, #tpu.memory_space<semaphore_mem>>) src(%dma_wait3A_60 : memref<80x128xf32, #tpu.memory_space<vmem_shared>>) dst(%dma_wait3A_58 : memref<80x128xf32, #tpu.memory_space<hbm>>)
        tpu.yield
      }) : () -> ()
    }
    %while3A_38 = arith.constant 1 : i32
    scf.for %while3A_39 = %while3A_36 to %while3A_32 step %while3A_38  : i32 {
      %mul3A_40 = arith.constant 80 : i32
      %mul3A_41 = arith.muli %while3A_39, %mul3A_40 : i32
      %add3A_42 = arith.addi %mul3A_7, %mul3A_41 : i32
      %mul3A_43 = arith.constant 80 : i32
      %mul3A_44 = arith.muli %while3A_39, %mul3A_43 : i32
      %add3A_45 = arith.addi %mul3A_7, %mul3A_44 : i32
      "tpu.region"() ({
        %run_scoped3A = tpu.sem_alloc : memref<!tpu.dma_semaphore, #tpu.memory_space<semaphore_mem>>
        %dma_start3A_46 = arith.constant 0 : i32
        %dma_start3A_47 = arith.constant 0 : i32
        %dma_start3A_48 = tpu.memref_slice %arg5[%arg0, %dma_start3A_46, %dma_start3A_47] : memref<2x10000x128xf32, #tpu.memory_space<hbm>> -> memref<1x10000x128xf32, #tpu.memory_space<hbm>>
        %dma_start3A_49 = tpu.memref_squeeze %dma_start3A_48 : memref<1x10000x128xf32, #tpu.memory_space<hbm>> -> memref<10000x128xf32, #tpu.memory_space<hbm>>
        %dma_start3A_50 = arith.constant 0 : i32
        %dma_start3A_51 = tpu.memref_slice %dma_start3A_49[%add3A_45, %dma_start3A_50] : memref<10000x128xf32, #tpu.memory_space<hbm>> -> memref<80x128xf32, #tpu.memory_space<hbm>>
        %dma_start3A_52 = arith.constant 0 : i32
        %dma_start3A_53 = tpu.memref_slice %arg6[%add3A_42, %dma_start3A_52] : memref<10000x128xf32, #tpu.memory_space<vmem_shared>> -> memref<80x128xf32, #tpu.memory_space<vmem_shared>>
        tpu.enqueue_dma source(%dma_start3A_53 : memref<80x128xf32, #tpu.memory_space<vmem_shared>>) target(%dma_start3A_51 : memref<80x128xf32, #tpu.memory_space<hbm>>) target_semaphore(%run_scoped3A : memref<!tpu.dma_semaphore, #tpu.memory_space<semaphore_mem>>)
        %dma_wait3A = arith.constant 0 : i32
        %dma_wait3A_54 = arith.constant 0 : i32
        %dma_wait3A_55 = tpu.memref_slice %arg5[%arg0, %dma_wait3A, %dma_wait3A_54] : memref<2x10000x128xf32, #tpu.memory_space<hbm>> -> memref<1x10000x128xf32, #tpu.memory_space<hbm>>
        %dma_wait3A_56 = tpu.memref_squeeze %dma_wait3A_55 : memref<1x10000x128xf32, #tpu.memory_space<hbm>> -> memref<10000x128xf32, #tpu.memory_space<hbm>>
        %dma_wait3A_57 = arith.constant 0 : i32
        %dma_wait3A_58 = tpu.memref_slice %dma_wait3A_56[%add3A_45, %dma_wait3A_57] : memref<10000x128xf32, #tpu.memory_space<hbm>> -> memref<80x128xf32, #tpu.memory_space<hbm>>
        %dma_wait3A_59 = arith.constant 0 : i32
        %dma_wait3A_60 = tpu.memref_slice %arg6[%add3A_42, %dma_wait3A_59] : memref<10000x128xf32, #tpu.memory_space<vmem_shared>> -> memref<80x128xf32, #tpu.memory_space<vmem_shared>>
        tpu.wait_dma2 semaphore(%run_scoped3A : memref<!tpu.dma_semaphore, #tpu.memory_space<semaphore_mem>>) src(%dma_wait3A_60 : memref<80x128xf32, #tpu.memory_space<vmem_shared>>) dst(%dma_wait3A_58 : memref<80x128xf32, #tpu.memory_space<hbm>>)
        tpu.yield
      }) : () -> ()
    }
    return
  }
}

#map = affine_map<(d0, d1) -> (0)>
module attributes {stable_mosaic.version = 14 : i64} {
  func.func @_pred_body(%arg0: i32, %arg1: i32, %arg2: memref<40000xf32, #tpu.memory_space<hbm>>, %arg3: memref<160000xi32, #tpu.memory_space<hbm>>, %arg4: memref<160000xi32, #tpu.memory_space<hbm>>, %arg5: memref<320000xf32, #tpu.memory_space<hbm>>, %arg6: memref<320000xf32, #tpu.memory_space<hbm>>, %arg7: memref<40000xf32, #tpu.memory_space<vmem>>, %arg8: memref<5016xi32, #tpu.memory_space<vmem>>, %arg9: memref<5016xi32, #tpu.memory_space<vmem>>, %arg10: memref<10000xf32, #tpu.memory_space<vmem>>, %arg11: memref<10000xf32, #tpu.memory_space<vmem>>) attributes {dimension_semantics = [#tpu.dimension_semantics<core_parallel>, #tpu.dimension_semantics<subcore_parallel>], iteration_bounds = array<i64: 2, 16>, scalar_prefetch = 0 : i64, scratch_operands = 5 : i64, tpu.core_type = #tpu.core_type<sc_vector_subcore>, window_params = [{transform_indices = #map}, {transform_indices = #map}, {transform_indices = #map}, {transform_indices = #map}, {transform_indices = #map}]} {
    %mul3A = arith.constant 16 : i32
    %mul3A_0 = arith.muli %arg0, %mul3A : i32
    %add3A = arith.addi %mul3A_0, %arg1 : i32
    %mul3A_1 = arith.constant 5000 : i32
    %mul3A_2 = arith.muli %add3A, %mul3A_1 : i32
    "tpu.region"() ({
      %run_scoped3A = tpu.sem_alloc : memref<!tpu.dma_semaphore, #tpu.memory_space<semaphore_mem>>
      tpu.enqueue_dma source(%arg2 : memref<40000xf32, #tpu.memory_space<hbm>>) target(%arg7 : memref<40000xf32, #tpu.memory_space<vmem>>) target_semaphore(%run_scoped3A : memref<!tpu.dma_semaphore, #tpu.memory_space<semaphore_mem>>)
      tpu.wait_dma2 semaphore(%run_scoped3A : memref<!tpu.dma_semaphore, #tpu.memory_space<semaphore_mem>>) src(%arg2 : memref<40000xf32, #tpu.memory_space<hbm>>) dst(%arg7 : memref<40000xf32, #tpu.memory_space<vmem>>)
      tpu.yield
    }) : () -> ()
    "tpu.region"() ({
      %run_scoped3A = tpu.sem_alloc : memref<!tpu.dma_semaphore, #tpu.memory_space<semaphore_mem>>
      %dma_start3A = arith.constant 0 : i32
      %dma_start3A_52 = tpu.memref_slice %arg8[%dma_start3A] : memref<5016xi32, #tpu.memory_space<vmem>> -> memref<5000xi32, #tpu.memory_space<vmem>>
      %dma_start3A_53 = tpu.memref_slice %arg3[%mul3A_2] : memref<160000xi32, #tpu.memory_space<hbm>> -> memref<5000xi32, #tpu.memory_space<hbm>>
      %dma_start3A_54 = arith.constant 0 : i32
      %dma_start3A_55 = tpu.memref_slice %arg8[%dma_start3A_54] : memref<5016xi32, #tpu.memory_space<vmem>> -> memref<5000xi32, #tpu.memory_space<vmem>>
      %dma_start3A_56 = tpu.memref_slice %arg3[%mul3A_2] : memref<160000xi32, #tpu.memory_space<hbm>> -> memref<5000xi32, #tpu.memory_space<hbm>>
      tpu.enqueue_dma source(%dma_start3A_56 : memref<5000xi32, #tpu.memory_space<hbm>>) target(%dma_start3A_55 : memref<5000xi32, #tpu.memory_space<vmem>>) target_semaphore(%run_scoped3A : memref<!tpu.dma_semaphore, #tpu.memory_space<semaphore_mem>>)
      %dma_wait3A = arith.constant 0 : i32
      %dma_wait3A_57 = tpu.memref_slice %arg8[%dma_wait3A] : memref<5016xi32, #tpu.memory_space<vmem>> -> memref<5000xi32, #tpu.memory_space<vmem>>
      %dma_wait3A_58 = tpu.memref_slice %arg3[%mul3A_2] : memref<160000xi32, #tpu.memory_space<hbm>> -> memref<5000xi32, #tpu.memory_space<hbm>>
      %dma_wait3A_59 = arith.constant 0 : i32
      %dma_wait3A_60 = tpu.memref_slice %arg8[%dma_wait3A_59] : memref<5016xi32, #tpu.memory_space<vmem>> -> memref<5000xi32, #tpu.memory_space<vmem>>
      %dma_wait3A_61 = tpu.memref_slice %arg3[%mul3A_2] : memref<160000xi32, #tpu.memory_space<hbm>> -> memref<5000xi32, #tpu.memory_space<hbm>>
      tpu.wait_dma2 semaphore(%run_scoped3A : memref<!tpu.dma_semaphore, #tpu.memory_space<semaphore_mem>>) src(%dma_wait3A_61 : memref<5000xi32, #tpu.memory_space<hbm>>) dst(%dma_wait3A_60 : memref<5000xi32, #tpu.memory_space<vmem>>)
      tpu.yield
    }) : () -> ()
    "tpu.region"() ({
      %run_scoped3A = tpu.sem_alloc : memref<!tpu.dma_semaphore, #tpu.memory_space<semaphore_mem>>
      %dma_start3A = arith.constant 0 : i32
      %dma_start3A_52 = tpu.memref_slice %arg9[%dma_start3A] : memref<5016xi32, #tpu.memory_space<vmem>> -> memref<5000xi32, #tpu.memory_space<vmem>>
      %dma_start3A_53 = tpu.memref_slice %arg4[%mul3A_2] : memref<160000xi32, #tpu.memory_space<hbm>> -> memref<5000xi32, #tpu.memory_space<hbm>>
      %dma_start3A_54 = arith.constant 0 : i32
      %dma_start3A_55 = tpu.memref_slice %arg9[%dma_start3A_54] : memref<5016xi32, #tpu.memory_space<vmem>> -> memref<5000xi32, #tpu.memory_space<vmem>>
      %dma_start3A_56 = tpu.memref_slice %arg4[%mul3A_2] : memref<160000xi32, #tpu.memory_space<hbm>> -> memref<5000xi32, #tpu.memory_space<hbm>>
      tpu.enqueue_dma source(%dma_start3A_56 : memref<5000xi32, #tpu.memory_space<hbm>>) target(%dma_start3A_55 : memref<5000xi32, #tpu.memory_space<vmem>>) target_semaphore(%run_scoped3A : memref<!tpu.dma_semaphore, #tpu.memory_space<semaphore_mem>>)
      %dma_wait3A = arith.constant 0 : i32
      %dma_wait3A_57 = tpu.memref_slice %arg9[%dma_wait3A] : memref<5016xi32, #tpu.memory_space<vmem>> -> memref<5000xi32, #tpu.memory_space<vmem>>
      %dma_wait3A_58 = tpu.memref_slice %arg4[%mul3A_2] : memref<160000xi32, #tpu.memory_space<hbm>> -> memref<5000xi32, #tpu.memory_space<hbm>>
      %dma_wait3A_59 = arith.constant 0 : i32
      %dma_wait3A_60 = tpu.memref_slice %arg9[%dma_wait3A_59] : memref<5016xi32, #tpu.memory_space<vmem>> -> memref<5000xi32, #tpu.memory_space<vmem>>
      %dma_wait3A_61 = tpu.memref_slice %arg4[%mul3A_2] : memref<160000xi32, #tpu.memory_space<hbm>> -> memref<5000xi32, #tpu.memory_space<hbm>>
      tpu.wait_dma2 semaphore(%run_scoped3A : memref<!tpu.dma_semaphore, #tpu.memory_space<semaphore_mem>>) src(%dma_wait3A_61 : memref<5000xi32, #tpu.memory_space<hbm>>) dst(%dma_wait3A_60 : memref<5000xi32, #tpu.memory_space<vmem>>)
      tpu.yield
    }) : () -> ()
    %mul3A_3 = arith.constant 2 : i32
    %mul3A_4 = arith.muli %mul3A_2, %mul3A_3 : i32
    "tpu.region"() ({
      %run_scoped3A = tpu.sem_alloc : memref<!tpu.dma_semaphore, #tpu.memory_space<semaphore_mem>>
      %dma_start3A = tpu.memref_slice %arg5[%mul3A_4] : memref<320000xf32, #tpu.memory_space<hbm>> -> memref<10000xf32, #tpu.memory_space<hbm>>
      %dma_start3A_52 = tpu.memref_slice %arg5[%mul3A_4] : memref<320000xf32, #tpu.memory_space<hbm>> -> memref<10000xf32, #tpu.memory_space<hbm>>
      tpu.enqueue_dma source(%dma_start3A_52 : memref<10000xf32, #tpu.memory_space<hbm>>) target(%arg10 : memref<10000xf32, #tpu.memory_space<vmem>>) target_semaphore(%run_scoped3A : memref<!tpu.dma_semaphore, #tpu.memory_space<semaphore_mem>>)
      %dma_wait3A = tpu.memref_slice %arg5[%mul3A_4] : memref<320000xf32, #tpu.memory_space<hbm>> -> memref<10000xf32, #tpu.memory_space<hbm>>
      %dma_wait3A_53 = tpu.memref_slice %arg5[%mul3A_4] : memref<320000xf32, #tpu.memory_space<hbm>> -> memref<10000xf32, #tpu.memory_space<hbm>>
      tpu.wait_dma2 semaphore(%run_scoped3A : memref<!tpu.dma_semaphore, #tpu.memory_space<semaphore_mem>>) src(%dma_wait3A_53 : memref<10000xf32, #tpu.memory_space<hbm>>) dst(%arg10 : memref<10000xf32, #tpu.memory_space<vmem>>)
      tpu.yield
    }) : () -> ()
    %iota3A = tpu.iota {dimensions = array<i32: 0>} : vector<16xi32>
    %scan3A = arith.constant 0 : i32
    %scan3A_5 = arith.constant 312 : i32
    %scan3A_6 = arith.addi %scan3A, %scan3A_5 : i32
    %scan3A_7 = arith.constant 1 : i32
    scf.for %scan3A_52 = %scan3A to %scan3A_6 step %scan3A_7  : i32 {
      %mul3A_53 = arith.constant 16 : i32
      %mul3A_54 = arith.muli %scan3A_52, %mul3A_53 : i32
      %get3A_55 = arith.index_cast %mul3A_54 : i32 to index
      %get3A_56 = tpu.vector_load %arg8[%get3A_55] {strides = array<i32>} : memref<5016xi32, #tpu.memory_space<vmem>>, vector<16xi32>,
      %mul3A_57 = arith.constant 4 : i32
      %mul3A_58 = vector.broadcast %mul3A_57 : i32 to vector<16xi32>
      %mul3A_59 = arith.muli %get3A_56, %mul3A_58 : vector<16xi32>
      %mul3A_60 = arith.constant 16 : i32
      %mul3A_61 = arith.muli %scan3A_52, %mul3A_60 : i32
      %get3A_62 = arith.index_cast %mul3A_61 : i32 to index
      %get3A_63 = tpu.vector_load %arg9[%get3A_62] {strides = array<i32>} : memref<5016xi32, #tpu.memory_space<vmem>>, vector<16xi32>,
      %mul3A_64 = arith.constant 4 : i32
      %mul3A_65 = vector.broadcast %mul3A_64 : i32 to vector<16xi32>
      %mul3A_66 = arith.muli %get3A_63, %mul3A_65 : vector<16xi32>
      %gather3A_67 = tpu.vector_load_idx %arg7[%mul3A_59] : memref<40000xf32, #tpu.memory_space<vmem>>[vector<16xi32>], vector<16xf32>,
      %add3A_68 = arith.constant 1 : i32
      %add3A_69 = vector.broadcast %add3A_68 : i32 to vector<16xi32>
      %add3A_70 = arith.addi %mul3A_59, %add3A_69 : vector<16xi32>
      %gather3A_71 = tpu.vector_load_idx %arg7[%add3A_70] : memref<40000xf32, #tpu.memory_space<vmem>>[vector<16xi32>], vector<16xf32>,
      %add3A_72 = arith.constant 2 : i32
      %add3A_73 = vector.broadcast %add3A_72 : i32 to vector<16xi32>
      %add3A_74 = arith.addi %mul3A_66, %add3A_73 : vector<16xi32>
      %gather3A_75 = tpu.vector_load_idx %arg7[%add3A_74] : memref<40000xf32, #tpu.memory_space<vmem>>[vector<16xi32>], vector<16xf32>,
      %add3A_76 = arith.constant 3 : i32
      %add3A_77 = vector.broadcast %add3A_76 : i32 to vector<16xi32>
      %add3A_78 = arith.addi %mul3A_66, %add3A_77 : vector<16xi32>
      %gather3A_79 = tpu.vector_load_idx %arg7[%add3A_78] : memref<40000xf32, #tpu.memory_space<vmem>>[vector<16xi32>], vector<16xf32>,
      %mul3A_80 = arith.constant 32 : i32
      %mul3A_81 = arith.muli %scan3A_52, %mul3A_80 : i32
      %mul3A_82 = arith.constant 2 : i32
      %mul3A_83 = vector.broadcast %mul3A_82 : i32 to vector<16xi32>
      %mul3A_84 = arith.muli %mul3A_83, %iota3A : vector<16xi32>
      %add3A_85 = vector.broadcast %mul3A_81 : i32 to vector<16xi32>
      %add3A_86 = arith.addi %add3A_85, %mul3A_84 : vector<16xi32>
      %gather3A_87 = tpu.vector_load_idx %arg10[%add3A_86] : memref<10000xf32, #tpu.memory_space<vmem>>[vector<16xi32>], vector<16xf32>,
      %add3A_88 = arith.constant 1 : i32
      %add3A_89 = vector.broadcast %add3A_88 : i32 to vector<16xi32>
      %add3A_90 = arith.addi %add3A_86, %add3A_89 : vector<16xi32>
      %gather3A_91 = tpu.vector_load_idx %arg10[%add3A_90] : memref<10000xf32, #tpu.memory_space<vmem>>[vector<16xi32>], vector<16xf32>,
      %add3A_92 = arith.addf %gather3A_67, %gather3A_75 : vector<16xf32>
      %add3A_93 = arith.addf %add3A_92, %gather3A_87 : vector<16xf32>
      tpu.vector_store_idx %arg11[%add3A_86], %add3A_93 : memref<10000xf32, #tpu.memory_space<vmem>>[vector<16xi32>], vector<16xf32>,
      %add3A_94 = arith.constant 1 : i32
      %add3A_95 = vector.broadcast %add3A_94 : i32 to vector<16xi32>
      %add3A_96 = arith.addi %add3A_86, %add3A_95 : vector<16xi32>
      %add3A_97 = arith.addf %gather3A_71, %gather3A_79 : vector<16xf32>
      %add3A_98 = arith.addf %add3A_97, %gather3A_91 : vector<16xf32>
      tpu.vector_store_idx %arg11[%add3A_96], %add3A_98 : memref<10000xf32, #tpu.memory_space<vmem>>[vector<16xi32>], vector<16xf32>,
    }
    %scan3A_8 = arith.constant 312 : i32
    %lt3A = arith.constant 8 : i32
    %lt3A_9 = vector.broadcast %lt3A : i32 to vector<16xi32>
    %lt3A_10 = arith.cmpi slt, %iota3A, %lt3A_9 : vector<16xi32>
    %get3A = arith.constant 4992 : index
    %get3A_11 = tpu.vector_load %arg8[%get3A] {strides = array<i32>} : memref<5016xi32, #tpu.memory_space<vmem>>, vector<16xi32>,
    %mul3A_12 = arith.constant 4 : i32
    %mul3A_13 = vector.broadcast %mul3A_12 : i32 to vector<16xi32>
    %mul3A_14 = arith.muli %get3A_11, %mul3A_13 : vector<16xi32>
    %get3A_15 = arith.constant 4992 : index
    %get3A_16 = tpu.vector_load %arg9[%get3A_15] {strides = array<i32>} : memref<5016xi32, #tpu.memory_space<vmem>>, vector<16xi32>,
    %mul3A_17 = arith.constant 4 : i32
    %mul3A_18 = vector.broadcast %mul3A_17 : i32 to vector<16xi32>
    %mul3A_19 = arith.muli %get3A_16, %mul3A_18 : vector<16xi32>
    %gather3A = tpu.vector_load_idx %arg7[%mul3A_14] masked %lt3A_10 : memref<40000xf32, #tpu.memory_space<vmem>>[vector<16xi32>], vector<16xf32>, vector<16xi1>
    %add3A_20 = arith.constant 1 : i32
    %add3A_21 = vector.broadcast %add3A_20 : i32 to vector<16xi32>
    %add3A_22 = arith.addi %mul3A_14, %add3A_21 : vector<16xi32>
    %gather3A_23 = tpu.vector_load_idx %arg7[%add3A_22] masked %lt3A_10 : memref<40000xf32, #tpu.memory_space<vmem>>[vector<16xi32>], vector<16xf32>, vector<16xi1>
    %add3A_24 = arith.constant 2 : i32
    %add3A_25 = vector.broadcast %add3A_24 : i32 to vector<16xi32>
    %add3A_26 = arith.addi %mul3A_19, %add3A_25 : vector<16xi32>
    %gather3A_27 = tpu.vector_load_idx %arg7[%add3A_26] masked %lt3A_10 : memref<40000xf32, #tpu.memory_space<vmem>>[vector<16xi32>], vector<16xf32>, vector<16xi1>
    %add3A_28 = arith.constant 3 : i32
    %add3A_29 = vector.broadcast %add3A_28 : i32 to vector<16xi32>
    %add3A_30 = arith.addi %mul3A_19, %add3A_29 : vector<16xi32>
    %gather3A_31 = tpu.vector_load_idx %arg7[%add3A_30] masked %lt3A_10 : memref<40000xf32, #tpu.memory_space<vmem>>[vector<16xi32>], vector<16xf32>, vector<16xi1>
    %mul3A_32 = arith.constant 2 : i32
    %mul3A_33 = vector.broadcast %mul3A_32 : i32 to vector<16xi32>
    %mul3A_34 = arith.muli %mul3A_33, %iota3A : vector<16xi32>
    %add3A_35 = arith.constant 9984 : i32
    %add3A_36 = vector.broadcast %add3A_35 : i32 to vector<16xi32>
    %add3A_37 = arith.addi %add3A_36, %mul3A_34 : vector<16xi32>
    %gather3A_38 = tpu.vector_load_idx %arg10[%add3A_37] masked %lt3A_10 : memref<10000xf32, #tpu.memory_space<vmem>>[vector<16xi32>], vector<16xf32>, vector<16xi1>
    %add3A_39 = arith.constant 1 : i32
    %add3A_40 = vector.broadcast %add3A_39 : i32 to vector<16xi32>
    %add3A_41 = arith.addi %add3A_37, %add3A_40 : vector<16xi32>
    %gather3A_42 = tpu.vector_load_idx %arg10[%add3A_41] masked %lt3A_10 : memref<10000xf32, #tpu.memory_space<vmem>>[vector<16xi32>], vector<16xf32>, vector<16xi1>
    %add3A_43 = arith.addf %gather3A, %gather3A_27 : vector<16xf32>
    %add3A_44 = arith.addf %add3A_43, %gather3A_38 : vector<16xf32>
    tpu.vector_store_idx %arg11[%add3A_37], %add3A_44 masked %lt3A_10 : memref<10000xf32, #tpu.memory_space<vmem>>[vector<16xi32>], vector<16xf32>, vector<16xi1>
    %add3A_45 = arith.constant 1 : i32
    %add3A_46 = vector.broadcast %add3A_45 : i32 to vector<16xi32>
    %add3A_47 = arith.addi %add3A_37, %add3A_46 : vector<16xi32>
    %add3A_48 = arith.addf %gather3A_23, %gather3A_31 : vector<16xf32>
    %add3A_49 = arith.addf %add3A_48, %gather3A_42 : vector<16xf32>
    tpu.vector_store_idx %arg11[%add3A_47], %add3A_49 masked %lt3A_10 : memref<10000xf32, #tpu.memory_space<vmem>>[vector<16xi32>], vector<16xf32>, vector<16xi1>
    %mul3A_50 = arith.constant 2 : i32
    %mul3A_51 = arith.muli %mul3A_2, %mul3A_50 : i32
    "tpu.region"() ({
      %run_scoped3A = tpu.sem_alloc : memref<!tpu.dma_semaphore, #tpu.memory_space<semaphore_mem>>
      %dma_start3A = tpu.memref_slice %arg6[%mul3A_51] : memref<320000xf32, #tpu.memory_space<hbm>> -> memref<10000xf32, #tpu.memory_space<hbm>>
      %dma_start3A_52 = tpu.memref_slice %arg6[%mul3A_51] : memref<320000xf32, #tpu.memory_space<hbm>> -> memref<10000xf32, #tpu.memory_space<hbm>>
      tpu.enqueue_dma source(%arg11 : memref<10000xf32, #tpu.memory_space<vmem>>) target(%dma_start3A_52 : memref<10000xf32, #tpu.memory_space<hbm>>) target_semaphore(%run_scoped3A : memref<!tpu.dma_semaphore, #tpu.memory_space<semaphore_mem>>)
      %dma_wait3A = tpu.memref_slice %arg6[%mul3A_51] : memref<320000xf32, #tpu.memory_space<hbm>> -> memref<10000xf32, #tpu.memory_space<hbm>>
      %dma_wait3A_53 = tpu.memref_slice %arg6[%mul3A_51] : memref<320000xf32, #tpu.memory_space<hbm>> -> memref<10000xf32, #tpu.memory_space<hbm>>
      tpu.wait_dma2 semaphore(%run_scoped3A : memref<!tpu.dma_semaphore, #tpu.memory_space<semaphore_mem>>) src(%arg11 : memref<10000xf32, #tpu.memory_space<vmem>>) dst(%dma_wait3A_53 : memref<10000xf32, #tpu.memory_space<hbm>>)
      tpu.yield
    }) : () -> ()
    return
  }
}

#map = affine_map<(d0, d1) -> (0, 0)>
#map1 = affine_map<(d0, d1) -> (0, 0, 0)>
module attributes {stable_mosaic.version = 14 : i64} {
  func.func @_gs_body(%arg0: i32, %arg1: i32, %arg2: memref<10000x128xf32, #tpu.memory_space<hbm>>, %arg3: memref<32x50x100xi32, #tpu.memory_space<hbm>>, %arg4: memref<32x50x100xi32, #tpu.memory_space<hbm>>, %arg5: memref<2x10000x128xf32, #tpu.memory_space<hbm>>, %arg6: memref<10000x128xf32, #tpu.memory_space<vmem_shared>>, %arg7: memref<50x100xi32, #tpu.memory_space<vmem>>, %arg8: memref<50x100xi32, #tpu.memory_space<vmem>>, %arg9: memref<100x128xf32, #tpu.memory_space<vmem>>, %arg10: memref<100x128xf32, #tpu.memory_space<vmem>>, %arg11: memref<!tpu.dma_semaphore, #tpu.memory_space<semaphore_mem>>, %arg12: memref<!tpu.dma_semaphore, #tpu.memory_space<semaphore_mem>>) attributes {dimension_semantics = [#tpu.dimension_semantics<core_parallel>, #tpu.dimension_semantics<subcore_parallel>], iteration_bounds = array<i64: 2, 16>, scalar_prefetch = 0 : i64, scratch_operands = 7 : i64, tpu.core_type = #tpu.core_type<sc_vector_subcore>, window_params = [{transform_indices = #map}, {transform_indices = #map1}, {transform_indices = #map1}, {transform_indices = #map1}]} {
    %mul3A = arith.constant 16 : i32
    %mul3A_0 = arith.muli %arg0, %mul3A : i32
    %add3A = arith.addi %mul3A_0, %arg1 : i32
    "tpu.region"() ({
      %run_scoped3A = tpu.sem_alloc : memref<!tpu.dma_semaphore, #tpu.memory_space<semaphore_mem>>
      %dma_start3A_39 = arith.constant 0 : i32
      %dma_start3A_40 = arith.constant 0 : i32
      %dma_start3A_41 = tpu.memref_slice %arg3[%add3A, %dma_start3A_39, %dma_start3A_40] : memref<32x50x100xi32, #tpu.memory_space<hbm>> -> memref<1x50x100xi32, #tpu.memory_space<hbm>>
      %dma_start3A_42 = tpu.memref_squeeze %dma_start3A_41 : memref<1x50x100xi32, #tpu.memory_space<hbm>> -> memref<50x100xi32, #tpu.memory_space<hbm>>
      %dma_start3A_43 = arith.constant 0 : i32
      %dma_start3A_44 = arith.constant 0 : i32
      %dma_start3A_45 = tpu.memref_slice %arg3[%add3A, %dma_start3A_43, %dma_start3A_44] : memref<32x50x100xi32, #tpu.memory_space<hbm>> -> memref<1x50x100xi32, #tpu.memory_space<hbm>>
      %dma_start3A_46 = tpu.memref_squeeze %dma_start3A_45 : memref<1x50x100xi32, #tpu.memory_space<hbm>> -> memref<50x100xi32, #tpu.memory_space<hbm>>
      tpu.enqueue_dma source(%dma_start3A_46 : memref<50x100xi32, #tpu.memory_space<hbm>>) target(%arg7 : memref<50x100xi32, #tpu.memory_space<vmem>>) target_semaphore(%run_scoped3A : memref<!tpu.dma_semaphore, #tpu.memory_space<semaphore_mem>>)
      %dma_wait3A = arith.constant 0 : i32
      %dma_wait3A_47 = arith.constant 0 : i32
      %dma_wait3A_48 = tpu.memref_slice %arg3[%add3A, %dma_wait3A, %dma_wait3A_47] : memref<32x50x100xi32, #tpu.memory_space<hbm>> -> memref<1x50x100xi32, #tpu.memory_space<hbm>>
      %dma_wait3A_49 = tpu.memref_squeeze %dma_wait3A_48 : memref<1x50x100xi32, #tpu.memory_space<hbm>> -> memref<50x100xi32, #tpu.memory_space<hbm>>
      %dma_wait3A_50 = arith.constant 0 : i32
      %dma_wait3A_51 = arith.constant 0 : i32
      %dma_wait3A_52 = tpu.memref_slice %arg3[%add3A, %dma_wait3A_50, %dma_wait3A_51] : memref<32x50x100xi32, #tpu.memory_space<hbm>> -> memref<1x50x100xi32, #tpu.memory_space<hbm>>
      %dma_wait3A_53 = tpu.memref_squeeze %dma_wait3A_52 : memref<1x50x100xi32, #tpu.memory_space<hbm>> -> memref<50x100xi32, #tpu.memory_space<hbm>>
      tpu.wait_dma2 semaphore(%run_scoped3A : memref<!tpu.dma_semaphore, #tpu.memory_space<semaphore_mem>>) src(%dma_wait3A_53 : memref<50x100xi32, #tpu.memory_space<hbm>>) dst(%arg7 : memref<50x100xi32, #tpu.memory_space<vmem>>)
      tpu.yield
    }) : () -> ()
    "tpu.region"() ({
      %run_scoped3A = tpu.sem_alloc : memref<!tpu.dma_semaphore, #tpu.memory_space<semaphore_mem>>
      %dma_start3A_39 = arith.constant 0 : i32
      %dma_start3A_40 = arith.constant 0 : i32
      %dma_start3A_41 = tpu.memref_slice %arg4[%add3A, %dma_start3A_39, %dma_start3A_40] : memref<32x50x100xi32, #tpu.memory_space<hbm>> -> memref<1x50x100xi32, #tpu.memory_space<hbm>>
      %dma_start3A_42 = tpu.memref_squeeze %dma_start3A_41 : memref<1x50x100xi32, #tpu.memory_space<hbm>> -> memref<50x100xi32, #tpu.memory_space<hbm>>
      %dma_start3A_43 = arith.constant 0 : i32
      %dma_start3A_44 = arith.constant 0 : i32
      %dma_start3A_45 = tpu.memref_slice %arg4[%add3A, %dma_start3A_43, %dma_start3A_44] : memref<32x50x100xi32, #tpu.memory_space<hbm>> -> memref<1x50x100xi32, #tpu.memory_space<hbm>>
      %dma_start3A_46 = tpu.memref_squeeze %dma_start3A_45 : memref<1x50x100xi32, #tpu.memory_space<hbm>> -> memref<50x100xi32, #tpu.memory_space<hbm>>
      tpu.enqueue_dma source(%dma_start3A_46 : memref<50x100xi32, #tpu.memory_space<hbm>>) target(%arg8 : memref<50x100xi32, #tpu.memory_space<vmem>>) target_semaphore(%run_scoped3A : memref<!tpu.dma_semaphore, #tpu.memory_space<semaphore_mem>>)
      %dma_wait3A = arith.constant 0 : i32
      %dma_wait3A_47 = arith.constant 0 : i32
      %dma_wait3A_48 = tpu.memref_slice %arg4[%add3A, %dma_wait3A, %dma_wait3A_47] : memref<32x50x100xi32, #tpu.memory_space<hbm>> -> memref<1x50x100xi32, #tpu.memory_space<hbm>>
      %dma_wait3A_49 = tpu.memref_squeeze %dma_wait3A_48 : memref<1x50x100xi32, #tpu.memory_space<hbm>> -> memref<50x100xi32, #tpu.memory_space<hbm>>
      %dma_wait3A_50 = arith.constant 0 : i32
      %dma_wait3A_51 = arith.constant 0 : i32
      %dma_wait3A_52 = tpu.memref_slice %arg4[%add3A, %dma_wait3A_50, %dma_wait3A_51] : memref<32x50x100xi32, #tpu.memory_space<hbm>> -> memref<1x50x100xi32, #tpu.memory_space<hbm>>
      %dma_wait3A_53 = tpu.memref_squeeze %dma_wait3A_52 : memref<1x50x100xi32, #tpu.memory_space<hbm>> -> memref<50x100xi32, #tpu.memory_space<hbm>>
      tpu.wait_dma2 semaphore(%run_scoped3A : memref<!tpu.dma_semaphore, #tpu.memory_space<semaphore_mem>>) src(%dma_wait3A_53 : memref<50x100xi32, #tpu.memory_space<hbm>>) dst(%arg8 : memref<50x100xi32, #tpu.memory_space<vmem>>)
      tpu.yield
    }) : () -> ()
    %broadcast_in_dim3A = arith.constant 0.000000e+00 : f32
    %broadcast_in_dim3A_1 = vector.broadcast %broadcast_in_dim3A : f32 to vector<16xf32>
    %scan3A = arith.constant 0 : i32
    %scan3A_2 = arith.constant 80 : i32
    %scan3A_3 = arith.addi %scan3A, %scan3A_2 : i32
    %scan3A_4 = arith.constant 1 : i32
    scf.for %scan3A_39 = %scan3A to %scan3A_3 step %scan3A_4  : i32 {
      %swap3A = arith.index_cast %scan3A_39 : i32 to index
      %swap3A_40 = arith.constant 0 : index
      %swap3A_41 = tpu.vector_load %arg9[%swap3A, %swap3A_40] {strides = array<i32>} : memref<100x128xf32, #tpu.memory_space<vmem>>, vector<1x16xf32>,
      %swap3A_42 = vector.shape_cast %swap3A_41 : vector<1x16xf32> to vector<16xf32>
      %swap3A_43 = vector.shape_cast %broadcast_in_dim3A_1 : vector<16xf32> to vector<1x16xf32>
      tpu.vector_store %arg9[%swap3A, %swap3A_40], %swap3A_43 {strides = array<i32>} : memref<100x128xf32, #tpu.memory_space<vmem>>, vector<1x16xf32>,
      %swap3A_44 = arith.index_cast %scan3A_39 : i32 to index
      %swap3A_45 = arith.constant 16 : index
      %swap3A_46 = tpu.vector_load %arg9[%swap3A_44, %swap3A_45] {strides = array<i32>} : memref<100x128xf32, #tpu.memory_space<vmem>>, vector<1x16xf32>,
      %swap3A_47 = vector.shape_cast %swap3A_46 : vector<1x16xf32> to vector<16xf32>
      %swap3A_48 = vector.shape_cast %broadcast_in_dim3A_1 : vector<16xf32> to vector<1x16xf32>
      tpu.vector_store %arg9[%swap3A_44, %swap3A_45], %swap3A_48 {strides = array<i32>} : memref<100x128xf32, #tpu.memory_space<vmem>>, vector<1x16xf32>,
      %swap3A_49 = arith.index_cast %scan3A_39 : i32 to index
      %swap3A_50 = arith.constant 32 : index
      %swap3A_51 = tpu.vector_load %arg9[%swap3A_49, %swap3A_50] {strides = array<i32>} : memref<100x128xf32, #tpu.memory_space<vmem>>, vector<1x16xf32>,
      %swap3A_52 = vector.shape_cast %swap3A_51 : vector<1x16xf32> to vector<16xf32>
      %swap3A_53 = vector.shape_cast %broadcast_in_dim3A_1 : vector<16xf32> to vector<1x16xf32>
      tpu.vector_store %arg9[%swap3A_49, %swap3A_50], %swap3A_53 {strides = array<i32>} : memref<100x128xf32, #tpu.memory_space<vmem>>, vector<1x16xf32>,
      %swap3A_54 = arith.index_cast %scan3A_39 : i32 to index
      %swap3A_55 = arith.constant 48 : index
      %swap3A_56 = tpu.vector_load %arg9[%swap3A_54, %swap3A_55] {strides = array<i32>} : memref<100x128xf32, #tpu.memory_space<vmem>>, vector<1x16xf32>,
      %swap3A_57 = vector.shape_cast %swap3A_56 : vector<1x16xf32> to vector<16xf32>
      %swap3A_58 = vector.shape_cast %broadcast_in_dim3A_1 : vector<16xf32> to vector<1x16xf32>
      tpu.vector_store %arg9[%swap3A_54, %swap3A_55], %swap3A_58 {strides = array<i32>} : memref<100x128xf32, #tpu.memory_space<vmem>>, vector<1x16xf32>,
      %swap3A_59 = arith.index_cast %scan3A_39 : i32 to index
      %swap3A_60 = arith.constant 64 : index
      %swap3A_61 = tpu.vector_load %arg9[%swap3A_59, %swap3A_60] {strides = array<i32>} : memref<100x128xf32, #tpu.memory_space<vmem>>, vector<1x16xf32>,
      %swap3A_62 = vector.shape_cast %swap3A_61 : vector<1x16xf32> to vector<16xf32>
      %swap3A_63 = vector.shape_cast %broadcast_in_dim3A_1 : vector<16xf32> to vector<1x16xf32>
      tpu.vector_store %arg9[%swap3A_59, %swap3A_60], %swap3A_63 {strides = array<i32>} : memref<100x128xf32, #tpu.memory_space<vmem>>, vector<1x16xf32>,
      %swap3A_64 = arith.index_cast %scan3A_39 : i32 to index
      %swap3A_65 = arith.constant 80 : index
      %swap3A_66 = tpu.vector_load %arg9[%swap3A_64, %swap3A_65] {strides = array<i32>} : memref<100x128xf32, #tpu.memory_space<vmem>>, vector<1x16xf32>,
      %swap3A_67 = vector.shape_cast %swap3A_66 : vector<1x16xf32> to vector<16xf32>
      %swap3A_68 = vector.shape_cast %broadcast_in_dim3A_1 : vector<16xf32> to vector<1x16xf32>
      tpu.vector_store %arg9[%swap3A_64, %swap3A_65], %swap3A_68 {strides = array<i32>} : memref<100x128xf32, #tpu.memory_space<vmem>>, vector<1x16xf32>,
      %swap3A_69 = arith.index_cast %scan3A_39 : i32 to index
      %swap3A_70 = arith.constant 96 : index
      %swap3A_71 = tpu.vector_load %arg9[%swap3A_69, %swap3A_70] {strides = array<i32>} : memref<100x128xf32, #tpu.memory_space<vmem>>, vector<1x16xf32>,
      %swap3A_72 = vector.shape_cast %swap3A_71 : vector<1x16xf32> to vector<16xf32>
      %swap3A_73 = vector.shape_cast %broadcast_in_dim3A_1 : vector<16xf32> to vector<1x16xf32>
      tpu.vector_store %arg9[%swap3A_69, %swap3A_70], %swap3A_73 {strides = array<i32>} : memref<100x128xf32, #tpu.memory_space<vmem>>, vector<1x16xf32>,
      %swap3A_74 = arith.index_cast %scan3A_39 : i32 to index
      %swap3A_75 = arith.constant 112 : index
      %swap3A_76 = tpu.vector_load %arg9[%swap3A_74, %swap3A_75] {strides = array<i32>} : memref<100x128xf32, #tpu.memory_space<vmem>>, vector<1x16xf32>,
      %swap3A_77 = vector.shape_cast %swap3A_76 : vector<1x16xf32> to vector<16xf32>
      %swap3A_78 = vector.shape_cast %broadcast_in_dim3A_1 : vector<16xf32> to vector<1x16xf32>
      tpu.vector_store %arg9[%swap3A_74, %swap3A_75], %swap3A_78 {strides = array<i32>} : memref<100x128xf32, #tpu.memory_space<vmem>>, vector<1x16xf32>,
    }
    %scan3A_5 = arith.constant 80 : i32
    %mul3A_6 = arith.constant 640 : i32
    %mul3A_7 = arith.muli %arg1, %mul3A_6 : i32
    %lt3A = arith.constant 15 : i32
    %lt3A_8 = arith.cmpi slt, %arg1, %lt3A : i32
    %jit3A = arith.constant 8 : i32
    %jit3A_9 = arith.constant 5 : i32
    %select_n3A = arith.select %lt3A_8, %jit3A, %jit3A_9 : i32
    %while3A = arith.constant 0 : i32
    %while3A_10 = arith.subi %select_n3A, %while3A : i32
    %while3A_11 = arith.addi %while3A, %while3A_10 : i32
    %while3A_12 = arith.constant 1 : i32
    %while3A_13 = arith.divsi %while3A_10, %while3A_12 : i32
    %while3A_14 = arith.muli %while3A_13, %while3A_12 : i32
    %while3A_15 = arith.addi %while3A, %while3A_14 : i32
    %while3A_16 = arith.constant 1 : i32
    scf.for %while3A_39 = %while3A to %while3A_15 step %while3A_16  : i32 {
      %mul3A_40 = arith.constant 80 : i32
      %mul3A_41 = arith.muli %while3A_39, %mul3A_40 : i32
      %add3A_42 = arith.addi %mul3A_7, %mul3A_41 : i32
      "tpu.region"() ({
        %run_scoped3A = tpu.sem_alloc : memref<!tpu.dma_semaphore, #tpu.memory_space<semaphore_mem>>
        %dma_start3A_43 = arith.constant 0 : i32
        %dma_start3A_44 = arith.constant 0 : i32
        %dma_start3A_45 = tpu.memref_slice %arg9[%dma_start3A_43, %dma_start3A_44] : memref<100x128xf32, #tpu.memory_space<vmem>> -> memref<80x128xf32, #tpu.memory_space<vmem>>
        %dma_start3A_46 = arith.constant 0 : i32
        %dma_start3A_47 = tpu.memref_slice %arg6[%add3A_42, %dma_start3A_46] : memref<10000x128xf32, #tpu.memory_space<vmem_shared>> -> memref<80x128xf32, #tpu.memory_space<vmem_shared>>
        %dma_start3A_48 = arith.constant 0 : i32
        %dma_start3A_49 = tpu.memref_slice %arg6[%add3A_42, %dma_start3A_48] : memref<10000x128xf32, #tpu.memory_space<vmem_shared>> -> memref<80x128xf32, #tpu.memory_space<vmem_shared>>
        %dma_start3A_50 = arith.constant 0 : i32
        %dma_start3A_51 = arith.constant 0 : i32
        %dma_start3A_52 = tpu.memref_slice %arg9[%dma_start3A_50, %dma_start3A_51] : memref<100x128xf32, #tpu.memory_space<vmem>> -> memref<80x128xf32, #tpu.memory_space<vmem>>
        tpu.enqueue_dma source(%dma_start3A_52 : memref<80x128xf32, #tpu.memory_space<vmem>>) target(%dma_start3A_49 : memref<80x128xf32, #tpu.memory_space<vmem_shared>>) target_semaphore(%run_scoped3A : memref<!tpu.dma_semaphore, #tpu.memory_space<semaphore_mem>>)
        %dma_wait3A = arith.constant 0 : i32
        %dma_wait3A_53 = arith.constant 0 : i32
        %dma_wait3A_54 = tpu.memref_slice %arg9[%dma_wait3A, %dma_wait3A_53] : memref<100x128xf32, #tpu.memory_space<vmem>> -> memref<80x128xf32, #tpu.memory_space<vmem>>
        %dma_wait3A_55 = arith.constant 0 : i32
        %dma_wait3A_56 = tpu.memref_slice %arg6[%add3A_42, %dma_wait3A_55] : memref<10000x128xf32, #tpu.memory_space<vmem_shared>> -> memref<80x128xf32, #tpu.memory_space<vmem_shared>>
        %dma_wait3A_57 = arith.constant 0 : i32
        %dma_wait3A_58 = tpu.memref_slice %arg6[%add3A_42, %dma_wait3A_57] : memref<10000x128xf32, #tpu.memory_space<vmem_shared>> -> memref<80x128xf32, #tpu.memory_space<vmem_shared>>
        %dma_wait3A_59 = arith.constant 0 : i32
        %dma_wait3A_60 = arith.constant 0 : i32
        %dma_wait3A_61 = tpu.memref_slice %arg9[%dma_wait3A_59, %dma_wait3A_60] : memref<100x128xf32, #tpu.memory_space<vmem>> -> memref<80x128xf32, #tpu.memory_space<vmem>>
        tpu.wait_dma2 semaphore(%run_scoped3A : memref<!tpu.dma_semaphore, #tpu.memory_space<semaphore_mem>>) src(%dma_wait3A_61 : memref<80x128xf32, #tpu.memory_space<vmem>>) dst(%dma_wait3A_58 : memref<80x128xf32, #tpu.memory_space<vmem_shared>>)
        tpu.yield
      }) : () -> ()
    }
    %while3A_17 = arith.constant 1 : i32
    scf.for %while3A_39 = %while3A_15 to %while3A_11 step %while3A_17  : i32 {
      %mul3A_40 = arith.constant 80 : i32
      %mul3A_41 = arith.muli %while3A_39, %mul3A_40 : i32
      %add3A_42 = arith.addi %mul3A_7, %mul3A_41 : i32
      "tpu.region"() ({
        %run_scoped3A = tpu.sem_alloc : memref<!tpu.dma_semaphore, #tpu.memory_space<semaphore_mem>>
        %dma_start3A_43 = arith.constant 0 : i32
        %dma_start3A_44 = arith.constant 0 : i32
        %dma_start3A_45 = tpu.memref_slice %arg9[%dma_start3A_43, %dma_start3A_44] : memref<100x128xf32, #tpu.memory_space<vmem>> -> memref<80x128xf32, #tpu.memory_space<vmem>>
        %dma_start3A_46 = arith.constant 0 : i32
        %dma_start3A_47 = tpu.memref_slice %arg6[%add3A_42, %dma_start3A_46] : memref<10000x128xf32, #tpu.memory_space<vmem_shared>> -> memref<80x128xf32, #tpu.memory_space<vmem_shared>>
        %dma_start3A_48 = arith.constant 0 : i32
        %dma_start3A_49 = tpu.memref_slice %arg6[%add3A_42, %dma_start3A_48] : memref<10000x128xf32, #tpu.memory_space<vmem_shared>> -> memref<80x128xf32, #tpu.memory_space<vmem_shared>>
        %dma_start3A_50 = arith.constant 0 : i32
        %dma_start3A_51 = arith.constant 0 : i32
        %dma_start3A_52 = tpu.memref_slice %arg9[%dma_start3A_50, %dma_start3A_51] : memref<100x128xf32, #tpu.memory_space<vmem>> -> memref<80x128xf32, #tpu.memory_space<vmem>>
        tpu.enqueue_dma source(%dma_start3A_52 : memref<80x128xf32, #tpu.memory_space<vmem>>) target(%dma_start3A_49 : memref<80x128xf32, #tpu.memory_space<vmem_shared>>) target_semaphore(%run_scoped3A : memref<!tpu.dma_semaphore, #tpu.memory_space<semaphore_mem>>)
        %dma_wait3A = arith.constant 0 : i32
        %dma_wait3A_53 = arith.constant 0 : i32
        %dma_wait3A_54 = tpu.memref_slice %arg9[%dma_wait3A, %dma_wait3A_53] : memref<100x128xf32, #tpu.memory_space<vmem>> -> memref<80x128xf32, #tpu.memory_space<vmem>>
        %dma_wait3A_55 = arith.constant 0 : i32
        %dma_wait3A_56 = tpu.memref_slice %arg6[%add3A_42, %dma_wait3A_55] : memref<10000x128xf32, #tpu.memory_space<vmem_shared>> -> memref<80x128xf32, #tpu.memory_space<vmem_shared>>
        %dma_wait3A_57 = arith.constant 0 : i32
        %dma_wait3A_58 = tpu.memref_slice %arg6[%add3A_42, %dma_wait3A_57] : memref<10000x128xf32, #tpu.memory_space<vmem_shared>> -> memref<80x128xf32, #tpu.memory_space<vmem_shared>>
        %dma_wait3A_59 = arith.constant 0 : i32
        %dma_wait3A_60 = arith.constant 0 : i32
        %dma_wait3A_61 = tpu.memref_slice %arg9[%dma_wait3A_59, %dma_wait3A_60] : memref<100x128xf32, #tpu.memory_space<vmem>> -> memref<80x128xf32, #tpu.memory_space<vmem>>
        tpu.wait_dma2 semaphore(%run_scoped3A : memref<!tpu.dma_semaphore, #tpu.memory_space<semaphore_mem>>) src(%dma_wait3A_61 : memref<80x128xf32, #tpu.memory_space<vmem>>) dst(%dma_wait3A_58 : memref<80x128xf32, #tpu.memory_space<vmem_shared>>)
        tpu.yield
      }) : () -> ()
    }
    %barrier3A = arith.constant 0 : index
    tpu.barrier barrier_id(%barrier3A)
    %dma_start3A = arith.constant 0 : i32
    %dma_start3A_18 = arith.constant 0 : i32
    %dma_start3A_19 = tpu.memref_slice %arg7[%dma_start3A, %dma_start3A_18] : memref<50x100xi32, #tpu.memory_space<vmem>> -> memref<1x100xi32, #tpu.memory_space<vmem>>
    %dma_start3A_20 = tpu.memref_squeeze %dma_start3A_19 : memref<1x100xi32, #tpu.memory_space<vmem>> -> memref<100xi32, #tpu.memory_space<vmem>>
    %dma_start3A_21 = arith.constant 0 : i32
    %dma_start3A_22 = arith.constant 0 : i32
    %dma_start3A_23 = tpu.memref_slice %arg2[%dma_start3A_21, %dma_start3A_22] : memref<10000x128xf32, #tpu.memory_space<hbm>> -> memref<10000x128xf32, #tpu.memory_space<hbm>>
    tpu.enqueue_indirect_dma source(%dma_start3A_23 : memref<10000x128xf32, #tpu.memory_space<hbm>>) target(%arg9 : memref<100x128xf32, #tpu.memory_space<vmem>>) offsets(%dma_start3A_20 : memref<100xi32, #tpu.memory_space<vmem>>) semaphore(%arg11 : memref<!tpu.dma_semaphore, #tpu.memory_space<semaphore_mem>>)
    %scan3A_24 = arith.constant 0 : i32
    %scan3A_25 = arith.constant 25 : i32
    %scan3A_26 = arith.addi %scan3A_24, %scan3A_25 : i32
    %scan3A_27 = arith.constant 1 : i32
    scf.for %scan3A_39 = %scan3A_24 to %scan3A_26 step %scan3A_27  : i32 {
      %mul3A_40 = arith.constant 2 : i32
      %mul3A_41 = arith.muli %scan3A_39, %mul3A_40 : i32
      %add3A_42 = arith.constant 1 : i32
      %add3A_43 = arith.addi %mul3A_41, %add3A_42 : i32
      %dma_start3A_44 = arith.constant 0 : i32
      %dma_start3A_45 = tpu.memref_slice %arg7[%add3A_43, %dma_start3A_44] : memref<50x100xi32, #tpu.memory_space<vmem>> -> memref<1x100xi32, #tpu.memory_space<vmem>>
      %dma_start3A_46 = tpu.memref_squeeze %dma_start3A_45 : memref<1x100xi32, #tpu.memory_space<vmem>> -> memref<100xi32, #tpu.memory_space<vmem>>
      %dma_start3A_47 = arith.constant 0 : i32
      %dma_start3A_48 = arith.constant 0 : i32
      %dma_start3A_49 = tpu.memref_slice %arg2[%dma_start3A_47, %dma_start3A_48] : memref<10000x128xf32, #tpu.memory_space<hbm>> -> memref<10000x128xf32, #tpu.memory_space<hbm>>
      tpu.enqueue_indirect_dma source(%dma_start3A_49 : memref<10000x128xf32, #tpu.memory_space<hbm>>) target(%arg10 : memref<100x128xf32, #tpu.memory_space<vmem>>) offsets(%dma_start3A_46 : memref<100xi32, #tpu.memory_space<vmem>>) semaphore(%arg12 : memref<!tpu.dma_semaphore, #tpu.memory_space<semaphore_mem>>)
      %dma_wait3A = arith.constant 0 : i32
      %dma_wait3A_50 = tpu.memref_slice %arg7[%mul3A_41, %dma_wait3A] : memref<50x100xi32, #tpu.memory_space<vmem>> -> memref<1x100xi32, #tpu.memory_space<vmem>>
      %dma_wait3A_51 = tpu.memref_squeeze %dma_wait3A_50 : memref<1x100xi32, #tpu.memory_space<vmem>> -> memref<100xi32, #tpu.memory_space<vmem>>
      %dma_wait3A_52 = arith.constant 0 : i32
      %dma_wait3A_53 = arith.constant 0 : i32
      %dma_wait3A_54 = tpu.memref_slice %arg2[%dma_wait3A_52, %dma_wait3A_53] : memref<10000x128xf32, #tpu.memory_space<hbm>> -> memref<10000x128xf32, #tpu.memory_space<hbm>>
      tpu.wait_indirect_dma semaphore(%arg11 : memref<!tpu.dma_semaphore, #tpu.memory_space<semaphore_mem>>) src(%dma_wait3A_54 : memref<10000x128xf32, #tpu.memory_space<hbm>>) dst(%arg9 : memref<100x128xf32, #tpu.memory_space<vmem>>)
      "tpu.region"() ({
        %run_scoped3A = tpu.sem_alloc : memref<!tpu.dma_semaphore, #tpu.memory_space<semaphore_mem>>
        %dma_start3A_70 = arith.constant 0 : i32
        %dma_start3A_71 = tpu.memref_slice %arg8[%mul3A_41, %dma_start3A_70] : memref<50x100xi32, #tpu.memory_space<vmem>> -> memref<1x100xi32, #tpu.memory_space<vmem>>
        %dma_start3A_72 = tpu.memref_squeeze %dma_start3A_71 : memref<1x100xi32, #tpu.memory_space<vmem>> -> memref<100xi32, #tpu.memory_space<vmem>>
        %dma_start3A_73 = arith.constant 0 : i32
        %dma_start3A_74 = arith.constant 0 : i32
        %dma_start3A_75 = tpu.memref_slice %arg6[%dma_start3A_73, %dma_start3A_74] : memref<10000x128xf32, #tpu.memory_space<vmem_shared>> -> memref<10000x128xf32, #tpu.memory_space<vmem_shared>>
        tpu.enqueue_indirect_dma source(%arg9 : memref<100x128xf32, #tpu.memory_space<vmem>>) target(%dma_start3A_75 : memref<10000x128xf32, #tpu.memory_space<vmem_shared>>) offsets(%dma_start3A_72 : memref<100xi32, #tpu.memory_space<vmem>>) semaphore(%run_scoped3A : memref<!tpu.dma_semaphore, #tpu.memory_space<semaphore_mem>>) {add = true}
        %dma_wait3A_76 = arith.constant 0 : i32
        %dma_wait3A_77 = tpu.memref_slice %arg8[%mul3A_41, %dma_wait3A_76] : memref<50x100xi32, #tpu.memory_space<vmem>> -> memref<1x100xi32, #tpu.memory_space<vmem>>
        %dma_wait3A_78 = tpu.memref_squeeze %dma_wait3A_77 : memref<1x100xi32, #tpu.memory_space<vmem>> -> memref<100xi32, #tpu.memory_space<vmem>>
        %dma_wait3A_79 = arith.constant 0 : i32
        %dma_wait3A_80 = arith.constant 0 : i32
        %dma_wait3A_81 = tpu.memref_slice %arg6[%dma_wait3A_79, %dma_wait3A_80] : memref<10000x128xf32, #tpu.memory_space<vmem_shared>> -> memref<10000x128xf32, #tpu.memory_space<vmem_shared>>
        tpu.wait_indirect_dma semaphore(%run_scoped3A : memref<!tpu.dma_semaphore, #tpu.memory_space<semaphore_mem>>) src(%arg9 : memref<100x128xf32, #tpu.memory_space<vmem>>) dst(%dma_wait3A_81 : memref<10000x128xf32, #tpu.memory_space<vmem_shared>>)
        tpu.yield
      }) : () -> ()
      %add3A_55 = arith.constant 2 : i32
      %add3A_56 = arith.addi %mul3A_41, %add3A_55 : i32
      %lt3A_57 = arith.constant 50 : i32
      %lt3A_58 = arith.cmpi slt, %add3A_56, %lt3A_57 : i32
      %convert_element_type3A = arith.extui %lt3A_58 : i1 to i32
      %cond3A = arith.constant 0 : i32
      %cond3A_59 = arith.cmpi ne, %convert_element_type3A, %cond3A : i32
      scf.if %cond3A_59 {
        %add3A_70 = arith.constant 2 : i32
        %add3A_71 = arith.addi %mul3A_41, %add3A_70 : i32
        %dma_start3A_72 = arith.constant 0 : i32
        %dma_start3A_73 = tpu.memref_slice %arg7[%add3A_71, %dma_start3A_72] : memref<50x100xi32, #tpu.memory_space<vmem>> -> memref<1x100xi32, #tpu.memory_space<vmem>>
        %dma_start3A_74 = tpu.memref_squeeze %dma_start3A_73 : memref<1x100xi32, #tpu.memory_space<vmem>> -> memref<100xi32, #tpu.memory_space<vmem>>
        %dma_start3A_75 = arith.constant 0 : i32
        %dma_start3A_76 = arith.constant 0 : i32
        %dma_start3A_77 = tpu.memref_slice %arg2[%dma_start3A_75, %dma_start3A_76] : memref<10000x128xf32, #tpu.memory_space<hbm>> -> memref<10000x128xf32, #tpu.memory_space<hbm>>
        tpu.enqueue_indirect_dma source(%dma_start3A_77 : memref<10000x128xf32, #tpu.memory_space<hbm>>) target(%arg9 : memref<100x128xf32, #tpu.memory_space<vmem>>) offsets(%dma_start3A_74 : memref<100xi32, #tpu.memory_space<vmem>>) semaphore(%arg11 : memref<!tpu.dma_semaphore, #tpu.memory_space<semaphore_mem>>)
      } else {
      }
      %add3A_60 = arith.constant 1 : i32
      %add3A_61 = arith.addi %mul3A_41, %add3A_60 : i32
      %dma_wait3A_62 = arith.constant 0 : i32
      %dma_wait3A_63 = tpu.memref_slice %arg7[%add3A_61, %dma_wait3A_62] : memref<50x100xi32, #tpu.memory_space<vmem>> -> memref<1x100xi32, #tpu.memory_space<vmem>>
      %dma_wait3A_64 = tpu.memref_squeeze %dma_wait3A_63 : memref<1x100xi32, #tpu.memory_space<vmem>> -> memref<100xi32, #tpu.memory_space<vmem>>
      %dma_wait3A_65 = arith.constant 0 : i32
      %dma_wait3A_66 = arith.constant 0 : i32
      %dma_wait3A_67 = tpu.memref_slice %arg2[%dma_wait3A_65, %dma_wait3A_66] : memref<10000x128xf32, #tpu.memory_space<hbm>> -> memref<10000x128xf32, #tpu.memory_space<hbm>>
      tpu.wait_indirect_dma semaphore(%arg12 : memref<!tpu.dma_semaphore, #tpu.memory_space<semaphore_mem>>) src(%dma_wait3A_67 : memref<10000x128xf32, #tpu.memory_space<hbm>>) dst(%arg10 : memref<100x128xf32, #tpu.memory_space<vmem>>)
      %add3A_68 = arith.constant 1 : i32
      %add3A_69 = arith.addi %mul3A_41, %add3A_68 : i32
      "tpu.region"() ({
        %run_scoped3A = tpu.sem_alloc : memref<!tpu.dma_semaphore, #tpu.memory_space<semaphore_mem>>
        %dma_start3A_70 = arith.constant 0 : i32
        %dma_start3A_71 = tpu.memref_slice %arg8[%add3A_69, %dma_start3A_70] : memref<50x100xi32, #tpu.memory_space<vmem>> -> memref<1x100xi32, #tpu.memory_space<vmem>>
        %dma_start3A_72 = tpu.memref_squeeze %dma_start3A_71 : memref<1x100xi32, #tpu.memory_space<vmem>> -> memref<100xi32, #tpu.memory_space<vmem>>
        %dma_start3A_73 = arith.constant 0 : i32
        %dma_start3A_74 = arith.constant 0 : i32
        %dma_start3A_75 = tpu.memref_slice %arg6[%dma_start3A_73, %dma_start3A_74] : memref<10000x128xf32, #tpu.memory_space<vmem_shared>> -> memref<10000x128xf32, #tpu.memory_space<vmem_shared>>
        tpu.enqueue_indirect_dma source(%arg10 : memref<100x128xf32, #tpu.memory_space<vmem>>) target(%dma_start3A_75 : memref<10000x128xf32, #tpu.memory_space<vmem_shared>>) offsets(%dma_start3A_72 : memref<100xi32, #tpu.memory_space<vmem>>) semaphore(%run_scoped3A : memref<!tpu.dma_semaphore, #tpu.memory_space<semaphore_mem>>) {add = true}
        %dma_wait3A_76 = arith.constant 0 : i32
        %dma_wait3A_77 = tpu.memref_slice %arg8[%add3A_69, %dma_wait3A_76] : memref<50x100xi32, #tpu.memory_space<vmem>> -> memref<1x100xi32, #tpu.memory_space<vmem>>
        %dma_wait3A_78 = tpu.memref_squeeze %dma_wait3A_77 : memref<1x100xi32, #tpu.memory_space<vmem>> -> memref<100xi32, #tpu.memory_space<vmem>>
        %dma_wait3A_79 = arith.constant 0 : i32
        %dma_wait3A_80 = arith.constant 0 : i32
        %dma_wait3A_81 = tpu.memref_slice %arg6[%dma_wait3A_79, %dma_wait3A_80] : memref<10000x128xf32, #tpu.memory_space<vmem_shared>> -> memref<10000x128xf32, #tpu.memory_space<vmem_shared>>
        tpu.wait_indirect_dma semaphore(%run_scoped3A : memref<!tpu.dma_semaphore, #tpu.memory_space<semaphore_mem>>) src(%arg10 : memref<100x128xf32, #tpu.memory_space<vmem>>) dst(%dma_wait3A_81 : memref<10000x128xf32, #tpu.memory_space<vmem_shared>>)
        tpu.yield
      }) : () -> ()
    }
    %scan3A_28 = arith.constant 25 : i32
    %barrier3A_29 = arith.constant 0 : index
    tpu.barrier barrier_id(%barrier3A_29)
    %while3A_30 = arith.constant 0 : i32
    %while3A_31 = arith.subi %select_n3A, %while3A_30 : i32
    %while3A_32 = arith.addi %while3A_30, %while3A_31 : i32
    %while3A_33 = arith.constant 1 : i32
    %while3A_34 = arith.divsi %while3A_31, %while3A_33 : i32
    %while3A_35 = arith.muli %while3A_34, %while3A_33 : i32
    %while3A_36 = arith.addi %while3A_30, %while3A_35 : i32
    %while3A_37 = arith.constant 1 : i32
    scf.for %while3A_39 = %while3A_30 to %while3A_36 step %while3A_37  : i32 {
      %mul3A_40 = arith.constant 80 : i32
      %mul3A_41 = arith.muli %while3A_39, %mul3A_40 : i32
      %add3A_42 = arith.addi %mul3A_7, %mul3A_41 : i32
      %mul3A_43 = arith.constant 80 : i32
      %mul3A_44 = arith.muli %while3A_39, %mul3A_43 : i32
      %add3A_45 = arith.addi %mul3A_7, %mul3A_44 : i32
      "tpu.region"() ({
        %run_scoped3A = tpu.sem_alloc : memref<!tpu.dma_semaphore, #tpu.memory_space<semaphore_mem>>
        %dma_start3A_46 = arith.constant 0 : i32
        %dma_start3A_47 = arith.constant 0 : i32
        %dma_start3A_48 = tpu.memref_slice %arg5[%arg0, %dma_start3A_46, %dma_start3A_47] : memref<2x10000x128xf32, #tpu.memory_space<hbm>> -> memref<1x10000x128xf32, #tpu.memory_space<hbm>>
        %dma_start3A_49 = tpu.memref_squeeze %dma_start3A_48 : memref<1x10000x128xf32, #tpu.memory_space<hbm>> -> memref<10000x128xf32, #tpu.memory_space<hbm>>
        %dma_start3A_50 = arith.constant 0 : i32
        %dma_start3A_51 = tpu.memref_slice %dma_start3A_49[%add3A_45, %dma_start3A_50] : memref<10000x128xf32, #tpu.memory_space<hbm>> -> memref<80x128xf32, #tpu.memory_space<hbm>>
        %dma_start3A_52 = arith.constant 0 : i32
        %dma_start3A_53 = tpu.memref_slice %arg6[%add3A_42, %dma_start3A_52] : memref<10000x128xf32, #tpu.memory_space<vmem_shared>> -> memref<80x128xf32, #tpu.memory_space<vmem_shared>>
        tpu.enqueue_dma source(%dma_start3A_53 : memref<80x128xf32, #tpu.memory_space<vmem_shared>>) target(%dma_start3A_51 : memref<80x128xf32, #tpu.memory_space<hbm>>) target_semaphore(%run_scoped3A : memref<!tpu.dma_semaphore, #tpu.memory_space<semaphore_mem>>)
        %dma_wait3A = arith.constant 0 : i32
        %dma_wait3A_54 = arith.constant 0 : i32
        %dma_wait3A_55 = tpu.memref_slice %arg5[%arg0, %dma_wait3A, %dma_wait3A_54] : memref<2x10000x128xf32, #tpu.memory_space<hbm>> -> memref<1x10000x128xf32, #tpu.memory_space<hbm>>
        %dma_wait3A_56 = tpu.memref_squeeze %dma_wait3A_55 : memref<1x10000x128xf32, #tpu.memory_space<hbm>> -> memref<10000x128xf32, #tpu.memory_space<hbm>>
        %dma_wait3A_57 = arith.constant 0 : i32
        %dma_wait3A_58 = tpu.memref_slice %dma_wait3A_56[%add3A_45, %dma_wait3A_57] : memref<10000x128xf32, #tpu.memory_space<hbm>> -> memref<80x128xf32, #tpu.memory_space<hbm>>
        %dma_wait3A_59 = arith.constant 0 : i32
        %dma_wait3A_60 = tpu.memref_slice %arg6[%add3A_42, %dma_wait3A_59] : memref<10000x128xf32, #tpu.memory_space<vmem_shared>> -> memref<80x128xf32, #tpu.memory_space<vmem_shared>>
        tpu.wait_dma2 semaphore(%run_scoped3A : memref<!tpu.dma_semaphore, #tpu.memory_space<semaphore_mem>>) src(%dma_wait3A_60 : memref<80x128xf32, #tpu.memory_space<vmem_shared>>) dst(%dma_wait3A_58 : memref<80x128xf32, #tpu.memory_space<hbm>>)
        tpu.yield
      }) : () -> ()
    }
    %while3A_38 = arith.constant 1 : i32
    scf.for %while3A_39 = %while3A_36 to %while3A_32 step %while3A_38  : i32 {
      %mul3A_40 = arith.constant 80 : i32
      %mul3A_41 = arith.muli %while3A_39, %mul3A_40 : i32
      %add3A_42 = arith.addi %mul3A_7, %mul3A_41 : i32
      %mul3A_43 = arith.constant 80 : i32
      %mul3A_44 = arith.muli %while3A_39, %mul3A_43 : i32
      %add3A_45 = arith.addi %mul3A_7, %mul3A_44 : i32
      "tpu.region"() ({
        %run_scoped3A = tpu.sem_alloc : memref<!tpu.dma_semaphore, #tpu.memory_space<semaphore_mem>>
        %dma_start3A_46 = arith.constant 0 : i32
        %dma_start3A_47 = arith.constant 0 : i32
        %dma_start3A_48 = tpu.memref_slice %arg5[%arg0, %dma_start3A_46, %dma_start3A_47] : memref<2x10000x128xf32, #tpu.memory_space<hbm>> -> memref<1x10000x128xf32, #tpu.memory_space<hbm>>
        %dma_start3A_49 = tpu.memref_squeeze %dma_start3A_48 : memref<1x10000x128xf32, #tpu.memory_space<hbm>> -> memref<10000x128xf32, #tpu.memory_space<hbm>>
        %dma_start3A_50 = arith.constant 0 : i32
        %dma_start3A_51 = tpu.memref_slice %dma_start3A_49[%add3A_45, %dma_start3A_50] : memref<10000x128xf32, #tpu.memory_space<hbm>> -> memref<80x128xf32, #tpu.memory_space<hbm>>
        %dma_start3A_52 = arith.constant 0 : i32
        %dma_start3A_53 = tpu.memref_slice %arg6[%add3A_42, %dma_start3A_52] : memref<10000x128xf32, #tpu.memory_space<vmem_shared>> -> memref<80x128xf32, #tpu.memory_space<vmem_shared>>
        tpu.enqueue_dma source(%dma_start3A_53 : memref<80x128xf32, #tpu.memory_space<vmem_shared>>) target(%dma_start3A_51 : memref<80x128xf32, #tpu.memory_space<hbm>>) target_semaphore(%run_scoped3A : memref<!tpu.dma_semaphore, #tpu.memory_space<semaphore_mem>>)
        %dma_wait3A = arith.constant 0 : i32
        %dma_wait3A_54 = arith.constant 0 : i32
        %dma_wait3A_55 = tpu.memref_slice %arg5[%arg0, %dma_wait3A, %dma_wait3A_54] : memref<2x10000x128xf32, #tpu.memory_space<hbm>> -> memref<1x10000x128xf32, #tpu.memory_space<hbm>>
        %dma_wait3A_56 = tpu.memref_squeeze %dma_wait3A_55 : memref<1x10000x128xf32, #tpu.memory_space<hbm>> -> memref<10000x128xf32, #tpu.memory_space<hbm>>
        %dma_wait3A_57 = arith.constant 0 : i32
        %dma_wait3A_58 = tpu.memref_slice %dma_wait3A_56[%add3A_45, %dma_wait3A_57] : memref<10000x128xf32, #tpu.memory_space<hbm>> -> memref<80x128xf32, #tpu.memory_space<hbm>>
        %dma_wait3A_59 = arith.constant 0 : i32
        %dma_wait3A_60 = tpu.memref_slice %arg6[%add3A_42, %dma_wait3A_59] : memref<10000x128xf32, #tpu.memory_space<vmem_shared>> -> memref<80x128xf32, #tpu.memory_space<vmem_shared>>
        tpu.wait_dma2 semaphore(%run_scoped3A : memref<!tpu.dma_semaphore, #tpu.memory_space<semaphore_mem>>) src(%dma_wait3A_60 : memref<80x128xf32, #tpu.memory_space<vmem_shared>>) dst(%dma_wait3A_58 : memref<80x128xf32, #tpu.memory_space<hbm>>)
        tpu.yield
      }) : () -> ()
    }
    return
  }
}

module attributes {stable_mosaic.version = 14 : i64} {
  func.func @_mm_body(%arg0: i32, %arg1: memref<1000x256xf32, #tpu.memory_space<vmem>>, %arg2: memref<256x128xf32, #tpu.memory_space<vmem>>, %arg3: memref<1000x128xf32, #tpu.memory_space<vmem>>) attributes {dimension_semantics = [#tpu.dimension_semantics<arbitrary>], iteration_bounds = array<i64: 10>, scalar_prefetch = 0 : i64, scratch_operands = 0 : i64, tpu.core_type = #tpu.core_type<tc>, window_params = [{transform_indices = @transform_0, window_bounds = array<i64: 1000, 256>}, {pipeline_mode = #tpu.pipeline_mode<synchronous>, transform_indices = @transform_1, window_bounds = array<i64: 256, 128>}, {transform_indices = @transform_2, window_bounds = array<i64: 1000, 128>}]} {
    %get3A = arith.constant 0 : index
    %get3A_0 = arith.constant 0 : index
    %get3A_1 = vector.load %arg1[%get3A, %get3A_0] : memref<1000x256xf32, #tpu.memory_space<vmem>>, vector<1000x256xf32>
    %get3A_2 = arith.constant 0 : index
    %get3A_3 = arith.constant 0 : index
    %get3A_4 = vector.load %arg2[%get3A_2, %get3A_3] : memref<256x128xf32, #tpu.memory_space<vmem>>, vector<256x128xf32>
    %dot_general3A = arith.constant dense<0.000000e+00> : vector<1000x128xf32>
    %dot_general3A_5 = tpu.matmul %get3A_1, %get3A_4, %dot_general3A {dimension_numbers = #tpu.dot_dimension_numbers<[1], [0], [0], [1], [0, 0, 1, 1], [], []>, transpose_lhs_hint = false} : vector<1000x256xf32>, vector<256x128xf32>, vector<1000x128xf32> -> vector<1000x128xf32>
    %swap3A = arith.constant 0 : index
    %swap3A_6 = arith.constant 0 : index
    %swap3A_7 = vector.load %arg3[%swap3A, %swap3A_6] : memref<1000x128xf32, #tpu.memory_space<vmem>>, vector<1000x128xf32>
    tpu.vector_store %arg3[%swap3A, %swap3A_6], %dot_general3A_5 {strides = array<i32>} : memref<1000x128xf32, #tpu.memory_space<vmem>>, vector<1000x128xf32>,
    return
  }
  func.func @transform_0(%arg0: i32) -> (i32, i32) {
    %c0_i32 = arith.constant 0 : i32
    %c0_i32_0 = arith.constant 0 : i32
    return %arg0, %c0_i32 : i32, i32
  }
  func.func @transform_1(%arg0: i32) -> (i32, i32) {
    %c0_i32 = arith.constant 0 : i32
    %c0_i32_0 = arith.constant 0 : i32
    %c0_i32_1 = arith.constant 0 : i32
    return %c0_i32, %c0_i32_0 : i32, i32
  }
  func.func @transform_2(%arg0: i32) -> (i32, i32) {
    %c0_i32 = arith.constant 0 : i32
    %c0_i32_0 = arith.constant 0 : i32
    return %arg0, %c0_i32 : i32, i32
  }
}

module attributes {stable_mosaic.version = 14 : i64} {
  func.func @_lambda_(%arg0: i32, %arg1: memref<1000x256xf32, #tpu.memory_space<vmem>>, %arg2: memref<2x1000x128xf32, #tpu.memory_space<vmem>>, %arg3: memref<2x1000x32xf32, #tpu.memory_space<vmem>>, %arg4: memref<16x128xf32, #tpu.memory_space<vmem>>, %arg5: memref<1x128xf32, #tpu.memory_space<vmem>>, %arg6: memref<256x128xf32, #tpu.memory_space<vmem>>, %arg7: memref<128x128xf32, #tpu.memory_space<vmem>>, %arg8: memref<1x128xf32, #tpu.memory_space<vmem>>, %arg9: memref<1000x128xf32, #tpu.memory_space<vmem>>) attributes {dimension_semantics = [#tpu.dimension_semantics<arbitrary>], iteration_bounds = array<i64: 10>, scalar_prefetch = 0 : i64, scratch_operands = 0 : i64, tpu.core_type = #tpu.core_type<tc>, window_params = [{transform_indices = @transform_0, window_bounds = array<i64: 1000, 256>}, {transform_indices = @transform_1, window_bounds = array<i64: 2, 1000, 128>}, {transform_indices = @transform_2, window_bounds = array<i64: 2, 1000, 32>}, {pipeline_mode = #tpu.pipeline_mode<synchronous>, transform_indices = @transform_3, window_bounds = array<i64: 16, 128>}, {pipeline_mode = #tpu.pipeline_mode<synchronous>, transform_indices = @transform_4, window_bounds = array<i64: 1, 128>}, {pipeline_mode = #tpu.pipeline_mode<synchronous>, transform_indices = @transform_5, window_bounds = array<i64: 256, 128>}, {pipeline_mode = #tpu.pipeline_mode<synchronous>, transform_indices = @transform_6, window_bounds = array<i64: 128, 128>}, {pipeline_mode = #tpu.pipeline_mode<synchronous>, transform_indices = @transform_7, window_bounds = array<i64: 1, 128>}, {transform_indices = @transform_8, window_bounds = array<i64: 1000, 128>}]} {
    %get3A = arith.constant 0 : index
    %get3A_0 = arith.constant 0 : index
    %get3A_1 = arith.constant 0 : index
    %get3A_2 = vector.load %arg3[%get3A, %get3A_0, %get3A_1] : memref<2x1000x32xf32, #tpu.memory_space<vmem>>, vector<1x1000x32xf32>
    %get3A_3 = vector.shape_cast %get3A_2 : vector<1x1000x32xf32> to vector<1000x32xf32>
    %get3A_4 = arith.constant 1 : index
    %get3A_5 = arith.constant 0 : index
    %get3A_6 = arith.constant 0 : index
    %get3A_7 = vector.load %arg3[%get3A_4, %get3A_5, %get3A_6] : memref<2x1000x32xf32, #tpu.memory_space<vmem>>, vector<1x1000x32xf32>
    %get3A_8 = vector.shape_cast %get3A_7 : vector<1x1000x32xf32> to vector<1000x32xf32>
    %add3A = arith.addf %get3A_3, %get3A_8 : vector<1000x32xf32>
    %slice3A = vector.extract_strided_slice %add3A {offsets = [0, 0], sizes = [1000, 16], strides = [1, 1]} : vector<1000x32xf32> to vector<1000x16xf32>
    %slice3A_9 = vector.extract_strided_slice %add3A {offsets = [0, 16], sizes = [1000, 1], strides = [1, 1]} : vector<1000x32xf32> to vector<1000x1xf32>
    %squeeze3A = vector.shape_cast %slice3A_9 : vector<1000x1xf32> to vector<1000xf32>
    %get3A_10 = arith.constant 0 : index
    %get3A_11 = arith.constant 0 : index
    %get3A_12 = arith.constant 0 : index
    %get3A_13 = vector.load %arg2[%get3A_10, %get3A_11, %get3A_12] : memref<2x1000x128xf32, #tpu.memory_space<vmem>>, vector<1x1000x128xf32>
    %get3A_14 = vector.shape_cast %get3A_13 : vector<1x1000x128xf32> to vector<1000x128xf32>
    %get3A_15 = arith.constant 1 : index
    %get3A_16 = arith.constant 0 : index
    %get3A_17 = arith.constant 0 : index
    %get3A_18 = vector.load %arg2[%get3A_15, %get3A_16, %get3A_17] : memref<2x1000x128xf32, #tpu.memory_space<vmem>>, vector<1x1000x128xf32>
    %get3A_19 = vector.shape_cast %get3A_18 : vector<1x1000x128xf32> to vector<1000x128xf32>
    %add3A_20 = arith.addf %get3A_14, %get3A_19 : vector<1000x128xf32>
    %get3A_21 = arith.constant 0 : index
    %get3A_22 = arith.constant 0 : index
    %get3A_23 = vector.load %arg4[%get3A_21, %get3A_22] : memref<16x128xf32, #tpu.memory_space<vmem>>, vector<16x128xf32>
    %dot_general3A = arith.constant dense<0.000000e+00> : vector<1000x128xf32>
    %dot_general3A_24 = tpu.matmul %slice3A, %get3A_23, %dot_general3A {dimension_numbers = #tpu.dot_dimension_numbers<[1], [0], [0], [1], [0, 0, 1, 1], [], []>, transpose_lhs_hint = false} : vector<1000x16xf32>, vector<16x128xf32>, vector<1000x128xf32> -> vector<1000x128xf32>
    %add3A_25 = arith.addf %add3A_20, %dot_general3A_24 : vector<1000x128xf32>
    %broadcast_in_dim3A = vector.shape_cast %squeeze3A : vector<1000xf32> to vector<1000x1xf32>
    %get3A_26 = arith.constant 0 : index
    %get3A_27 = arith.constant 0 : index
    %get3A_28 = vector.load %arg5[%get3A_26, %get3A_27] : memref<1x128xf32, #tpu.memory_space<vmem>>, vector<1x128xf32>
    %mul3A = vector.broadcast %broadcast_in_dim3A : vector<1000x1xf32> to vector<1000x128xf32>
    %mul3A_29 = vector.broadcast %get3A_28 : vector<1x128xf32> to vector<1000x128xf32>
    %mul3A_30 = arith.mulf %mul3A, %mul3A_29 : vector<1000x128xf32>
    %add3A_31 = arith.addf %add3A_25, %mul3A_30 : vector<1000x128xf32>
    %max3A = arith.constant 1.000000e+00 : f32
    %max3A_32 = vector.broadcast %max3A : f32 to vector<1000xf32>
    %max3A_33 = arith.maximumf %squeeze3A, %max3A_32 : vector<1000xf32>
    %broadcast_in_dim3A_34 = vector.shape_cast %max3A_33 : vector<1000xf32> to vector<1000x1xf32>
    %div3A = vector.broadcast %broadcast_in_dim3A_34 : vector<1000x1xf32> to vector<1000x128xf32>
    %div3A_35 = arith.divf %add3A_31, %div3A : vector<1000x128xf32>
    %get3A_36 = arith.constant 0 : index
    %get3A_37 = arith.constant 0 : index
    %get3A_38 = vector.load %arg1[%get3A_36, %get3A_37] : memref<1000x256xf32, #tpu.memory_space<vmem>>, vector<1000x256xf32>
    %get3A_39 = arith.constant 0 : index
    %get3A_40 = arith.constant 0 : index
    %get3A_41 = vector.load %arg6[%get3A_39, %get3A_40] : memref<256x128xf32, #tpu.memory_space<vmem>>, vector<256x128xf32>
    %dot_general3A_42 = arith.constant dense<0.000000e+00> : vector<1000x128xf32>
    %dot_general3A_43 = tpu.matmul %get3A_38, %get3A_41, %dot_general3A_42 {dimension_numbers = #tpu.dot_dimension_numbers<[1], [0], [0], [1], [0, 0, 1, 1], [], []>, transpose_lhs_hint = false} : vector<1000x256xf32>, vector<256x128xf32>, vector<1000x128xf32> -> vector<1000x128xf32>
    %get3A_44 = arith.constant 0 : index
    %get3A_45 = arith.constant 0 : index
    %get3A_46 = vector.load %arg7[%get3A_44, %get3A_45] : memref<128x128xf32, #tpu.memory_space<vmem>>, vector<128x128xf32>
    %dot_general3A_47 = arith.constant dense<0.000000e+00> : vector<1000x128xf32>
    %dot_general3A_48 = tpu.matmul %div3A_35, %get3A_46, %dot_general3A_47 {dimension_numbers = #tpu.dot_dimension_numbers<[1], [0], [0], [1], [0, 0, 1, 1], [], []>, transpose_lhs_hint = false} : vector<1000x128xf32>, vector<128x128xf32>, vector<1000x128xf32> -> vector<1000x128xf32>
    %add3A_49 = arith.addf %dot_general3A_43, %dot_general3A_48 : vector<1000x128xf32>
    %get3A_50 = arith.constant 0 : index
    %get3A_51 = arith.constant 0 : index
    %get3A_52 = vector.load %arg8[%get3A_50, %get3A_51] : memref<1x128xf32, #tpu.memory_space<vmem>>, vector<1x128xf32>
    %add3A_53 = vector.broadcast %get3A_52 : vector<1x128xf32> to vector<1000x128xf32>
    %add3A_54 = arith.addf %add3A_49, %add3A_53 : vector<1000x128xf32>
    %max3A_55 = arith.constant 0.000000e+00 : f32
    %max3A_56 = vector.broadcast %max3A_55 : f32 to vector<1000x128xf32>
    %max3A_57 = arith.maximumf %add3A_54, %max3A_56 : vector<1000x128xf32>
    %swap3A = arith.constant 0 : index
    %swap3A_58 = arith.constant 0 : index
    %swap3A_59 = vector.load %arg9[%swap3A, %swap3A_58] : memref<1000x128xf32, #tpu.memory_space<vmem>>, vector<1000x128xf32>
    tpu.vector_store %arg9[%swap3A, %swap3A_58], %max3A_57 {strides = array<i32>} : memref<1000x128xf32, #tpu.memory_space<vmem>>, vector<1000x128xf32>,
    return
  }
  func.func @transform_0(%arg0: i32) -> (i32, i32) {
    %c0_i32 = arith.constant 0 : i32
    %c0_i32_0 = arith.constant 0 : i32
    return %arg0, %c0_i32 : i32, i32
  }
  func.func @transform_1(%arg0: i32) -> (i32, i32, i32) {
    %c0_i32 = arith.constant 0 : i32
    %c0_i32_0 = arith.constant 0 : i32
    %c0_i32_1 = arith.constant 0 : i32
    return %c0_i32, %arg0, %c0_i32_0 : i32, i32, i32
  }
  func.func @transform_2(%arg0: i32) -> (i32, i32, i32) {
    %c0_i32 = arith.constant 0 : i32
    %c0_i32_0 = arith.constant 0 : i32
    %c0_i32_1 = arith.constant 0 : i32
    return %c0_i32, %arg0, %c0_i32_0 : i32, i32, i32
  }
  func.func @transform_3(%arg0: i32) -> (i32, i32) {
    %c0_i32 = arith.constant 0 : i32
    %c0_i32_0 = arith.constant 0 : i32
    %c0_i32_1 = arith.constant 0 : i32
    return %c0_i32, %c0_i32_0 : i32, i32
  }
  func.func @transform_4(%arg0: i32) -> (i32, i32) {
    %c0_i32 = arith.constant 0 : i32
    %c0_i32_0 = arith.constant 0 : i32
    %c0_i32_1 = arith.constant 0 : i32
    return %c0_i32, %c0_i32_0 : i32, i32
  }
  func.func @transform_5(%arg0: i32) -> (i32, i32) {
    %c0_i32 = arith.constant 0 : i32
    %c0_i32_0 = arith.constant 0 : i32
    %c0_i32_1 = arith.constant 0 : i32
    return %c0_i32, %c0_i32_0 : i32, i32
  }
  func.func @transform_6(%arg0: i32) -> (i32, i32) {
    %c0_i32 = arith.constant 0 : i32
    %c0_i32_0 = arith.constant 0 : i32
    %c0_i32_1 = arith.constant 0 : i32
    return %c0_i32, %c0_i32_0 : i32, i32
  }
  func.func @transform_7(%arg0: i32) -> (i32, i32) {
    %c0_i32 = arith.constant 0 : i32
    %c0_i32_0 = arith.constant 0 : i32
    %c0_i32_1 = arith.constant 0 : i32
    return %c0_i32, %c0_i32_0 : i32, i32
  }
  func.func @transform_8(%arg0: i32) -> (i32, i32) {
    %c0_i32 = arith.constant 0 : i32
    %c0_i32_0 = arith.constant 0 : i32
    return %arg0, %c0_i32 : i32, i32
  }
}

module attributes {stable_mosaic.version = 14 : i64} {
  func.func @_ep_body(%arg0: i32, %arg1: memref<8000x16xf32, #tpu.memory_space<vmem>>, %arg2: memref<16x2xf32, #tpu.memory_space<vmem>>, %arg3: memref<1x2xf32, #tpu.memory_space<vmem>>, %arg4: memref<8000x2xf32, #tpu.memory_space<vmem>>) attributes {dimension_semantics = [#tpu.dimension_semantics<arbitrary>], iteration_bounds = array<i64: 20>, scalar_prefetch = 0 : i64, scratch_operands = 0 : i64, tpu.core_type = #tpu.core_type<tc>, window_params = [{transform_indices = @transform_0, window_bounds = array<i64: 8000, 16>}, {pipeline_mode = #tpu.pipeline_mode<synchronous>, transform_indices = @transform_1, window_bounds = array<i64: 16, 2>}, {pipeline_mode = #tpu.pipeline_mode<synchronous>, transform_indices = @transform_2, window_bounds = array<i64: 1, 2>}, {transform_indices = @transform_3, window_bounds = array<i64: 8000, 2>}]} {
    %get3A = arith.constant 0 : index
    %get3A_0 = arith.constant 0 : index
    %get3A_1 = vector.load %arg1[%get3A, %get3A_0] : memref<8000x16xf32, #tpu.memory_space<vmem>>, vector<8000x16xf32>
    %get3A_2 = arith.constant 0 : index
    %get3A_3 = arith.constant 0 : index
    %get3A_4 = vector.load %arg2[%get3A_2, %get3A_3] : memref<16x2xf32, #tpu.memory_space<vmem>>, vector<16x2xf32>
    %dot_general3A = arith.constant dense<0.000000e+00> : vector<8000x2xf32>
    %dot_general3A_5 = tpu.matmul %get3A_1, %get3A_4, %dot_general3A {dimension_numbers = #tpu.dot_dimension_numbers<[1], [0], [0], [1], [0, 0, 1, 1], [], []>, transpose_lhs_hint = false} : vector<8000x16xf32>, vector<16x2xf32>, vector<8000x2xf32> -> vector<8000x2xf32>
    %get3A_6 = arith.constant 0 : index
    %get3A_7 = arith.constant 0 : index
    %get3A_8 = vector.load %arg3[%get3A_6, %get3A_7] : memref<1x2xf32, #tpu.memory_space<vmem>>, vector<1x2xf32>
    %add3A = vector.broadcast %get3A_8 : vector<1x2xf32> to vector<8000x2xf32>
    %add3A_9 = arith.addf %dot_general3A_5, %add3A : vector<8000x2xf32>
    %swap3A = arith.constant 0 : index
    %swap3A_10 = arith.constant 0 : index
    %swap3A_11 = vector.load %arg4[%swap3A, %swap3A_10] : memref<8000x2xf32, #tpu.memory_space<vmem>>, vector<8000x2xf32>
    tpu.vector_store %arg4[%swap3A, %swap3A_10], %add3A_9 {strides = array<i32>} : memref<8000x2xf32, #tpu.memory_space<vmem>>, vector<8000x2xf32>,
    return
  }
  func.func @transform_0(%arg0: i32) -> (i32, i32) {
    %c0_i32 = arith.constant 0 : i32
    %c0_i32_0 = arith.constant 0 : i32
    return %arg0, %c0_i32 : i32, i32
  }
  func.func @transform_1(%arg0: i32) -> (i32, i32) {
    %c0_i32 = arith.constant 0 : i32
    %c0_i32_0 = arith.constant 0 : i32
    %c0_i32_1 = arith.constant 0 : i32
    return %c0_i32, %c0_i32_0 : i32, i32
  }
  func.func @transform_2(%arg0: i32) -> (i32, i32) {
    %c0_i32 = arith.constant 0 : i32
    %c0_i32_0 = arith.constant 0 : i32
    %c0_i32_1 = arith.constant 0 : i32
    return %c0_i32, %c0_i32_0 : i32, i32
  }
  func.func @transform_3(%arg0: i32) -> (i32, i32) {
    %c0_i32 = arith.constant 0 : i32
    %c0_i32_0 = arith.constant 0 : i32
    return %arg0, %c0_i32 : i32, i32
  }
}

module attributes {stable_mosaic.version = 14 : i64} {
  func.func @_uv_body(%arg0: i32, %arg1: memref<1000x128xf32, #tpu.memory_space<vmem>>, %arg2: memref<2x1000x128xf32, #tpu.memory_space<vmem>>, %arg3: memref<2x1000x32xf32, #tpu.memory_space<vmem>>, %arg4: memref<128x256xf32, #tpu.memory_space<vmem>>, %arg5: memref<16x256xf32, #tpu.memory_space<vmem>>, %arg6: memref<1x256xf32, #tpu.memory_space<vmem>>, %arg7: memref<128x256xf32, #tpu.memory_space<vmem>>, %arg8: memref<256x256xf32, #tpu.memory_space<vmem>>, %arg9: memref<1x256xf32, #tpu.memory_space<vmem>>, %arg10: memref<256x4xf32, #tpu.memory_space<vmem>>, %arg11: memref<1000x4xf32, #tpu.memory_space<vmem>>) attributes {dimension_semantics = [#tpu.dimension_semantics<arbitrary>], iteration_bounds = array<i64: 10>, scalar_prefetch = 0 : i64, scratch_operands = 0 : i64, tpu.core_type = #tpu.core_type<tc>, window_params = [{transform_indices = @transform_0, window_bounds = array<i64: 1000, 128>}, {transform_indices = @transform_1, window_bounds = array<i64: 2, 1000, 128>}, {transform_indices = @transform_2, window_bounds = array<i64: 2, 1000, 32>}, {pipeline_mode = #tpu.pipeline_mode<synchronous>, transform_indices = @transform_3, window_bounds = array<i64: 128, 256>}, {pipeline_mode = #tpu.pipeline_mode<synchronous>, transform_indices = @transform_4, window_bounds = array<i64: 16, 256>}, {pipeline_mode = #tpu.pipeline_mode<synchronous>, transform_indices = @transform_5, window_bounds = array<i64: 1, 256>}, {pipeline_mode = #tpu.pipeline_mode<synchronous>, transform_indices = @transform_6, window_bounds = array<i64: 128, 256>}, {pipeline_mode = #tpu.pipeline_mode<synchronous>, transform_indices = @transform_7, window_bounds = array<i64: 256, 256>}, {pipeline_mode = #tpu.pipeline_mode<synchronous>, transform_indices = @transform_8, window_bounds = array<i64: 1, 256>}, {pipeline_mode = #tpu.pipeline_mode<synchronous>, transform_indices = @transform_9, window_bounds = array<i64: 256, 4>}, {transform_indices = @transform_10, window_bounds = array<i64: 1000, 4>}]} {
    %get3A = arith.constant 0 : index
    %get3A_0 = arith.constant 0 : index
    %get3A_1 = arith.constant 0 : index
    %get3A_2 = vector.load %arg3[%get3A, %get3A_0, %get3A_1] : memref<2x1000x32xf32, #tpu.memory_space<vmem>>, vector<1x1000x32xf32>
    %get3A_3 = vector.shape_cast %get3A_2 : vector<1x1000x32xf32> to vector<1000x32xf32>
    %get3A_4 = arith.constant 1 : index
    %get3A_5 = arith.constant 0 : index
    %get3A_6 = arith.constant 0 : index
    %get3A_7 = vector.load %arg3[%get3A_4, %get3A_5, %get3A_6] : memref<2x1000x32xf32, #tpu.memory_space<vmem>>, vector<1x1000x32xf32>
    %get3A_8 = vector.shape_cast %get3A_7 : vector<1x1000x32xf32> to vector<1000x32xf32>
    %add3A = arith.addf %get3A_3, %get3A_8 : vector<1000x32xf32>
    %slice3A = vector.extract_strided_slice %add3A {offsets = [0, 0], sizes = [1000, 16], strides = [1, 1]} : vector<1000x32xf32> to vector<1000x16xf32>
    %slice3A_9 = vector.extract_strided_slice %add3A {offsets = [0, 16], sizes = [1000, 1], strides = [1, 1]} : vector<1000x32xf32> to vector<1000x1xf32>
    %squeeze3A = vector.shape_cast %slice3A_9 : vector<1000x1xf32> to vector<1000xf32>
    %get3A_10 = arith.constant 0 : index
    %get3A_11 = arith.constant 0 : index
    %get3A_12 = arith.constant 0 : index
    %get3A_13 = vector.load %arg2[%get3A_10, %get3A_11, %get3A_12] : memref<2x1000x128xf32, #tpu.memory_space<vmem>>, vector<1x1000x128xf32>
    %get3A_14 = vector.shape_cast %get3A_13 : vector<1x1000x128xf32> to vector<1000x128xf32>
    %get3A_15 = arith.constant 1 : index
    %get3A_16 = arith.constant 0 : index
    %get3A_17 = arith.constant 0 : index
    %get3A_18 = vector.load %arg2[%get3A_15, %get3A_16, %get3A_17] : memref<2x1000x128xf32, #tpu.memory_space<vmem>>, vector<1x1000x128xf32>
    %get3A_19 = vector.shape_cast %get3A_18 : vector<1x1000x128xf32> to vector<1000x128xf32>
    %add3A_20 = arith.addf %get3A_14, %get3A_19 : vector<1000x128xf32>
    %get3A_21 = arith.constant 0 : index
    %get3A_22 = arith.constant 0 : index
    %get3A_23 = vector.load %arg4[%get3A_21, %get3A_22] : memref<128x256xf32, #tpu.memory_space<vmem>>, vector<128x256xf32>
    %dot_general3A = arith.constant dense<0.000000e+00> : vector<1000x256xf32>
    %dot_general3A_24 = tpu.matmul %add3A_20, %get3A_23, %dot_general3A {dimension_numbers = #tpu.dot_dimension_numbers<[1], [0], [0], [1], [0, 0, 1, 1], [], []>, transpose_lhs_hint = false} : vector<1000x128xf32>, vector<128x256xf32>, vector<1000x256xf32> -> vector<1000x256xf32>
    %get3A_25 = arith.constant 0 : index
    %get3A_26 = arith.constant 0 : index
    %get3A_27 = vector.load %arg5[%get3A_25, %get3A_26] : memref<16x256xf32, #tpu.memory_space<vmem>>, vector<16x256xf32>
    %dot_general3A_28 = arith.constant dense<0.000000e+00> : vector<1000x256xf32>
    %dot_general3A_29 = tpu.matmul %slice3A, %get3A_27, %dot_general3A_28 {dimension_numbers = #tpu.dot_dimension_numbers<[1], [0], [0], [1], [0, 0, 1, 1], [], []>, transpose_lhs_hint = false} : vector<1000x16xf32>, vector<16x256xf32>, vector<1000x256xf32> -> vector<1000x256xf32>
    %add3A_30 = arith.addf %dot_general3A_24, %dot_general3A_29 : vector<1000x256xf32>
    %broadcast_in_dim3A = vector.shape_cast %squeeze3A : vector<1000xf32> to vector<1000x1xf32>
    %get3A_31 = arith.constant 0 : index
    %get3A_32 = arith.constant 0 : index
    %get3A_33 = vector.load %arg6[%get3A_31, %get3A_32] : memref<1x256xf32, #tpu.memory_space<vmem>>, vector<1x256xf32>
    %mul3A = vector.broadcast %broadcast_in_dim3A : vector<1000x1xf32> to vector<1000x256xf32>
    %mul3A_34 = vector.broadcast %get3A_33 : vector<1x256xf32> to vector<1000x256xf32>
    %mul3A_35 = arith.mulf %mul3A, %mul3A_34 : vector<1000x256xf32>
    %add3A_36 = arith.addf %add3A_30, %mul3A_35 : vector<1000x256xf32>
    %max3A = arith.constant 1.000000e+00 : f32
    %max3A_37 = vector.broadcast %max3A : f32 to vector<1000xf32>
    %max3A_38 = arith.maximumf %squeeze3A, %max3A_37 : vector<1000xf32>
    %broadcast_in_dim3A_39 = vector.shape_cast %max3A_38 : vector<1000xf32> to vector<1000x1xf32>
    %div3A = vector.broadcast %broadcast_in_dim3A_39 : vector<1000x1xf32> to vector<1000x256xf32>
    %div3A_40 = arith.divf %add3A_36, %div3A : vector<1000x256xf32>
    %get3A_41 = arith.constant 0 : index
    %get3A_42 = arith.constant 0 : index
    %get3A_43 = vector.load %arg1[%get3A_41, %get3A_42] : memref<1000x128xf32, #tpu.memory_space<vmem>>, vector<1000x128xf32>
    %get3A_44 = arith.constant 0 : index
    %get3A_45 = arith.constant 0 : index
    %get3A_46 = vector.load %arg7[%get3A_44, %get3A_45] : memref<128x256xf32, #tpu.memory_space<vmem>>, vector<128x256xf32>
    %dot_general3A_47 = arith.constant dense<0.000000e+00> : vector<1000x256xf32>
    %dot_general3A_48 = tpu.matmul %get3A_43, %get3A_46, %dot_general3A_47 {dimension_numbers = #tpu.dot_dimension_numbers<[1], [0], [0], [1], [0, 0, 1, 1], [], []>, transpose_lhs_hint = false} : vector<1000x128xf32>, vector<128x256xf32>, vector<1000x256xf32> -> vector<1000x256xf32>
    %get3A_49 = arith.constant 0 : index
    %get3A_50 = arith.constant 0 : index
    %get3A_51 = vector.load %arg8[%get3A_49, %get3A_50] : memref<256x256xf32, #tpu.memory_space<vmem>>, vector<256x256xf32>
    %dot_general3A_52 = arith.constant dense<0.000000e+00> : vector<1000x256xf32>
    %dot_general3A_53 = tpu.matmul %div3A_40, %get3A_51, %dot_general3A_52 {dimension_numbers = #tpu.dot_dimension_numbers<[1], [0], [0], [1], [0, 0, 1, 1], [], []>, transpose_lhs_hint = false} : vector<1000x256xf32>, vector<256x256xf32>, vector<1000x256xf32> -> vector<1000x256xf32>
    %add3A_54 = arith.addf %dot_general3A_48, %dot_general3A_53 : vector<1000x256xf32>
    %get3A_55 = arith.constant 0 : index
    %get3A_56 = arith.constant 0 : index
    %get3A_57 = vector.load %arg9[%get3A_55, %get3A_56] : memref<1x256xf32, #tpu.memory_space<vmem>>, vector<1x256xf32>
    %add3A_58 = vector.broadcast %get3A_57 : vector<1x256xf32> to vector<1000x256xf32>
    %add3A_59 = arith.addf %add3A_54, %add3A_58 : vector<1000x256xf32>
    %max3A_60 = arith.constant 0.000000e+00 : f32
    %max3A_61 = vector.broadcast %max3A_60 : f32 to vector<1000x256xf32>
    %max3A_62 = arith.maximumf %add3A_59, %max3A_61 : vector<1000x256xf32>
    %get3A_63 = arith.constant 0 : index
    %get3A_64 = arith.constant 0 : index
    %get3A_65 = vector.load %arg10[%get3A_63, %get3A_64] : memref<256x4xf32, #tpu.memory_space<vmem>>, vector<256x4xf32>
    %dot_general3A_66 = arith.constant dense<0.000000e+00> : vector<1000x4xf32>
    %dot_general3A_67 = tpu.matmul %max3A_62, %get3A_65, %dot_general3A_66 {dimension_numbers = #tpu.dot_dimension_numbers<[1], [0], [0], [1], [0, 0, 1, 1], [], []>, transpose_lhs_hint = false} : vector<1000x256xf32>, vector<256x4xf32>, vector<1000x4xf32> -> vector<1000x4xf32>
    %swap3A = arith.constant 0 : index
    %swap3A_68 = arith.constant 0 : index
    %swap3A_69 = vector.load %arg11[%swap3A, %swap3A_68] : memref<1000x4xf32, #tpu.memory_space<vmem>>, vector<1000x4xf32>
    tpu.vector_store %arg11[%swap3A, %swap3A_68], %dot_general3A_67 {strides = array<i32>} : memref<1000x4xf32, #tpu.memory_space<vmem>>, vector<1000x4xf32>,
    return
  }
  func.func @transform_0(%arg0: i32) -> (i32, i32) {
    %c0_i32 = arith.constant 0 : i32
    %c0_i32_0 = arith.constant 0 : i32
    return %arg0, %c0_i32 : i32, i32
  }
  func.func @transform_1(%arg0: i32) -> (i32, i32, i32) {
    %c0_i32 = arith.constant 0 : i32
    %c0_i32_0 = arith.constant 0 : i32
    %c0_i32_1 = arith.constant 0 : i32
    return %c0_i32, %arg0, %c0_i32_0 : i32, i32, i32
  }
  func.func @transform_2(%arg0: i32) -> (i32, i32, i32) {
    %c0_i32 = arith.constant 0 : i32
    %c0_i32_0 = arith.constant 0 : i32
    %c0_i32_1 = arith.constant 0 : i32
    return %c0_i32, %arg0, %c0_i32_0 : i32, i32, i32
  }
  func.func @transform_3(%arg0: i32) -> (i32, i32) {
    %c0_i32 = arith.constant 0 : i32
    %c0_i32_0 = arith.constant 0 : i32
    %c0_i32_1 = arith.constant 0 : i32
    return %c0_i32, %c0_i32_0 : i32, i32
  }
  func.func @transform_4(%arg0: i32) -> (i32, i32) {
    %c0_i32 = arith.constant 0 : i32
    %c0_i32_0 = arith.constant 0 : i32
    %c0_i32_1 = arith.constant 0 : i32
    return %c0_i32, %c0_i32_0 : i32, i32
  }
  func.func @transform_5(%arg0: i32) -> (i32, i32) {
    %c0_i32 = arith.constant 0 : i32
    %c0_i32_0 = arith.constant 0 : i32
    %c0_i32_1 = arith.constant 0 : i32
    return %c0_i32, %c0_i32_0 : i32, i32
  }
  func.func @transform_6(%arg0: i32) -> (i32, i32) {
    %c0_i32 = arith.constant 0 : i32
    %c0_i32_0 = arith.constant 0 : i32
    %c0_i32_1 = arith.constant 0 : i32
    return %c0_i32, %c0_i32_0 : i32, i32
  }
  func.func @transform_7(%arg0: i32) -> (i32, i32) {
    %c0_i32 = arith.constant 0 : i32
    %c0_i32_0 = arith.constant 0 : i32
    %c0_i32_1 = arith.constant 0 : i32
    return %c0_i32, %c0_i32_0 : i32, i32
  }
  func.func @transform_8(%arg0: i32) -> (i32, i32) {
    %c0_i32 = arith.constant 0 : i32
    %c0_i32_0 = arith.constant 0 : i32
    %c0_i32_1 = arith.constant 0 : i32
    return %c0_i32, %c0_i32_0 : i32, i32
  }
  func.func @transform_9(%arg0: i32) -> (i32, i32) {
    %c0_i32 = arith.constant 0 : i32
    %c0_i32_0 = arith.constant 0 : i32
    %c0_i32_1 = arith.constant 0 : i32
    return %c0_i32, %c0_i32_0 : i32, i32
  }
  func.func @transform_10(%arg0: i32) -> (i32, i32) {
    %c0_i32 = arith.constant 0 : i32
    %c0_i32_0 = arith.constant 0 : i32
    return %arg0, %c0_i32 : i32, i32
  }
}

</mosaic_0001>

<sc_bundles>
// kernel: kernel.10.cloned.1.call-start
scs
__scs_entry_jumppad:
0x0: {  	(pc) =	sbr.rel $0x88, $3  }
0x1: {  	(tag) =	ssettag $0x0;
	lr =	simm.s32 $0x1  }
0x2: {  	[smem:$0x3F94] =	sst lr;
	_ =	strace $0xD0000000  }
0x3: {  	_ = 	snop  }
0x4: {  	_ = 	snop  }
0x5: {  	_ = 	snop  }
0x6: {  	_ = 	snop  }
0x7: {  	_ = 	snop  }
__scs_overlays_trampoline_lowered:
0x8: {  	[smem:$0x3FA3] =	sst s0  }
0x9: {  	[smem:$0x3FA4] =	sst s1  }
0xa: {  	[smem:$0x3FA5] =	sst s2  }
0xb: {  	[smem:$0x3FA6] =	sst s3  }
0xc: {  	[smem:$0x3FA7] =	sst s4  }
0xd: {  	[smem:$0x3FA8] =	sst s5  }
0xe: {  	[smem:$0x3FA9] =	sst s6  }
0xf: {  	[smem:$0x3FAA] =	sst s7  }
0x10: {  	[smem:$0x3FAB] =	sst s8  }
0x11: {  	[smem:$0x3FAC] =	sst s9;
	s0 =	simm.s32 @!p0 $0x0  }
0x12: {  	s1 =	sld [smem:$0x3F92];
	s0 =	simm.s32 @p0 $0x1  }
0x13: {  	[smem:$0x3FAD] =	sst s0;
	s0 =	simm.s32 @!p1 $0x0  }
0x14: {  	s2 =	sld [smem:$0x3F91];
	s0 =	simm.s32 @p1 $0x1  }
0x15: {  	[smem:$0x3FAE] =	sst s0;
	s0 =	simm.s32 @!p2 $0x0  }
0x16: {  	s3 =	sld [smem:$0x3FDB];
	s0 =	simm.s32 @p2 $0x1  }
0x17: {  	s4 =	simm.s32 $0x1BF5;
	[smem:$0x3FB0] =	sst s0  }
0x18: {  	s0 =	sld [smem:$0x3F93];
	_ =	swait.ge [sflag:s4], $0x0  }
0x19: {  	s7 =	sld [smem:$0x3F94]  }
0x1a: {  	s8 =	sadd.s32 $0xFFFFE003, lr  }
0x1b: {  	s9 =	sadd.s32 $0xFFFFFEF7, lr;
	s5 =	simm.s32 $0xFFFFFFFF;
	p2 =	slt.u32 s8, $0xFFFFF086  }
0x1c: {  	p1 =	slt.u32 s9, $0xF7A;
	s5 =	simm.s32 @!p2 $0x0  }
0x1d: {  	s5 =	simm.s32 @p1 $0x1;
	p0 =	seq.s32 s7, s2  }
0x1e: {  	s7 =	smul.u32 @!p0 $0xF7A, s2;
	p2 =	seq.s32 @!p0 s5, $0x0  }
0x1f: {  	s9 =	smul.u32 $0xF7A, s1;
	s8 =	simm.s32 @!p0 $0x1BF5;
	p2 =	por !p2, p0  }
0x20: {  	[sflag:s8] =	ssyncset.s32 @!p0 $0xFFFFF086;
	s6 =	sadd.s32 @!p0 s3, s7;
	s7 =	simm.s32 @!p0 $0x108  }
0x21: {  	s3 =	sadd.s32 s3, s9;
	s6 =	sadd.s32 @!p0 $0x88, s6;
	s7 =	simm.s32 @p2 $0x1082  }
0x22: {  	[simem:s7], [sflag:s8] =	dma.local @!p0 [hbm:s6], $0xF7A  }
0x23: {  	s9 =	sor.u32 $0xD0000000, s2;
	s6 =	simm.s32 $0x108;
	_ =	swait.ge @!p0 [sflag:s8], $0x0  }
0x24: {  	s3 =	sadd.s32 $0x88, s3;
	s6 =	simm.s32 @!p1 $0x1082;
	[sflag:s4] =	ssyncset.s32 $0xFFFFF086  }
0x25: {  	[simem:s6], [sflag:s4] =	dma.local [hbm:s3], $0xF7A  }
0x26: {  	[smem:$0x3F94] =	sst s1;
	(tag) =	ssettag s2;
	_ =	strace s9  }
0x27: {  	s1 =	sld [smem:$0x3FA4]  }
0x28: {  	s2 =	sld [smem:$0x3FA5]  }
0x29: {  	s4 =	sld [smem:$0x3FA7]  }
0x2a: {  	p0 =	seq.s32 s5, $0x0;
	s5 =	sld [smem:$0x3FA8]  }
0x2b: {  	s6 =	sld [smem:$0x3FA9]  }
0x2c: {  	s7 =	sld [smem:$0x3FAA]  }
0x2d: {  	s3 =	simm.s32 $0x108;
	s8 =	sld [smem:$0x3FAB]  }
0x2e: {  	s3 =	simm.s32 @!p0 $0x1082;
	s9 =	sld [smem:$0x3FAC]  }
0x2f: {  	lr =	sadd.s32 s0, s3;
	s0 =	sld [smem:$0x3FA3]  }
0x30: {  	s3 =	sld [smem:$0x3FA6]  }
0x31: {  	[smem:$0x3FAF] =	sst s10  }
0x32: {  	s10 =	sld [smem:$0x3FAD];
	_ =	sdelay $0x3  }
0x33: {  	p0 =	seq.s32 s10, $0x1;
	s10 =	sld [smem:$0x3FAF];
	_ =	sdelay $0x3  }
0x34: {  	[smem:$0x3FAF] =	sst s10  }
0x35: {  	s10 =	sld [smem:$0x3FAE];
	_ =	sdelay $0x3  }
0x36: {  	p1 =	seq.s32 s10, $0x1;
	s10 =	sld [smem:$0x3FAF];
	_ =	sdelay $0x3  }
0x37: {  	[smem:$0x3FAF] =	sst s10  }
0x38: {  	s10 =	sld [smem:$0x3FB0]  }
0x39: {  	_ = 	snop;
	(pc) =	sbr.ind lr, $3  }
0x3a: {  	_ = 	snop  }
0x3b: {  	_ = 	snop  }
0x3c: {  	p2 =	seq.s32 s10, $0x1;
	s10 =	sld [smem:$0x3FAF]  }
0x3d: {  	_ =	shalt  }
0x3e: {  	_ =	shalt  }
0x3f: {  	_ =	shalt  }
0x40: {  	_ =	shalt  }
0x41: {  	_ =	shalt  }
0x42: {  	_ =	shalt  }
0x43: {  	_ =	shalt  }
0x44: {  	_ =	shalt  }
0x45: {  	_ =	shalt  }
0x46: {  	_ =	shalt  }
0x47: {  	_ =	shalt  }
0x48: {  	_ =	shalt  }
0x49: {  	_ =	shalt  }
0x4a: {  	_ =	shalt  }
0x4b: {  	_ =	shalt  }
0x4c: {  	_ =	shalt  }
0x4d: {  	_ =	shalt  }
0x4e: {  	_ =	shalt  }
0x4f: {  	_ =	shalt  }
0x50: {  	_ =	shalt  }
0x51: {  	_ =	shalt  }
0x52: {  	_ =	shalt  }
0x53: {  	_ =	shalt  }
0x54: {  	_ =	shalt  }
0x55: {  	_ =	shalt  }
0x56: {  	_ =	shalt  }
0x57: {  	_ =	shalt  }
0x58: {  	_ =	shalt  }
0x59: {  	_ =	shalt  }
0x5a: {  	_ =	shalt  }
0x5b: {  	_ =	shalt  }
0x5c: {  	_ =	shalt  }
0x5d: {  	_ =	shalt  }
0x5e: {  	_ =	shalt  }
0x5f: {  	_ =	shalt  }
0x60: {  	_ =	shalt  }
0x61: {  	_ =	shalt  }
0x62: {  	_ =	shalt  }
0x63: {  	_ =	shalt  }
0x64: {  	_ =	shalt  }
0x65: {  	_ =	shalt  }
0x66: {  	_ =	shalt  }
0x67: {  	_ =	shalt  }
0x68: {  	_ =	shalt  }
0x69: {  	_ =	shalt  }
0x6a: {  	_ =	shalt  }
0x6b: {  	_ =	shalt  }
0x6c: {  	_ =	shalt  }
0x6d: {  	_ =	shalt  }
0x6e: {  	_ =	shalt  }
0x6f: {  	_ =	shalt  }
0x70: {  	_ =	shalt  }
0x71: {  	_ =	shalt  }
0x72: {  	_ =	shalt  }
0x73: {  	_ =	shalt  }
0x74: {  	_ =	shalt  }
0x75: {  	_ =	shalt  }
0x76: {  	_ =	shalt  }
0x77: {  	_ =	shalt  }
0x78: {  	_ =	shalt  }
0x79: {  	_ =	shalt  }
0x7a: {  	_ =	shalt  }
0x7b: {  	_ =	shalt  }
0x7c: {  	_ =	shalt  }
0x7d: {  	_ =	shalt  }
0x7e: {  	_ =	shalt  }
0x7f: {  	_ =	shalt  }
0x80: {  	_ =	shalt  }
0x81: {  	_ =	shalt  }
0x82: {  	_ =	shalt  }
0x83: {  	_ =	shalt  }
0x84: {  	_ =	shalt  }
0x85: {  	_ =	shalt  }
0x86: {  	_ =	shalt  }
0x87: {  	_ =	shalt  }
.Lfunc_end0:
.L_simem_size_0:
called_computation_lowered:
.L_overlay_start_0:
0x88: {  	s2 =	sld [smem:$0x3FD9]  }
0x89: {  	s3 =	sld [smem:$0x3FFE];
	_ =	sdelay $0x1  }
0x8a: {  	s1 =	srdreg.scid  }
0x8b: {  	s0 =	sand.u32 $0x1, s1  }
0x8c: {  	s16 =	sshll.u32 s0, $0xA;
	s2 =	sadd.s32 s3, s2  }
0x8d: {  	s2 =	sadd.s32 s2, s16  }
0x8e: {  	[smem:$0x3FBB] =	sst s2  }
0x8f: {  	_ = 	snop  }
0x90: {  	(tm) =	ssettm $0x1  }
0x91: {  	s17 =	sld [smem:$0x3FFB];
	_ =	sdelay $0x3  }
0x92: {  	_ =	strace s17  }
0x93: {  	s2 =	sld [smem:$0x3FFC];
	_ =	sdelay $0x3  }
0x94: {  	_ =	strace s2  }
0x95: {  	s2 =	sld [smem:$0x3FFD];
	_ =	sdelay $0x3  }
0x96: {  	_ =	strace s2  }
0x97: {  	_ =	strace $0x8FFFFFFF  }
0x98: {  	s18 =	sld [smem:$0x3FDB];
	_ =	sdelay $0x1  }
0x99: {  	s19 =	simm.s32 $_scs_section_size  }
0x9a: {  	s4 =	simm.s32 $_size__tile_overlayer_lowered;
	s5 =	simm.s32 $_tile_overlayer_lowered  }
0x9b: {  	s22 =	simm.s32 $0x1BFF;
	s21 =	sshll.u32 s5, $0x1;
	s2 =	sadd.s32 s19, s18  }
0x9c: {  	s6 =	simm.s32 $0x0;
	s20 =	sshll.u32 s4, $0x1;
	s4 =	sadd.s32 s21, s2  }
0x9d: {  	[timem:s6], [sflag:s22] =	dma.local [hbm:s4], s20  }
0x9e: {  	_ =	swait.ge [sflag:s22], s20  }
0x9f: {  	s3 =	ssub.s32 $0x0, s20;
	[sflag:s22] =	ssyncset.done $0x0  }
0xa0: {  	[sflag:s22] =	ssyncadd.s32 s3;
	_ =	sdelay $0x1  }
0xa1: {  	s23 =	simm.s32 $0x1B8B  }
0xa2: {  	_ =	swait.ge [sflag:s23], $0x1  }
0xa3: {  	[sflag:s23] =	ssyncset.done $0x0  }
0xa4: {  	s25 =	simm.s32 $0x1B8E;
	s24 =	sld [smem:$0x3FFE];
	[sflag:s23] =	ssyncadd.s32 $0xFFFFFFFF  }
0xa5: {  	s26 =	simm.s32 $execute0_lowered;
	[smem:$0x3FD2] =	sst s25  }
0xa6: {  	s4 =	sshll.u32 s26, $0x1;
	_ =	strace $0x80000046;
	[dreg:$0x1] =	wrdreg $0xFFFFFFFF  }
0xa7: {  	s28 =	simm.s32 $_size_execute0_lowered;
	s2 =	sadd.s32 s2, s4;
	[dreg:$0x0] =	wrdreg $0x0  }
0xa8: {  	s4 =	sshll.u32 s28, $0x1;
	[dreg:$0x2] =	wrdreg s2  }
0xa9: {  	[dreg:$0x3] =	wrdreg s4  }
0xaa: {  	[dreg:$0x4] =	wrdreg $0xC0  }
0xab: {  	_ =	task [dreg:s6], $0x5FFFF  }
0xac: {  	[dreg:$0x1] =	wrdreg $0xFFFFFFFF  }
0xad: {  	[dreg:$0x0] =	wrdreg $0x60  }
0xae: {  	[dreg:$0x2] =	wrdreg s24  }
0xaf: {  	[dreg:$0x3] =	wrdreg $0x0  }
0xb0: {  	[dreg:$0x4] =	wrdreg $0x9  }
0xb1: {  	_ =	task.clear_ibuf [dreg:s6], $0x5FFFF;
	_ =	strace $0x90000046  }
0xb2: {  	s29 =	simm.s32 $0x9;
	_ =	strace $0x80000048  }
0xb3: {  	_ =	swait.ge [sflag:s29], $0x1  }
0xb4: {  	[sflag:s29] =	ssyncadd.s32 $0xFFFFFFFF  }
0xb5: {  	_ =	strace $0x90000048  }
0xb6: {  	_ =	sfence  }
0xb7: {  	s30 =	sld [smem:$0x0];
	_ =	sdelay $0x2  }
0xb8: {  	s31 =	sshll.u32 s1, $0xD;
	s1 =	sshrl.u32 s1, $0x2  }
0xb9: {  	s3 =	sand.u32 $0x4000, s31;
	s1 =	sadd.s32 s1, s30  }
0xba: {  	s0 =	sor.u32 s3, s0;
	s1 =	sshll.u32 s1, $0x11  }
0xbb: {  	s0 =	sor.u32 s1, s0  }
0xbc: {  	s0 =	sadd.s32 $0x8F2B, s0  }
0xbd: {  	[sflag:s0] =	ssyncadd.remote.s32 $0x1  }
0xbe: {  	_ =	sfence.sel $0xFFFF  }
0xbf: {  	[dreg:$0x0] =	wrdreg $0xFFFFFFFF;
	(pc) =	sbr.abs _section_cstart, $3  }
0xc0: {  	[dreg:$0x1] =	wrdreg $0xFFFFFFFF  }
0xc1: {  	_ =	task.clear_ibuf [dreg:s6], $0x2FFFF;
	_ =	strace $0x9FFFFFFF  }
0xc2: {  	(tm) =	ssettm $0x7FFFFFFF  }
0xc3: {  	_ =	shalt  }
tec
execute0_lowered:
.L_overlay_start_1:
0x0: {  	(tag) =	ssettag $0x1  }
0x1: {  	s5 =	rddreg [dreg:$0x0]  }
0x2: {  	s0 =	srdreg.scid;
	s2 =	rddreg [dreg:$0x1]  }
0x3: {  	s3 =	simm.s32 $0x0;
	s11 =	simm.s32 $0x4E20;
	s12 =	simm.s32 $0x1  }
0x4: {  	s13 =	simm.s32 $0x6270;
	s14 =	simm.s32 $0x64;
	s4 =	sand.u32 $0x1, s0  }
0x5: {  	s0 =	stileid.u32;
	s1 =	sshll.u32 s4, $0x4;
	s8 =	smul.u32 $0x9C40, s4  }
0x6: {  	s15 =	simm.s32 $0x0;
	s10 =	smul.u32 $0x14000, s0;
	s6 =	sor.u32 s0, s1  }
0x7: {  	[smem:$0x7FF] =	sst s3;
	s4 =	ssub.s32 $0x2, s4;
	s7 =	smul.u32 $0x2710, s6  }
0x8: {  	p0 =	seq.s32 s0, $0xF;
	s1 =	rddreg [dreg:$0x2];
	s6 =	smul.u32 $0x28A, s6  }
0x9: {  	_ =	strace $0x80000047;
	s9 =	sshrl.u32 s4, $0x1;
	s8 =	sadd.s32 s8, s5  }
0xa: {  	s9 =	ssub.s32 s4, s9;
	s10 =	sshrl.u32 s10, $0x2;
	s6 =	sadd.s32 s6, s5  }
0xb: {  	s7 =	sadd.s32 s7, s5;
	s5 =	simm.s32 $0x5;
	s4 =	sadd.s32 $0x4C00, s6  }
0xc: {  	v0 =	vimm.f32 $0.0e+00;
	vm0 =	vcmask $0x300;
	s5 =	simm.s32 @!p0 $0x8;
	s6 =	sadd.s32 $0x293E00, s7;
	s7 =	sadd.s32 $0x9E00, s8  }
0xd: {  	v1 =	vsel vm0, $0x3F800000, v0;
	s8 =	smax.u32 s9, $0x1;
	s9 =	sadd.s32 s10, s2;
	s10 =	smul.u32 $0x5000, s0  }
.LBB2_1:
0xe: {  	[tilespmem:s11], [sflag:$0x1] =	stream.linear.gather [hbm4b:s4+s3], $0x1450, $0x38;
	[tilespmem:$0x6EF0] =	vst v63  }
0xf: {  	_ =	swait.ge [sflag:s12], $0x1450  }
0x10: {  	[sflag:s12] =	ssyncset.done $0x0  }
0x11: {  	s16 =	simm.s32 $0x80;
	s17 =	simm.s32 $0x0;
	[sflag:s12] =	ssyncadd.s32 $0xFFFFEBB0  }
.LBB2_2:
0x12: {  	p0 =	sne.s32 s16, $0x3180;
	[tilespmem:s17+$0x6270] =	vst v0;
	s18 =	smov.u32 s16;
	s16 =	sadd.s32 $0x80, s16  }
.Ltmp0:
0x13: {  	[tilespmem:s17+$0x6280] =	vst v0;
	(pc) =	sbr.rel @p0 .LBB2_2-.Ltmp0, $2  }
0x14: {  	_ =	sdelay $0x2  }
0x15: {  	s17 =	sshra.s32 s18, $0x2  }
0x16: {  	[tilespmem:s17+$0x6270] =	vst v0  }
0x17: {  	[tilespmem:s17+$0x6280] =	vst v0;
	s16 =	smov.u32 s9;
	s17 =	smov.u32 s5  }
.LBB2_4:
0x18: {  	p0 =	sne.s32 s17, $0x1  }
.Ltmp1:
0x19: {  	_ = 	snop;
	(pc) =	sbr.rel @p0 .LBB2_4-.Ltmp1, $4  }
0x1a: {  	[spmem:s16] =	stream.linear.scatter [tilespmem:s13], [sflag:$0x1], $0xA00, $0x38;
	[tilespmem:$0x6EF0] =	vst v63  }
0x1b: {  	_ =	swait.ge [sflag:s12], $0xA00  }
0x1c: {  	[sflag:s12] =	ssyncset.done $0x0  }
0x1d: {  	s16 =	sadd.s32 $0xA00, s16;
	s17 =	sadd.s32 $0xFFFFFFFF, s17;
	[sflag:s12] =	ssyncadd.s32 $0xFFFFF600  }
0x1e: {  	s16 =	simm.s32 $0xC0;
	s17 =	simm.s32 $0x10  }
.LBB2_6:
0x1f: {  	p0 =	sne.s32 s16, $0x31C0;
	[tilespmem:s17+$0x6270] =	vst v1;
	s17 =	smov.u32 s16;
	s16 =	sadd.s32 $0x80, s16  }
.Ltmp2:
0x20: {  	(pc) =	sbr.rel @p0 .LBB2_6-.Ltmp2, $2  }
0x21: {  	_ =	sdelay $0x2  }
0x22: {  	s17 =	sshra.s32 s17, $0x2  }
0x23: {  	[tilespmem:s17+$0x6270] =	vst v1  }
0x24: {  	s16 =	simm.s32 $0x0;
	[bflag:$0x0] =	sbarrier.arrive $0xFFFF  }
.LBB2_8:
0x25: {  	s17 =	smul.u32 $0xC8, s16;
	_ =	sdelay $0x1  }
0x26: {  	s18 =	simm.s32 $0x6270;
	s17 =	sadd.s32 s17, s6  }
0x27: {  	s19 =	simm.s32 $0x2;
	s20 =	simm.s32 $0x6290;
	s21 =	sadd.s32 $0x0, s17  }
.LBB2_9:
0x28: {  	[tilespmem:s18], [sflag:$0x1] =	stream.linear.gather [hbm4b:s21+s3], $0x10, $0x38;
	[tilespmem:$0x6EF0] =	vst v63  }
0x29: {  	s21 =	smov.u32 s19;
	s18 =	smov.u32 s20;
	p0 =	sne.s32 s19, $0xC6  }
.Ltmp3:
0x2a: {  	s19 =	sadd.s32 $0x2, s19;
	(pc) =	sbr.rel @p0 .LBB2_9-.Ltmp3, $2  }
0x2b: {  	_ =	sdelay $0x2  }
0x2c: {  	s20 =	sadd.s32 $0x20, s20;
	s21 =	sadd.s32 s21, s17  }
0x2d: {  	[tilespmem:s18], [sflag:$0x1] =	stream.linear.gather [hbm4b:s21+s3], $0x10, $0x38;
	[tilespmem:$0x6EF0] =	vst v63  }
0x2e: {  	s17 =	smul.u32 $0x1A0, s16  }
0x2f: {  	s16 =	sadd.s32 $0x1, s16;
	_ =	swait.ge [sflag:s12], $0x640  }
0x30: {  	p0 =	sne.s32 s16, $0x32;
	[sflag:s12] =	ssyncset.done $0x0;
	s17 =	sshra.s32 s17, $0x2  }
.Ltmp4:
0x31: {  	[sflag:s12] =	ssyncadd.s32 $0xFFFFF9C0;
	s17 =	sadd.s32 $0x4E20, s17;
	(pc) =	sbr.rel @p0 .LBB2_8-.Ltmp4, $4  }
0x32: {  	[spmem:s2] =	stream.indirect.scatter.add.f32 [tilespmem:s13], [sflag:$0x1], $0x20, s17, s14, $0xb8;
	[tilespmem:$0x6EF0] =	vst v63  }
0x33: {  	_ =	swait.ge [sflag:s12], $0xC80  }
0x34: {  	[sflag:s12] =	ssyncset.done $0x0  }
0x35: {  	[sflag:s12] =	ssyncadd.s32 $0xFFFFF380  }
0x36: {  	p0 =	sne.s32 s5, $0x1  }
.Ltmp5:
0x37: {  	_ = 	snop;
	(pc) =	sbr.rel @!p0 .LBB2_13-.Ltmp5, $4  }
0x38: {  	[bflag:$0x0] =	sbarrier.arrive $0xFFFF;
	s16 =	sshll.u32 s0, $0x6;
	s17 =	sshrl.u32 s10, $0x3  }
0x39: {  	s18 =	sshrl.u32 s9, $0x3;
	s17 =	sadd.s32 s17, s7;
	s16 =	sor.u32 $0x1C01, s16  }
0x3a: {  	[hbm:s17], [sflag:s16] =	dma.local [spmem:s18], $0x140  }
0x3b: {  	s19 =	smov.u32 s9;
	s17 =	sadd.s32 $0xFFFFFFFF, s5;
	s18 =	sadd.s32 $0xA00, s10  }
.LBB2_12:
0x3c: {  	_ =	swait.ge [sflag:s12], $0x140  }
0x3d: {  	s19 =	sadd.s32 $0xA00, s19;
	s20 =	sshrl.u32 s18, $0x3;
	p0 =	sne.s32 s17, $0x1  }
.Ltmp6:
0x3e: {  	s21 =	sshrl.u32 s19, $0x3;
	[sflag:s12] =	ssyncset.done $0x0;
	(pc) =	sbr.rel @p0 .LBB2_12-.Ltmp6, $4  }
0x3f: {  	s20 =	sadd.s32 s20, s7;
	[sflag:s12] =	ssyncadd.s32 $0xFFFFFEC0  }
0x40: {  	[hbm:s20], [sflag:s16] =	dma.local [spmem:s21], $0x140  }
0x41: {  	s17 =	sadd.s32 $0xFFFFFFFF, s17  }
0x42: {  	s18 =	sadd.s32 $0xA00, s18  }
.LBB2_13:
0x43: {  	s15 =	sadd.s32 $0x1, s15  }
0x44: {  	p0 =	sne.s32 s15, s8  }
.Ltmp7:
0x45: {  	_ = 	snop;
	(pc) =	sbr.rel @p0 .LBB2_1-.Ltmp7, $4  }
0x46: {  	_ = 	snop  }
0x47: {  	_ =	swait.ge [sflag:s12], $0x140  }
0x48: {  	[sflag:s12] =	ssyncset.done $0x0  }
0x49: {  	[sflag:s12] =	ssyncadd.s32 $0xFFFFFEC0  }
0x4a: {  	_ =	sfence.sel $0x180000  }
0x4b: {  	[bflag:$0x0] =	sbarrier.arrive $0xFFFF  }
0x4c: {  	p0 =	sne.s32 s0, $0x0;
	_ =	strace $0x90000047  }
0x4d: {  	s0 =	sadd.s32 @!p0 $0x100000, s1;
	[bflag:$0x2] =	sbarrier.arrive $0xFFFF  }
0x4e: {  	[sflag:s0] =	ssyncadd.tile.s32 @!p0 $0x1;
	_ =	shalt  }
.Lfunc_end2:
_tile_overlayer_lowered:
.L_overlay_start_2:
0x4f: {  	(tag) =	ssettag $0x2  }
0x50: {  	s0 =	rddreg [dreg:$0x0];
	s2 =	stileid.u32  }
0x51: {  	s1 =	rddreg [dreg:$0x1];
	p0 =	sne.s32 s2, $0x0  }
0x52: {  	s3 =	rddreg [dreg:$0x2];
	[bflag:$0x3] =	sbarrier.arrive $0xFFFF;
	s2 =	simm.s32 @!p0 $0x1C01  }
0x53: {  	[timem:s3], [sflag:s2] =	dma.local @!p0 [hbm:s0], s1  }
0x54: {  	s0 =	simm.s32 @!p0 $0x1  }
0x55: {  	_ =	swait.ge @!p0 [sflag:s0], s1  }
0x56: {  	s1 =	ssub.s32 @!p0 $0x0, s1;
	[sflag:s0] =	ssyncset.done @!p0 $0x0  }
0x57: {  	[sflag:s0] =	ssyncadd.s32 @!p0 s1  }
0x58: {  	[bflag:$0x3] =	sbarrier.arrive $0xFFFF  }
0x59: {  	_ =	shalt  }

// kernel: kernel.13.cloned.1.call-start
scs
__scs_entry_jumppad:
0x0: {  	(pc) =	sbr.rel $0x88, $3  }
0x1: {  	(tag) =	ssettag $0x0;
	lr =	simm.s32 $0x1  }
0x2: {  	[smem:$0x3F94] =	sst lr;
	_ =	strace $0xD0000000  }
0x3: {  	_ = 	snop  }
0x4: {  	_ = 	snop  }
0x5: {  	_ = 	snop  }
0x6: {  	_ = 	snop  }
0x7: {  	_ = 	snop  }
__scs_overlays_trampoline_lowered:
0x8: {  	[smem:$0x3FA3] =	sst s0  }
0x9: {  	[smem:$0x3FA4] =	sst s1  }
0xa: {  	[smem:$0x3FA5] =	sst s2  }
0xb: {  	[smem:$0x3FA6] =	sst s3  }
0xc: {  	[smem:$0x3FA7] =	sst s4  }
0xd: {  	[smem:$0x3FA8] =	sst s5  }
0xe: {  	[smem:$0x3FA9] =	sst s6  }
0xf: {  	[smem:$0x3FAA] =	sst s7  }
0x10: {  	[smem:$0x3FAB] =	sst s8  }
0x11: {  	[smem:$0x3FAC] =	sst s9;
	s0 =	simm.s32 @!p0 $0x0  }
0x12: {  	s1 =	sld [smem:$0x3F92];
	s0 =	simm.s32 @p0 $0x1  }
0x13: {  	[smem:$0x3FAD] =	sst s0;
	s0 =	simm.s32 @!p1 $0x0  }
0x14: {  	s2 =	sld [smem:$0x3F91];
	s0 =	simm.s32 @p1 $0x1  }
0x15: {  	[smem:$0x3FAE] =	sst s0;
	s0 =	simm.s32 @!p2 $0x0  }
0x16: {  	s3 =	sld [smem:$0x3FDB];
	s0 =	simm.s32 @p2 $0x1  }
0x17: {  	s4 =	simm.s32 $0x1BF5;
	[smem:$0x3FB0] =	sst s0  }
0x18: {  	s0 =	sld [smem:$0x3F93];
	_ =	swait.ge [sflag:s4], $0x0  }
0x19: {  	s7 =	sld [smem:$0x3F94]  }
0x1a: {  	s8 =	sadd.s32 $0xFFFFE003, lr  }
0x1b: {  	s9 =	sadd.s32 $0xFFFFFEF7, lr;
	s5 =	simm.s32 $0xFFFFFFFF;
	p2 =	slt.u32 s8, $0xFFFFF086  }
0x1c: {  	p1 =	slt.u32 s9, $0xF7A;
	s5 =	simm.s32 @!p2 $0x0  }
0x1d: {  	s5 =	simm.s32 @p1 $0x1;
	p0 =	seq.s32 s7, s2  }
0x1e: {  	s7 =	smul.u32 @!p0 $0xF7A, s2;
	p2 =	seq.s32 @!p0 s5, $0x0  }
0x1f: {  	s9 =	smul.u32 $0xF7A, s1;
	s8 =	simm.s32 @!p0 $0x1BF5;
	p2 =	por !p2, p0  }
0x20: {  	[sflag:s8] =	ssyncset.s32 @!p0 $0xFFFFF086;
	s6 =	sadd.s32 @!p0 s3, s7;
	s7 =	simm.s32 @!p0 $0x108  }
0x21: {  	s3 =	sadd.s32 s3, s9;
	s6 =	sadd.s32 @!p0 $0x88, s6;
	s7 =	simm.s32 @p2 $0x1082  }
0x22: {  	[simem:s7], [sflag:s8] =	dma.local @!p0 [hbm:s6], $0xF7A  }
0x23: {  	s9 =	sor.u32 $0xD0000000, s2;
	s6 =	simm.s32 $0x108;
	_ =	swait.ge @!p0 [sflag:s8], $0x0  }
0x24: {  	s3 =	sadd.s32 $0x88, s3;
	s6 =	simm.s32 @!p1 $0x1082;
	[sflag:s4] =	ssyncset.s32 $0xFFFFF086  }
0x25: {  	[simem:s6], [sflag:s4] =	dma.local [hbm:s3], $0xF7A  }
0x26: {  	[smem:$0x3F94] =	sst s1;
	(tag) =	ssettag s2;
	_ =	strace s9  }
0x27: {  	s1 =	sld [smem:$0x3FA4]  }
0x28: {  	s2 =	sld [smem:$0x3FA5]  }
0x29: {  	s4 =	sld [smem:$0x3FA7]  }
0x2a: {  	p0 =	seq.s32 s5, $0x0;
	s5 =	sld [smem:$0x3FA8]  }
0x2b: {  	s6 =	sld [smem:$0x3FA9]  }
0x2c: {  	s7 =	sld [smem:$0x3FAA]  }
0x2d: {  	s3 =	simm.s32 $0x108;
	s8 =	sld [smem:$0x3FAB]  }
0x2e: {  	s3 =	simm.s32 @!p0 $0x1082;
	s9 =	sld [smem:$0x3FAC]  }
0x2f: {  	lr =	sadd.s32 s0, s3;
	s0 =	sld [smem:$0x3FA3]  }
0x30: {  	s3 =	sld [smem:$0x3FA6]  }
0x31: {  	[smem:$0x3FAF] =	sst s10  }
0x32: {  	s10 =	sld [smem:$0x3FAD];
	_ =	sdelay $0x3  }
0x33: {  	p0 =	seq.s32 s10, $0x1;
	s10 =	sld [smem:$0x3FAF];
	_ =	sdelay $0x3  }
0x34: {  	[smem:$0x3FAF] =	sst s10  }
0x35: {  	s10 =	sld [smem:$0x3FAE];
	_ =	sdelay $0x3  }
0x36: {  	p1 =	seq.s32 s10, $0x1;
	s10 =	sld [smem:$0x3FAF];
	_ =	sdelay $0x3  }
0x37: {  	[smem:$0x3FAF] =	sst s10  }
0x38: {  	s10 =	sld [smem:$0x3FB0]  }
0x39: {  	_ = 	snop;
	(pc) =	sbr.ind lr, $3  }
0x3a: {  	_ = 	snop  }
0x3b: {  	_ = 	snop  }
0x3c: {  	p2 =	seq.s32 s10, $0x1;
	s10 =	sld [smem:$0x3FAF]  }
0x3d: {  	_ =	shalt  }
0x3e: {  	_ =	shalt  }
0x3f: {  	_ =	shalt  }
0x40: {  	_ =	shalt  }
0x41: {  	_ =	shalt  }
0x42: {  	_ =	shalt  }
0x43: {  	_ =	shalt  }
0x44: {  	_ =	shalt  }
0x45: {  	_ =	shalt  }
0x46: {  	_ =	shalt  }
0x47: {  	_ =	shalt  }
0x48: {  	_ =	shalt  }
0x49: {  	_ =	shalt  }
0x4a: {  	_ =	shalt  }
0x4b: {  	_ =	shalt  }
0x4c: {  	_ =	shalt  }
0x4d: {  	_ =	shalt  }
0x4e: {  	_ =	shalt  }
0x4f: {  	_ =	shalt  }
0x50: {  	_ =	shalt  }
0x51: {  	_ =	shalt  }
0x52: {  	_ =	shalt  }
0x53: {  	_ =	shalt  }
0x54: {  	_ =	shalt  }
0x55: {  	_ =	shalt  }
0x56: {  	_ =	shalt  }
0x57: {  	_ =	shalt  }
0x58: {  	_ =	shalt  }
0x59: {  	_ =	shalt  }
0x5a: {  	_ =	shalt  }
0x5b: {  	_ =	shalt  }
0x5c: {  	_ =	shalt  }
0x5d: {  	_ =	shalt  }
0x5e: {  	_ =	shalt  }
0x5f: {  	_ =	shalt  }
0x60: {  	_ =	shalt  }
0x61: {  	_ =	shalt  }
0x62: {  	_ =	shalt  }
0x63: {  	_ =	shalt  }
0x64: {  	_ =	shalt  }
0x65: {  	_ =	shalt  }
0x66: {  	_ =	shalt  }
0x67: {  	_ =	shalt  }
0x68: {  	_ =	shalt  }
0x69: {  	_ =	shalt  }
0x6a: {  	_ =	shalt  }
0x6b: {  	_ =	shalt  }
0x6c: {  	_ =	shalt  }
0x6d: {  	_ =	shalt  }
0x6e: {  	_ =	shalt  }
0x6f: {  	_ =	shalt  }
0x70: {  	_ =	shalt  }
0x71: {  	_ =	shalt  }
0x72: {  	_ =	shalt  }
0x73: {  	_ =	shalt  }
0x74: {  	_ =	shalt  }
0x75: {  	_ =	shalt  }
0x76: {  	_ =	shalt  }
0x77: {  	_ =	shalt  }
0x78: {  	_ =	shalt  }
0x79: {  	_ =	shalt  }
0x7a: {  	_ =	shalt  }
0x7b: {  	_ =	shalt  }
0x7c: {  	_ =	shalt  }
0x7d: {  	_ =	shalt  }
0x7e: {  	_ =	shalt  }
0x7f: {  	_ =	shalt  }
0x80: {  	_ =	shalt  }
0x81: {  	_ =	shalt  }
0x82: {  	_ =	shalt  }
0x83: {  	_ =	shalt  }
0x84: {  	_ =	shalt  }
0x85: {  	_ =	shalt  }
0x86: {  	_ =	shalt  }
0x87: {  	_ =	shalt  }
.Lfunc_end0:
.L_simem_size_0:
called_computation.1_lowered:
.L_overlay_start_0:
0x88: {  	s2 =	sld [smem:$0x3FD9]  }
0x89: {  	s3 =	sld [smem:$0x3FFE];
	_ =	sdelay $0x1  }
0x8a: {  	s1 =	srdreg.scid  }
0x8b: {  	s0 =	sand.u32 $0x1, s1  }
0x8c: {  	s17 =	sshll.u32 s0, $0xA;
	s2 =	sadd.s32 s3, s2  }
0x8d: {  	s2 =	sadd.s32 s2, s17  }
0x8e: {  	[smem:$0x3FBB] =	sst s2  }
0x8f: {  	_ = 	snop  }
0x90: {  	s18 =	sld [smem:$0x3FD0];
	(tm) =	ssettm $0x1  }
0x91: {  	s19 =	sld [smem:$0x3FFB];
	_ =	sdelay $0x3  }
0x92: {  	_ =	strace s19  }
0x93: {  	s2 =	sld [smem:$0x3FFC];
	_ =	sdelay $0x3  }
0x94: {  	_ =	strace s2  }
0x95: {  	s2 =	sld [smem:$0x3FFD];
	_ =	sdelay $0x3  }
0x96: {  	_ =	strace s2  }
0x97: {  	_ =	strace $0x8FFFFFFF  }
0x98: {  	s20 =	sld [smem:$0x3FDB];
	_ =	sdelay $0x1  }
0x99: {  	s4 =	simm.s32 $_scs_section_size  }
0x9a: {  	s5 =	simm.s32 $_size__tile_overlayer_lowered;
	s6 =	simm.s32 $_tile_overlayer_lowered  }
0x9b: {  	s7 =	simm.s32 $0x1BFF;
	s21 =	sshll.u32 s6, $0x1;
	s4 =	sadd.s32 s4, s20  }
0x9c: {  	s22 =	simm.s32 $0x0;
	s5 =	sshll.u32 s5, $0x1;
	s6 =	sadd.s32 s21, s4  }
0x9d: {  	[timem:s22], [sflag:s7] =	dma.local [hbm:s6], s5  }
0x9e: {  	_ =	swait.ge [sflag:s7], s5  }
0x9f: {  	s5 =	ssub.s32 $0x0, s5;
	[sflag:s7] =	ssyncset.done $0x0  }
0xa0: {  	[sflag:s7] =	ssyncadd.s32 s5;
	_ =	sdelay $0x1  }
0xa1: {  	s23 =	simm.s32 $0x1B8B  }
0xa2: {  	_ =	swait.ge [sflag:s23], $0x1  }
0xa3: {  	[sflag:s23] =	ssyncset.done $0x0  }
0xa4: {  	[sflag:s23] =	ssyncadd.s32 $0xFFFFFFFF  }
0xa5: {  	s5 =	sld [smem:$0x0]  }
0xa6: {  	s6 =	sand.u32 $0xFFFFFFFE, s1  }
0xa7: {  	p0 =	sne.s32 s1, s6  }
0xa8: {  	s6 =	sshll.u32 @p0 s6, $0xE  }
0xa9: {  	s6 =	sadd.s32 @p0 $0x11B8D, s6;
	s7 =	sshll.u32 @p0 s5, $0x11  }
0xaa: {  	s6 =	sor.u32 @p0 s7, s6  }
0xab: {  	[sflag:s6] =	ssyncadd.remote.s32 @p0 $0x1;
	_ =	sdelay $0x1  }
0xac: {  	s6 =	simm.s32 @p0 $0x1B8D  }
0xad: {  	_ =	swait.eq @p0 [sflag:s6], $0x1  }
0xae: {  	[sflag:s6] =	ssyncadd.s32 @p0 $0xFFFFFFFF  }
0xaf: {  	s7 =	sshll.u32 @!p0 s1, $0xE  }
0xb0: {  	s7 =	sor.u32 @!p0 $0x4000, s7;
	s6 =	simm.s32 @!p0 $0x1B8D  }
0xb1: {  	s5 =	sshll.u32 @!p0 s5, $0x11;
	s7 =	sadd.s32 @!p0 $0x11B8D, s7;
	_ =	swait.eq @!p0 [sflag:s6], $0x1  }
0xb2: {  	s5 =	sor.u32 @!p0 s5, s7;
	[sflag:s6] =	ssyncadd.s32 @!p0 $0xFFFFFFFF  }
0xb3: {  	s25 =	simm.s32 $0x1B8E;
	s24 =	sld [smem:$0x3FFE];
	[sflag:s5] =	ssyncadd.remote.s32 @!p0 $0x1  }
0xb4: {  	s26 =	simm.s32 $execute0_lowered;
	[smem:$0x3FD2] =	sst s25  }
0xb5: {  	s6 =	sshll.u32 s26, $0x1;
	_ =	strace $0x80000049;
	[dreg:$0x1] =	wrdreg $0xFFFFFFFF  }
0xb6: {  	s28 =	simm.s32 $_size_execute0_lowered;
	s4 =	sadd.s32 s4, s6;
	[dreg:$0x0] =	wrdreg $0x0  }
0xb7: {  	s6 =	sshll.u32 s28, $0x1;
	[dreg:$0x2] =	wrdreg s4  }
0xb8: {  	[dreg:$0x3] =	wrdreg s6  }
0xb9: {  	[dreg:$0x4] =	wrdreg $0xC0  }
0xba: {  	_ =	task [dreg:s22], $0x5FFFF  }
0xbb: {  	[dreg:$0x1] =	wrdreg $0xFFFFFFFF  }
0xbc: {  	[dreg:$0x0] =	wrdreg $0x60  }
0xbd: {  	[dreg:$0x2] =	wrdreg s24  }
0xbe: {  	[dreg:$0x3] =	wrdreg s18  }
0xbf: {  	[dreg:$0x4] =	wrdreg $0x0  }
0xc0: {  	[dreg:$0x5] =	wrdreg $0xA  }
0xc1: {  	_ =	task.clear_ibuf [dreg:s22], $0x6FFFF;
	_ =	strace $0x90000049  }
0xc2: {  	s29 =	simm.s32 $0xA;
	_ =	strace $0x8000004B  }
0xc3: {  	_ =	swait.ge [sflag:s29], $0x1  }
0xc4: {  	[sflag:s29] =	ssyncadd.s32 $0xFFFFFFFF  }
0xc5: {  	_ =	strace $0x9000004B  }
0xc6: {  	_ =	sfence  }
0xc7: {  	s30 =	sld [smem:$0x0];
	_ =	sdelay $0x2  }
0xc8: {  	s31 =	sshll.u32 s1, $0xD;
	s1 =	sshrl.u32 s1, $0x2  }
0xc9: {  	s4 =	sand.u32 $0x4000, s31;
	s1 =	sadd.s32 s1, s30  }
0xca: {  	s0 =	sor.u32 s4, s0;
	s1 =	sshll.u32 s1, $0x11  }
0xcb: {  	s0 =	sor.u32 s1, s0  }
0xcc: {  	s0 =	sadd.s32 $0x8F2B, s0  }
0xcd: {  	[sflag:s0] =	ssyncadd.remote.s32 $0x1  }
0xce: {  	_ =	sfence.sel $0xFFFF  }
0xcf: {  	[dreg:$0x0] =	wrdreg $0xFFFFFFFF;
	(pc) =	sbr.abs _section_cstart, $3  }
0xd0: {  	[dreg:$0x1] =	wrdreg $0xFFFFFFFF  }
0xd1: {  	_ =	task.clear_ibuf [dreg:s22], $0x2FFFF;
	_ =	strace $0x9FFFFFFF  }
0xd2: {  	(tm) =	ssettm $0x7FFFFFFF  }
0xd3: {  	_ =	shalt  }
tec
execute0_lowered:
.L_overlay_start_1:
0x0: {  	(tag) =	ssettag $0x1  }
0x1: {  	s5 =	rddreg [dreg:$0x0]  }
0x2: {  	s7 =	rddreg [dreg:$0x1]  }
0x3: {  	s0 =	srdreg.scid;
	s2 =	rddreg [dreg:$0x2]  }
0x4: {  	s3 =	simm.s32 $0x0;
	s13 =	simm.s32 $0x3;
	s14 =	simm.s32 $0x14CD0  }
0x5: {  	s15 =	simm.s32 $0x16120;
	s16 =	simm.s32 $0x64;
	s17 =	simm.s32 $0x19320  }
0x6: {  	s18 =	simm.s32 $0x1;
	s19 =	simm.s32 $0x2;
	s20 =	simm.s32 $0x14C68  }
0x7: {  	s21 =	simm.s32 $0x16050;
	s22 =	simm.s32 $0x160B8;
	s23 =	simm.s32 $0x0  }
0x8: {  	s6 =	sand.u32 $0x1, s0;
	s0 =	stileid.u32;
	[smem:$0x7FF] =	sst s3  }
0x9: {  	s1 =	sshll.u32 s6, $0x4;
	s9 =	smul.u32 $0x27100, s6;
	s6 =	ssub.s32 $0x2, s6  }
0xa: {  	s12 =	smul.u32 $0x50000, s0;
	p0 =	seq.s32 s0, $0xF;
	s4 =	sor.u32 s0, s1  }
0xb: {  	s1 =	rddreg [dreg:$0x3];
	_ =	strace $0x8000004A;
	s30 =	sshrl.u32 s6, $0x1  }
0xc: {  	s8 =	smul.u32 $0x28A, s4;
	s4 =	sadd.s32 $0x27800, s5;
	s9 =	sadd.s32 s9, s5  }
0xd: {  	s11 =	ssub.s32 s6, s30;
	s31 =	sshrl.u32 s12, $0x2;
	s12 =	simm.s32 $0x13880  }
0xe: {  	s10 =	sadd.s32 s8, s5;
	s5 =	sadd.s32 s7, s8;
	s7 =	simm.s32 $0x5  }
0xf: {  	s8 =	sadd.s32 $0x4EA00, s9;
	s9 =	smax.u32 s11, $0x1;
	s11 =	smul.u32 $0x14000, s0  }
0x10: {  	v0 =	vimm.f32 $0.0e+00;
	s6 =	sadd.s32 $0x4C00, s10;
	s7 =	simm.s32 @!p0 $0x8;
	s10 =	sadd.s32 s31, s2  }
.LBB2_1:
0x11: {  	[tilespmem:s12], [sflag:$0x3] =	stream.linear.gather [hbm4b:s5+s3], $0x1450, $0x38;
	[tilespmem:$0x1C520] =	vst v63  }
0x12: {  	_ =	swait.ge [sflag:s13], $0x1450  }
0x13: {  	[sflag:s13] =	ssyncset.done $0x0  }
0x14: {  	[sflag:s13] =	ssyncadd.s32 $0xFFFFEBB0  }
0x15: {  	[tilespmem:s14], [sflag:$0x3] =	stream.linear.gather [hbm4b:s6+s3], $0x1450, $0x38;
	[tilespmem:$0x1C520] =	vst v63  }
0x16: {  	_ =	swait.ge [sflag:s13], $0x1450  }
0x17: {  	[sflag:s13] =	ssyncset.done $0x0  }
0x18: {  	s24 =	simm.s32 $0x0;
	s25 =	simm.s32 $0x200;
	[sflag:s13] =	ssyncadd.s32 $0xFFFFEBB0  }
.LBB2_2:
0x19: {  	p0 =	sne.s32 s25, $0x9E00;
	[tilespmem:s24+$0x16190] =	vst v0  }
0x1a: {  	[tilespmem:s24+$0x16120] =	vst v0  }
0x1b: {  	[tilespmem:s24+$0x16130] =	vst v0  }
.Ltmp0:
0x1c: {  	[tilespmem:s24+$0x16140] =	vst v0;
	(pc) =	sbr.rel @p0 .LBB2_2-.Ltmp0, $4  }
0x1d: {  	[tilespmem:s24+$0x16150] =	vst v0  }
0x1e: {  	[tilespmem:s24+$0x16160] =	vst v0  }
0x1f: {  	[tilespmem:s24+$0x16170] =	vst v0  }
0x20: {  	[tilespmem:s24+$0x16180] =	vst v0;
	s24 =	sshra.s32 s25, $0x2;
	s25 =	sadd.s32 $0x200, s25  }
0x21: {  	[tilespmem:s24+$0x16190] =	vst v0  }
0x22: {  	[tilespmem:s24+$0x16120] =	vst v0  }
0x23: {  	[tilespmem:s24+$0x16130] =	vst v0  }
0x24: {  	[tilespmem:s24+$0x16140] =	vst v0  }
0x25: {  	[tilespmem:s24+$0x16150] =	vst v0  }
0x26: {  	[tilespmem:s24+$0x16160] =	vst v0;
	p0 =	sne.s32 s7, $0x1  }
.Ltmp1:
0x27: {  	[tilespmem:s24+$0x16170] =	vst v0;
	(pc) =	sbr.rel @!p0 .LBB2_5-.Ltmp1, $4  }
0x28: {  	[tilespmem:s24+$0x16180] =	vst v0  }
0x29: {  	[spmem:s10] =	stream.linear.scatter [tilespmem:s15], [sflag:$0x3], $0x2800, $0x38;
	[tilespmem:$0x1C520] =	vst v63  }
0x2a: {  	_ =	swait.ge [sflag:s13], $0x2800  }
0x2b: {  	s24 =	sadd.s32 $0xFFFFFFFF, s7;
	s25 =	smov.u32 s10;
	[sflag:s13] =	ssyncset.done $0x0  }
.LBB2_4:
0x2c: {  	p1 =	sne.s32 s24, $0x1;
	[sflag:s13] =	ssyncadd.s32 $0xFFFFD800;
	s25 =	sadd.s32 $0x2800, s25  }
.Ltmp2:
0x2d: {  	s24 =	sadd.s32 $0xFFFFFFFF, s24;
	(pc) =	sbr.rel @p1 .LBB2_4-.Ltmp2, $4  }
0x2e: {  	_ = 	snop  }
0x2f: {  	[spmem:s25] =	stream.linear.scatter [tilespmem:s15], [sflag:$0x3], $0x2800, $0x38;
	[tilespmem:$0x1C520] =	vst v63  }
0x30: {  	_ =	swait.ge [sflag:s13], $0x2800  }
0x31: {  	[sflag:s13] =	ssyncset.done $0x0  }
.LBB2_5:
0x32: {  	[sflag:s13] =	ssyncadd.s32 $0xFFFFD800  }
0x33: {  	[bflag:$0x0] =	sbarrier.arrive $0xFFFF  }
0x34: {  	[tilespmem:s15], [sflag:$0x1] =	stream.indirect.gather [hbm4b:s4+s16], $0x80, s12, s16, $0xb8;
	[tilespmem:$0x1C520] =	vst v63  }
0x35: {  	s24 =	simm.s32 $0x138E8  }
0x36: {  	[tilespmem:s17], [sflag:$0x2] =	stream.indirect.gather [hbm4b:s4+s16], $0x80, s24, s16, $0xb8;
	[tilespmem:$0x1C520] =	vst v63  }
0x37: {  	_ =	swait.ge [sflag:s18], $0x3200  }
0x38: {  	[sflag:s18] =	ssyncset.done $0x0  }
0x39: {  	s29 =	simm.s32 $0x14CD0;
	[sflag:s18] =	ssyncadd.s32 $0xFFFFCE00  }
0x3a: {  	[spmem:s2] =	stream.indirect.scatter.add.f32 [tilespmem:s15], [sflag:$0x3], $0x80, s29, s16, $0xb8;
	[tilespmem:$0x1C520] =	vst v63  }
0x3b: {  	_ =	swait.ge [sflag:s13], $0x3200  }
0x3c: {  	[sflag:s13] =	ssyncset.done $0x0  }
0x3d: {  	s30 =	simm.s32 $0x13950;
	[sflag:s13] =	ssyncadd.s32 $0xFFFFCE00  }
0x3e: {  	[tilespmem:s15], [sflag:$0x1] =	stream.indirect.gather [hbm4b:s4+s16], $0x80, s30, s16, $0xb8;
	[tilespmem:$0x1C520] =	vst v63  }
0x3f: {  	_ =	swait.ge [sflag:s19], $0x3200  }
0x40: {  	[sflag:s19] =	ssyncset.done $0x0  }
0x41: {  	s31 =	simm.s32 $0x14D38;
	[sflag:s19] =	ssyncadd.s32 $0xFFFFCE00  }
0x42: {  	[spmem:s2] =	stream.indirect.scatter.add.f32 [tilespmem:s17], [sflag:$0x3], $0x80, s31, s16, $0xb8;
	[tilespmem:$0x1C520] =	vst v63  }
0x43: {  	_ =	swait.ge [sflag:s13], $0x3200  }
0x44: {  	s25 =	simm.s32 $0x680;
	s24 =	simm.s32 $0xD0;
	[sflag:s13] =	ssyncset.done $0x0  }
.LBB2_6:
0x45: {  	s26 =	sadd.s32 $0x138E8, s24  }
0x46: {  	[sflag:s13] =	ssyncadd.s32 $0xFFFFCE00;
	s28 =	smov.u32 s25;
	s29 =	sadd.s32 $0x340, s25  }
0x47: {  	[tilespmem:s17], [sflag:$0x2] =	stream.indirect.gather [hbm4b:s4+s16], $0x80, s26, s16, $0xb8;
	[tilespmem:$0x1C520] =	vst v63  }
0x48: {  	p1 =	sne.s32 s25, $0x4AC0;
	_ =	swait.ge [sflag:s18], $0x3200  }
0x49: {  	[sflag:s18] =	ssyncset.done $0x0  }
0x4a: {  	s25 =	sadd.s32 $0x14CD0, s24;
	[sflag:s18] =	ssyncadd.s32 $0xFFFFCE00  }
0x4b: {  	[spmem:s2] =	stream.indirect.scatter.add.f32 [tilespmem:s15], [sflag:$0x3], $0x80, s25, s16, $0xb8;
	[tilespmem:$0x1C520] =	vst v63  }
0x4c: {  	_ =	swait.ge [sflag:s13], $0x3200  }
0x4d: {  	[sflag:s13] =	ssyncset.done $0x0  }
0x4e: {  	s25 =	sadd.s32 $0x13950, s24;
	[sflag:s13] =	ssyncadd.s32 $0xFFFFCE00  }
0x4f: {  	[tilespmem:s15], [sflag:$0x1] =	stream.indirect.gather [hbm4b:s4+s16], $0x80, s25, s16, $0xb8;
	[tilespmem:$0x1C520] =	vst v63  }
0x50: {  	_ =	swait.ge [sflag:s19], $0x3200  }
.Ltmp3:
0x51: {  	[sflag:s19] =	ssyncset.done $0x0;
	(pc) =	sbr.rel @p1 .LBB2_6-.Ltmp3, $4  }
0x52: {  	s24 =	sadd.s32 $0x14D38, s24;
	[sflag:s19] =	ssyncadd.s32 $0xFFFFCE00  }
0x53: {  	[spmem:s2] =	stream.indirect.scatter.add.f32 [tilespmem:s17], [sflag:$0x3], $0x80, s24, s16, $0xb8;
	[tilespmem:$0x1C520] =	vst v63  }
0x54: {  	_ =	swait.ge [sflag:s13], $0x3200  }
0x55: {  	s25 =	smov.u32 s29;
	s24 =	sshra.s32 s28, $0x2;
	[sflag:s13] =	ssyncset.done $0x0  }
0x56: {  	s25 =	sadd.s32 $0x138E8, s24;
	[sflag:s13] =	ssyncadd.s32 $0xFFFFCE00  }
0x57: {  	[tilespmem:s17], [sflag:$0x2] =	stream.indirect.gather [hbm4b:s4+s16], $0x80, s25, s16, $0xb8;
	[tilespmem:$0x1C520] =	vst v63  }
0x58: {  	_ =	swait.ge [sflag:s18], $0x3200  }
0x59: {  	[sflag:s18] =	ssyncset.done $0x0  }
0x5a: {  	s31 =	sadd.s32 $0x14CD0, s24;
	[sflag:s18] =	ssyncadd.s32 $0xFFFFCE00  }
0x5b: {  	[spmem:s2] =	stream.indirect.scatter.add.f32 [tilespmem:s15], [sflag:$0x3], $0x80, s31, s16, $0xb8;
	[tilespmem:$0x1C520] =	vst v63  }
0x5c: {  	_ =	swait.ge [sflag:s13], $0x3200  }
0x5d: {  	[sflag:s13] =	ssyncset.done $0x0  }
0x5e: {  	s26 =	sadd.s32 $0x13950, s24;
	[sflag:s13] =	ssyncadd.s32 $0xFFFFCE00  }
0x5f: {  	[tilespmem:s15], [sflag:$0x1] =	stream.indirect.gather [hbm4b:s4+s16], $0x80, s26, s16, $0xb8;
	[tilespmem:$0x1C520] =	vst v63  }
0x60: {  	_ =	swait.ge [sflag:s19], $0x3200  }
0x61: {  	[sflag:s19] =	ssyncset.done $0x0  }
0x62: {  	s29 =	sadd.s32 $0x14D38, s24;
	[sflag:s19] =	ssyncadd.s32 $0xFFFFCE00  }
0x63: {  	[spmem:s2] =	stream.indirect.scatter.add.f32 [tilespmem:s17], [sflag:$0x3], $0x80, s29, s16, $0xb8;
	[tilespmem:$0x1C520] =	vst v63  }
0x64: {  	_ =	swait.ge [sflag:s13], $0x3200  }
0x65: {  	[sflag:s13] =	ssyncset.done $0x0  }
0x66: {  	[sflag:s13] =	ssyncadd.s32 $0xFFFFCE00  }
0x67: {  	[tilespmem:s17], [sflag:$0x2] =	stream.indirect.gather [hbm4b:s4+s16], $0x80, s20, s16, $0xb8;
	[tilespmem:$0x1C520] =	vst v63  }
0x68: {  	_ =	swait.ge [sflag:s18], $0x3200  }
0x69: {  	[sflag:s18] =	ssyncset.done $0x0  }
0x6a: {  	[sflag:s18] =	ssyncadd.s32 $0xFFFFCE00  }
0x6b: {  	[spmem:s2] =	stream.indirect.scatter.add.f32 [tilespmem:s15], [sflag:$0x3], $0x80, s21, s16, $0xb8;
	[tilespmem:$0x1C520] =	vst v63  }
0x6c: {  	_ =	swait.ge [sflag:s13], $0x3200  }
0x6d: {  	[sflag:s13] =	ssyncset.done $0x0  }
0x6e: {  	[sflag:s13] =	ssyncadd.s32 $0xFFFFCE00  }
0x6f: {  	_ =	swait.ge [sflag:s19], $0x3200  }
0x70: {  	[sflag:s19] =	ssyncset.done $0x0  }
0x71: {  	[sflag:s19] =	ssyncadd.s32 $0xFFFFCE00  }
0x72: {  	[spmem:s2] =	stream.indirect.scatter.add.f32 [tilespmem:s17], [sflag:$0x3], $0x80, s22, s16, $0xb8;
	[tilespmem:$0x1C520] =	vst v63  }
0x73: {  	_ =	swait.ge [sflag:s13], $0x3200  }
.Ltmp4:
0x74: {  	s30 =	sshll.u32 s0, $0x6;
	[sflag:s13] =	ssyncset.done $0x0;
	(pc) =	sbr.rel @!p0 .LBB2_9-.Ltmp4, $4  }
0x75: {  	s24 =	sor.u32 $0x1C03, s30;
	s31 =	sshrl.u32 s11, $0x3;
	[sflag:s13] =	ssyncadd.s32 $0xFFFFCE00  }
0x76: {  	s25 =	sadd.s32 s31, s8;
	s26 =	sshrl.u32 s10, $0x3;
	[bflag:$0x0] =	sbarrier.arrive $0xFFFF  }
0x77: {  	[hbm:s25], [sflag:s24] =	dma.local [spmem:s26], $0x500  }
0x78: {  	s28 =	smov.u32 s10;
	s25 =	sadd.s32 $0xFFFFFFFF, s7;
	s26 =	sadd.s32 $0x2800, s11  }
.LBB2_8:
0x79: {  	_ =	swait.ge [sflag:s13], $0x500  }
0x7a: {  	s28 =	sadd.s32 $0x2800, s28;
	s29 =	sshrl.u32 s26, $0x3;
	p0 =	sne.s32 s25, $0x1  }
.Ltmp5:
0x7b: {  	s30 =	sshrl.u32 s28, $0x3;
	[sflag:s13] =	ssyncset.done $0x0;
	(pc) =	sbr.rel @p0 .LBB2_8-.Ltmp5, $4  }
0x7c: {  	s29 =	sadd.s32 s29, s8;
	[sflag:s13] =	ssyncadd.s32 $0xFFFFFB00  }
0x7d: {  	[hbm:s29], [sflag:s24] =	dma.local [spmem:s30], $0x500  }
0x7e: {  	s25 =	sadd.s32 $0xFFFFFFFF, s25  }
0x7f: {  	s26 =	sadd.s32 $0x2800, s26  }
.LBB2_9:
0x80: {  	s23 =	sadd.s32 $0x1, s23  }
0x81: {  	p0 =	sne.s32 s23, s9  }
.Ltmp6:
0x82: {  	_ = 	snop;
	(pc) =	sbr.rel @p0 .LBB2_1-.Ltmp6, $4  }
0x83: {  	_ = 	snop  }
0x84: {  	_ =	swait.ge [sflag:s13], $0x500  }
0x85: {  	[sflag:s13] =	ssyncset.done $0x0  }
0x86: {  	[sflag:s13] =	ssyncadd.s32 $0xFFFFFB00  }
0x87: {  	_ =	sfence.sel $0x180000  }
0x88: {  	[bflag:$0x0] =	sbarrier.arrive $0xFFFF  }
0x89: {  	p0 =	sne.s32 s0, $0x0;
	_ =	strace $0x9000004A  }
0x8a: {  	s0 =	sadd.s32 @!p0 $0x100000, s1;
	[bflag:$0x2] =	sbarrier.arrive $0xFFFF  }
0x8b: {  	[sflag:s0] =	ssyncadd.tile.s32 @!p0 $0x1;
	_ =	shalt  }
.Lfunc_end2:
_tile_overlayer_lowered:
.L_overlay_start_2:
0x8c: {  	(tag) =	ssettag $0x2  }
0x8d: {  	s0 =	rddreg [dreg:$0x0];
	s2 =	stileid.u32  }
0x8e: {  	s1 =	rddreg [dreg:$0x1];
	p0 =	sne.s32 s2, $0x0  }
0x8f: {  	s3 =	rddreg [dreg:$0x2];
	[bflag:$0x3] =	sbarrier.arrive $0xFFFF;
	s2 =	simm.s32 @!p0 $0x1C03  }
0x90: {  	[timem:s3], [sflag:s2] =	dma.local @!p0 [hbm:s0], s1  }
0x91: {  	s0 =	simm.s32 @!p0 $0x3  }
0x92: {  	_ =	swait.ge @!p0 [sflag:s0], s1  }
0x93: {  	s1 =	ssub.s32 @!p0 $0x0, s1;
	[sflag:s0] =	ssyncset.done @!p0 $0x0  }
0x94: {  	[sflag:s0] =	ssyncadd.s32 @!p0 s1  }
0x95: {  	[bflag:$0x3] =	sbarrier.arrive $0xFFFF  }
0x96: {  	_ =	shalt  }

// kernel: kernel.16.cloned.1.call-start
scs
__scs_entry_jumppad:
0x0: {  	(pc) =	sbr.rel $0x88, $3  }
0x1: {  	(tag) =	ssettag $0x0;
	lr =	simm.s32 $0x1  }
0x2: {  	[smem:$0x3F94] =	sst lr;
	_ =	strace $0xD0000000  }
0x3: {  	_ = 	snop  }
0x4: {  	_ = 	snop  }
0x5: {  	_ = 	snop  }
0x6: {  	_ = 	snop  }
0x7: {  	_ = 	snop  }
__scs_overlays_trampoline_lowered:
0x8: {  	[smem:$0x3FA3] =	sst s0  }
0x9: {  	[smem:$0x3FA4] =	sst s1  }
0xa: {  	[smem:$0x3FA5] =	sst s2  }
0xb: {  	[smem:$0x3FA6] =	sst s3  }
0xc: {  	[smem:$0x3FA7] =	sst s4  }
0xd: {  	[smem:$0x3FA8] =	sst s5  }
0xe: {  	[smem:$0x3FA9] =	sst s6  }
0xf: {  	[smem:$0x3FAA] =	sst s7  }
0x10: {  	[smem:$0x3FAB] =	sst s8  }
0x11: {  	[smem:$0x3FAC] =	sst s9;
	s0 =	simm.s32 @!p0 $0x0  }
0x12: {  	s1 =	sld [smem:$0x3F92];
	s0 =	simm.s32 @p0 $0x1  }
0x13: {  	[smem:$0x3FAD] =	sst s0;
	s0 =	simm.s32 @!p1 $0x0  }
0x14: {  	s2 =	sld [smem:$0x3F91];
	s0 =	simm.s32 @p1 $0x1  }
0x15: {  	[smem:$0x3FAE] =	sst s0;
	s0 =	simm.s32 @!p2 $0x0  }
0x16: {  	s3 =	sld [smem:$0x3FDB];
	s0 =	simm.s32 @p2 $0x1  }
0x17: {  	s4 =	simm.s32 $0x1BF5;
	[smem:$0x3FB0] =	sst s0  }
0x18: {  	s0 =	sld [smem:$0x3F93];
	_ =	swait.ge [sflag:s4], $0x0  }
0x19: {  	s7 =	sld [smem:$0x3F94]  }
0x1a: {  	s8 =	sadd.s32 $0xFFFFE003, lr  }
0x1b: {  	s9 =	sadd.s32 $0xFFFFFEF7, lr;
	s5 =	simm.s32 $0xFFFFFFFF;
	p2 =	slt.u32 s8, $0xFFFFF086  }
0x1c: {  	p1 =	slt.u32 s9, $0xF7A;
	s5 =	simm.s32 @!p2 $0x0  }
0x1d: {  	s5 =	simm.s32 @p1 $0x1;
	p0 =	seq.s32 s7, s2  }
0x1e: {  	s7 =	smul.u32 @!p0 $0xF7A, s2;
	p2 =	seq.s32 @!p0 s5, $0x0  }
0x1f: {  	s9 =	smul.u32 $0xF7A, s1;
	s8 =	simm.s32 @!p0 $0x1BF5;
	p2 =	por !p2, p0  }
0x20: {  	[sflag:s8] =	ssyncset.s32 @!p0 $0xFFFFF086;
	s6 =	sadd.s32 @!p0 s3, s7;
	s7 =	simm.s32 @!p0 $0x108  }
0x21: {  	s3 =	sadd.s32 s3, s9;
	s6 =	sadd.s32 @!p0 $0x88, s6;
	s7 =	simm.s32 @p2 $0x1082  }
0x22: {  	[simem:s7], [sflag:s8] =	dma.local @!p0 [hbm:s6], $0xF7A  }
0x23: {  	s9 =	sor.u32 $0xD0000000, s2;
	s6 =	simm.s32 $0x108;
	_ =	swait.ge @!p0 [sflag:s8], $0x0  }
0x24: {  	s3 =	sadd.s32 $0x88, s3;
	s6 =	simm.s32 @!p1 $0x1082;
	[sflag:s4] =	ssyncset.s32 $0xFFFFF086  }
0x25: {  	[simem:s6], [sflag:s4] =	dma.local [hbm:s3], $0xF7A  }
0x26: {  	[smem:$0x3F94] =	sst s1;
	(tag) =	ssettag s2;
	_ =	strace s9  }
0x27: {  	s1 =	sld [smem:$0x3FA4]  }
0x28: {  	s2 =	sld [smem:$0x3FA5]  }
0x29: {  	s4 =	sld [smem:$0x3FA7]  }
0x2a: {  	p0 =	seq.s32 s5, $0x0;
	s5 =	sld [smem:$0x3FA8]  }
0x2b: {  	s6 =	sld [smem:$0x3FA9]  }
0x2c: {  	s7 =	sld [smem:$0x3FAA]  }
0x2d: {  	s3 =	simm.s32 $0x108;
	s8 =	sld [smem:$0x3FAB]  }
0x2e: {  	s3 =	simm.s32 @!p0 $0x1082;
	s9 =	sld [smem:$0x3FAC]  }
0x2f: {  	lr =	sadd.s32 s0, s3;
	s0 =	sld [smem:$0x3FA3]  }
0x30: {  	s3 =	sld [smem:$0x3FA6]  }
0x31: {  	[smem:$0x3FAF] =	sst s10  }
0x32: {  	s10 =	sld [smem:$0x3FAD];
	_ =	sdelay $0x3  }
0x33: {  	p0 =	seq.s32 s10, $0x1;
	s10 =	sld [smem:$0x3FAF];
	_ =	sdelay $0x3  }
0x34: {  	[smem:$0x3FAF] =	sst s10  }
0x35: {  	s10 =	sld [smem:$0x3FAE];
	_ =	sdelay $0x3  }
0x36: {  	p1 =	seq.s32 s10, $0x1;
	s10 =	sld [smem:$0x3FAF];
	_ =	sdelay $0x3  }
0x37: {  	[smem:$0x3FAF] =	sst s10  }
0x38: {  	s10 =	sld [smem:$0x3FB0]  }
0x39: {  	_ = 	snop;
	(pc) =	sbr.ind lr, $3  }
0x3a: {  	_ = 	snop  }
0x3b: {  	_ = 	snop  }
0x3c: {  	p2 =	seq.s32 s10, $0x1;
	s10 =	sld [smem:$0x3FAF]  }
0x3d: {  	_ =	shalt  }
0x3e: {  	_ =	shalt  }
0x3f: {  	_ =	shalt  }
0x40: {  	_ =	shalt  }
0x41: {  	_ =	shalt  }
0x42: {  	_ =	shalt  }
0x43: {  	_ =	shalt  }
0x44: {  	_ =	shalt  }
0x45: {  	_ =	shalt  }
0x46: {  	_ =	shalt  }
0x47: {  	_ =	shalt  }
0x48: {  	_ =	shalt  }
0x49: {  	_ =	shalt  }
0x4a: {  	_ =	shalt  }
0x4b: {  	_ =	shalt  }
0x4c: {  	_ =	shalt  }
0x4d: {  	_ =	shalt  }
0x4e: {  	_ =	shalt  }
0x4f: {  	_ =	shalt  }
0x50: {  	_ =	shalt  }
0x51: {  	_ =	shalt  }
0x52: {  	_ =	shalt  }
0x53: {  	_ =	shalt  }
0x54: {  	_ =	shalt  }
0x55: {  	_ =	shalt  }
0x56: {  	_ =	shalt  }
0x57: {  	_ =	shalt  }
0x58: {  	_ =	shalt  }
0x59: {  	_ =	shalt  }
0x5a: {  	_ =	shalt  }
0x5b: {  	_ =	shalt  }
0x5c: {  	_ =	shalt  }
0x5d: {  	_ =	shalt  }
0x5e: {  	_ =	shalt  }
0x5f: {  	_ =	shalt  }
0x60: {  	_ =	shalt  }
0x61: {  	_ =	shalt  }
0x62: {  	_ =	shalt  }
0x63: {  	_ =	shalt  }
0x64: {  	_ =	shalt  }
0x65: {  	_ =	shalt  }
0x66: {  	_ =	shalt  }
0x67: {  	_ =	shalt  }
0x68: {  	_ =	shalt  }
0x69: {  	_ =	shalt  }
0x6a: {  	_ =	shalt  }
0x6b: {  	_ =	shalt  }
0x6c: {  	_ =	shalt  }
0x6d: {  	_ =	shalt  }
0x6e: {  	_ =	shalt  }
0x6f: {  	_ =	shalt  }
0x70: {  	_ =	shalt  }
0x71: {  	_ =	shalt  }
0x72: {  	_ =	shalt  }
0x73: {  	_ =	shalt  }
0x74: {  	_ =	shalt  }
0x75: {  	_ =	shalt  }
0x76: {  	_ =	shalt  }
0x77: {  	_ =	shalt  }
0x78: {  	_ =	shalt  }
0x79: {  	_ =	shalt  }
0x7a: {  	_ =	shalt  }
0x7b: {  	_ =	shalt  }
0x7c: {  	_ =	shalt  }
0x7d: {  	_ =	shalt  }
0x7e: {  	_ =	shalt  }
0x7f: {  	_ =	shalt  }
0x80: {  	_ =	shalt  }
0x81: {  	_ =	shalt  }
0x82: {  	_ =	shalt  }
0x83: {  	_ =	shalt  }
0x84: {  	_ =	shalt  }
0x85: {  	_ =	shalt  }
0x86: {  	_ =	shalt  }
0x87: {  	_ =	shalt  }
.Lfunc_end0:
.L_simem_size_0:
called_computation.2_lowered:
.L_overlay_start_0:
0x88: {  	s2 =	sld [smem:$0x3FD9]  }
0x89: {  	s3 =	sld [smem:$0x3FFE];
	_ =	sdelay $0x1  }
0x8a: {  	s1 =	srdreg.scid  }
0x8b: {  	s0 =	sand.u32 $0x1, s1  }
0x8c: {  	s17 =	sshll.u32 s0, $0xA;
	s2 =	sadd.s32 s3, s2  }
0x8d: {  	s2 =	sadd.s32 s2, s17  }
0x8e: {  	[smem:$0x3FBB] =	sst s2  }
0x8f: {  	_ = 	snop  }
0x90: {  	s2 =	sld [smem:$0x3FD0];
	(tm) =	ssettm $0x1  }
0x91: {  	s18 =	sld [smem:$0x3FFB];
	_ =	sdelay $0x3  }
0x92: {  	_ =	strace s18  }
0x93: {  	s3 =	sld [smem:$0x3FFC];
	_ =	sdelay $0x3  }
0x94: {  	_ =	strace s3  }
0x95: {  	s3 =	sld [smem:$0x3FFD];
	_ =	sdelay $0x3  }
0x96: {  	_ =	strace s3  }
0x97: {  	_ =	strace $0x8FFFFFFF  }
0x98: {  	s19 =	sld [smem:$0x3FDB];
	_ =	sdelay $0x1  }
0x99: {  	s4 =	simm.s32 $_scs_section_size  }
0x9a: {  	s5 =	simm.s32 $_size__tile_overlayer_lowered;
	s6 =	simm.s32 $_tile_overlayer_lowered  }
0x9b: {  	s22 =	simm.s32 $0x1BFF;
	s21 =	sshll.u32 s6, $0x1;
	s3 =	sadd.s32 s4, s19  }
0x9c: {  	s7 =	simm.s32 $0x0;
	s20 =	sshll.u32 s5, $0x1;
	s5 =	sadd.s32 s21, s3  }
0x9d: {  	[timem:s7], [sflag:s22] =	dma.local [hbm:s5], s20  }
0x9e: {  	_ =	swait.ge [sflag:s22], s20  }
0x9f: {  	s4 =	ssub.s32 $0x0, s20;
	[sflag:s22] =	ssyncset.done $0x0  }
0xa0: {  	[sflag:s22] =	ssyncadd.s32 s4;
	_ =	sdelay $0x1  }
0xa1: {  	s23 =	simm.s32 $0x1B8B  }
0xa2: {  	_ =	swait.ge [sflag:s23], $0x1  }
0xa3: {  	[sflag:s23] =	ssyncset.done $0x0  }
0xa4: {  	s25 =	simm.s32 $0x1B8E;
	s24 =	sld [smem:$0x3FFE];
	[sflag:s23] =	ssyncadd.s32 $0xFFFFFFFF  }
0xa5: {  	s26 =	simm.s32 $execute0_lowered;
	[smem:$0x3FD2] =	sst s25  }
0xa6: {  	s5 =	sshll.u32 s26, $0x1;
	_ =	strace $0x8000004C;
	[dreg:$0x1] =	wrdreg $0xFFFFFFFF  }
0xa7: {  	s28 =	simm.s32 $_size_execute0_lowered;
	s3 =	sadd.s32 s3, s5;
	[dreg:$0x0] =	wrdreg $0x0  }
0xa8: {  	s5 =	sshll.u32 s28, $0x1;
	[dreg:$0x2] =	wrdreg s3  }
0xa9: {  	[dreg:$0x3] =	wrdreg s5  }
0xaa: {  	[dreg:$0x4] =	wrdreg $0xC0  }
0xab: {  	_ =	task [dreg:s7], $0x5FFFF  }
0xac: {  	[dreg:$0x1] =	wrdreg $0xFFFFFFFF  }
0xad: {  	[dreg:$0x0] =	wrdreg $0x60  }
0xae: {  	[dreg:$0x2] =	wrdreg s24  }
0xaf: {  	[dreg:$0x3] =	wrdreg s2  }
0xb0: {  	[dreg:$0x4] =	wrdreg $0x0  }
0xb1: {  	[dreg:$0x5] =	wrdreg $0x9  }
0xb2: {  	_ =	task.clear_ibuf [dreg:s7], $0x6FFFF;
	_ =	strace $0x9000004C  }
0xb3: {  	s29 =	simm.s32 $0x9;
	_ =	strace $0x8000004E  }
0xb4: {  	_ =	swait.ge [sflag:s29], $0x1  }
0xb5: {  	[sflag:s29] =	ssyncadd.s32 $0xFFFFFFFF  }
0xb6: {  	_ =	strace $0x9000004E  }
0xb7: {  	_ =	sfence  }
0xb8: {  	s30 =	sld [smem:$0x0];
	_ =	sdelay $0x2  }
0xb9: {  	s31 =	sshll.u32 s1, $0xD;
	s1 =	sshrl.u32 s1, $0x2  }
0xba: {  	s3 =	sand.u32 $0x4000, s31;
	s1 =	sadd.s32 s1, s30  }
0xbb: {  	s0 =	sor.u32 s3, s0;
	s1 =	sshll.u32 s1, $0x11  }
0xbc: {  	s0 =	sor.u32 s1, s0  }
0xbd: {  	s0 =	sadd.s32 $0x8F2B, s0  }
0xbe: {  	[sflag:s0] =	ssyncadd.remote.s32 $0x1  }
0xbf: {  	_ =	sfence.sel $0xFFFF  }
0xc0: {  	[dreg:$0x0] =	wrdreg $0xFFFFFFFF;
	(pc) =	sbr.abs _section_cstart, $3  }
0xc1: {  	[dreg:$0x1] =	wrdreg $0xFFFFFFFF  }
0xc2: {  	_ =	task.clear_ibuf [dreg:s7], $0x2FFFF;
	_ =	strace $0x9FFFFFFF  }
0xc3: {  	(tm) =	ssettm $0x7FFFFFFF  }
tec
execute0_lowered:
.L_overlay_start_1:
0x0: {  	(tag) =	ssettag $0x1  }
0x1: {  	s5 =	rddreg [dreg:$0x0]  }
0x2: {  	s7 =	rddreg [dreg:$0x1]  }
0x3: {  	s0 =	srdreg.scid;
	s2 =	rddreg [dreg:$0x2]  }
0x4: {  	s3 =	simm.s32 $0x0;
	s13 =	simm.s32 $0x3;
	s14 =	simm.s32 $0x14CD0  }
0x5: {  	s15 =	simm.s32 $0x16120;
	s16 =	simm.s32 $0x64;
	s17 =	simm.s32 $0x19320  }
0x6: {  	s18 =	simm.s32 $0x1;
	s19 =	simm.s32 $0x2;
	s20 =	simm.s32 $0x14C68  }
0x7: {  	s21 =	simm.s32 $0x16050;
	s22 =	simm.s32 $0x160B8;
	s23 =	simm.s32 $0x0  }
0x8: {  	s6 =	sand.u32 $0x1, s0;
	s0 =	stileid.u32;
	[smem:$0x7FF] =	sst s3  }
0x9: {  	s1 =	sshll.u32 s6, $0x4;
	s9 =	smul.u32 $0x27100, s6;
	s6 =	ssub.s32 $0x2, s6  }
0xa: {  	s12 =	smul.u32 $0x50000, s0;
	p0 =	seq.s32 s0, $0xF;
	s4 =	sor.u32 s0, s1  }
0xb: {  	s1 =	rddreg [dreg:$0x3];
	_ =	strace $0x8000004D;
	s30 =	sshrl.u32 s6, $0x1  }
0xc: {  	s8 =	smul.u32 $0x28A, s4;
	s4 =	sadd.s32 $0x27800, s5;
	s9 =	sadd.s32 s9, s5  }
0xd: {  	s11 =	ssub.s32 s6, s30;
	s31 =	sshrl.u32 s12, $0x2;
	s12 =	simm.s32 $0x13880  }
0xe: {  	s10 =	sadd.s32 s8, s5;
	s5 =	sadd.s32 s7, s8;
	s7 =	simm.s32 $0x5  }
0xf: {  	s8 =	sadd.s32 $0x4EA00, s9;
	s9 =	smax.u32 s11, $0x1;
	s11 =	smul.u32 $0x14000, s0  }
0x10: {  	v0 =	vimm.f32 $0.0e+00;
	s6 =	sadd.s32 $0x4C00, s10;
	s7 =	simm.s32 @!p0 $0x8;
	s10 =	sadd.s32 s31, s2  }
.LBB2_1:
0x11: {  	[tilespmem:s12], [sflag:$0x3] =	stream.linear.gather [hbm4b:s5+s3], $0x1450, $0x38;
	[tilespmem:$0x1C520] =	vst v63  }
0x12: {  	_ =	swait.ge [sflag:s13], $0x1450  }
0x13: {  	[sflag:s13] =	ssyncset.done $0x0  }
0x14: {  	[sflag:s13] =	ssyncadd.s32 $0xFFFFEBB0  }
0x15: {  	[tilespmem:s14], [sflag:$0x3] =	stream.linear.gather [hbm4b:s6+s3], $0x1450, $0x38;
	[tilespmem:$0x1C520] =	vst v63  }
0x16: {  	_ =	swait.ge [sflag:s13], $0x1450  }
0x17: {  	[sflag:s13] =	ssyncset.done $0x0  }
0x18: {  	s24 =	simm.s32 $0x0;
	s25 =	simm.s32 $0x200;
	[sflag:s13] =	ssyncadd.s32 $0xFFFFEBB0  }
.LBB2_2:
0x19: {  	p0 =	sne.s32 s25, $0x9E00;
	[tilespmem:s24+$0x16190] =	vst v0  }
0x1a: {  	[tilespmem:s24+$0x16120] =	vst v0  }
0x1b: {  	[tilespmem:s24+$0x16130] =	vst v0  }
.Ltmp0:
0x1c: {  	[tilespmem:s24+$0x16140] =	vst v0;
	(pc) =	sbr.rel @p0 .LBB2_2-.Ltmp0, $4  }
0x1d: {  	[tilespmem:s24+$0x16150] =	vst v0  }
0x1e: {  	[tilespmem:s24+$0x16160] =	vst v0  }
0x1f: {  	[tilespmem:s24+$0x16170] =	vst v0  }
0x20: {  	[tilespmem:s24+$0x16180] =	vst v0;
	s24 =	sshra.s32 s25, $0x2;
	s25 =	sadd.s32 $0x200, s25  }
0x21: {  	[tilespmem:s24+$0x16190] =	vst v0  }
0x22: {  	[tilespmem:s24+$0x16120] =	vst v0  }
0x23: {  	[tilespmem:s24+$0x16130] =	vst v0  }
0x24: {  	[tilespmem:s24+$0x16140] =	vst v0  }
0x25: {  	[tilespmem:s24+$0x16150] =	vst v0  }
0x26: {  	[tilespmem:s24+$0x16160] =	vst v0;
	p0 =	sne.s32 s7, $0x1  }
.Ltmp1:
0x27: {  	[tilespmem:s24+$0x16170] =	vst v0;
	(pc) =	sbr.rel @!p0 .LBB2_5-.Ltmp1, $4  }
0x28: {  	[tilespmem:s24+$0x16180] =	vst v0  }
0x29: {  	[spmem:s10] =	stream.linear.scatter [tilespmem:s15], [sflag:$0x3], $0x2800, $0x38;
	[tilespmem:$0x1C520] =	vst v63  }
0x2a: {  	_ =	swait.ge [sflag:s13], $0x2800  }
0x2b: {  	s24 =	sadd.s32 $0xFFFFFFFF, s7;
	s25 =	smov.u32 s10;
	[sflag:s13] =	ssyncset.done $0x0  }
.LBB2_4:
0x2c: {  	p1 =	sne.s32 s24, $0x1;
	[sflag:s13] =	ssyncadd.s32 $0xFFFFD800;
	s25 =	sadd.s32 $0x2800, s25  }
.Ltmp2:
0x2d: {  	s24 =	sadd.s32 $0xFFFFFFFF, s24;
	(pc) =	sbr.rel @p1 .LBB2_4-.Ltmp2, $4  }
0x2e: {  	_ = 	snop  }
0x2f: {  	[spmem:s25] =	stream.linear.scatter [tilespmem:s15], [sflag:$0x3], $0x2800, $0x38;
	[tilespmem:$0x1C520] =	vst v63  }
0x30: {  	_ =	swait.ge [sflag:s13], $0x2800  }
0x31: {  	[sflag:s13] =	ssyncset.done $0x0  }
.LBB2_5:
0x32: {  	[sflag:s13] =	ssyncadd.s32 $0xFFFFD800  }
0x33: {  	[bflag:$0x0] =	sbarrier.arrive $0xFFFF  }
0x34: {  	[tilespmem:s15], [sflag:$0x1] =	stream.indirect.gather [hbm4b:s4+s16], $0x80, s12, s16, $0xb8;
	[tilespmem:$0x1C520] =	vst v63  }
0x35: {  	s24 =	simm.s32 $0x138E8  }
0x36: {  	[tilespmem:s17], [sflag:$0x2] =	stream.indirect.gather [hbm4b:s4+s16], $0x80, s24, s16, $0xb8;
	[tilespmem:$0x1C520] =	vst v63  }
0x37: {  	_ =	swait.ge [sflag:s18], $0x3200  }
0x38: {  	[sflag:s18] =	ssyncset.done $0x0  }
0x39: {  	s29 =	simm.s32 $0x14CD0;
	[sflag:s18] =	ssyncadd.s32 $0xFFFFCE00  }
0x3a: {  	[spmem:s2] =	stream.indirect.scatter.add.f32 [tilespmem:s15], [sflag:$0x3], $0x80, s29, s16, $0xb8;
	[tilespmem:$0x1C520] =	vst v63  }
0x3b: {  	_ =	swait.ge [sflag:s13], $0x3200  }
0x3c: {  	[sflag:s13] =	ssyncset.done $0x0  }
0x3d: {  	s30 =	simm.s32 $0x13950;
	[sflag:s13] =	ssyncadd.s32 $0xFFFFCE00  }
0x3e: {  	[tilespmem:s15], [sflag:$0x1] =	stream.indirect.gather [hbm4b:s4+s16], $0x80, s30, s16, $0xb8;
	[tilespmem:$0x1C520] =	vst v63  }
0x3f: {  	_ =	swait.ge [sflag:s19], $0x3200  }
0x40: {  	[sflag:s19] =	ssyncset.done $0x0  }
0x41: {  	s31 =	simm.s32 $0x14D38;
	[sflag:s19] =	ssyncadd.s32 $0xFFFFCE00  }
0x42: {  	[spmem:s2] =	stream.indirect.scatter.add.f32 [tilespmem:s17], [sflag:$0x3], $0x80, s31, s16, $0xb8;
	[tilespmem:$0x1C520] =	vst v63  }
0x43: {  	_ =	swait.ge [sflag:s13], $0x3200  }
0x44: {  	s25 =	simm.s32 $0x680;
	s24 =	simm.s32 $0xD0;
	[sflag:s13] =	ssyncset.done $0x0  }
.LBB2_6:
0x45: {  	s26 =	sadd.s32 $0x138E8, s24  }
0x46: {  	[sflag:s13] =	ssyncadd.s32 $0xFFFFCE00;
	s28 =	smov.u32 s25;
	s29 =	sadd.s32 $0x340, s25  }
0x47: {  	[tilespmem:s17], [sflag:$0x2] =	stream.indirect.gather [hbm4b:s4+s16], $0x80, s26, s16, $0xb8;
	[tilespmem:$0x1C520] =	vst v63  }
0x48: {  	p1 =	sne.s32 s25, $0x4AC0;
	_ =	swait.ge [sflag:s18], $0x3200  }
0x49: {  	[sflag:s18] =	ssyncset.done $0x0  }
0x4a: {  	s25 =	sadd.s32 $0x14CD0, s24;
	[sflag:s18] =	ssyncadd.s32 $0xFFFFCE00  }
0x4b: {  	[spmem:s2] =	stream.indirect.scatter.add.f32 [tilespmem:s15], [sflag:$0x3], $0x80, s25, s16, $0xb8;
	[tilespmem:$0x1C520] =	vst v63  }
0x4c: {  	_ =	swait.ge [sflag:s13], $0x3200  }
0x4d: {  	[sflag:s13] =	ssyncset.done $0x0  }
0x4e: {  	s25 =	sadd.s32 $0x13950, s24;
	[sflag:s13] =	ssyncadd.s32 $0xFFFFCE00  }
0x4f: {  	[tilespmem:s15], [sflag:$0x1] =	stream.indirect.gather [hbm4b:s4+s16], $0x80, s25, s16, $0xb8;
	[tilespmem:$0x1C520] =	vst v63  }
0x50: {  	_ =	swait.ge [sflag:s19], $0x3200  }
.Ltmp3:
0x51: {  	[sflag:s19] =	ssyncset.done $0x0;
	(pc) =	sbr.rel @p1 .LBB2_6-.Ltmp3, $4  }
0x52: {  	s24 =	sadd.s32 $0x14D38, s24;
	[sflag:s19] =	ssyncadd.s32 $0xFFFFCE00  }
0x53: {  	[spmem:s2] =	stream.indirect.scatter.add.f32 [tilespmem:s17], [sflag:$0x3], $0x80, s24, s16, $0xb8;
	[tilespmem:$0x1C520] =	vst v63  }
0x54: {  	_ =	swait.ge [sflag:s13], $0x3200  }
0x55: {  	s25 =	smov.u32 s29;
	s24 =	sshra.s32 s28, $0x2;
	[sflag:s13] =	ssyncset.done $0x0  }
0x56: {  	s25 =	sadd.s32 $0x138E8, s24;
	[sflag:s13] =	ssyncadd.s32 $0xFFFFCE00  }
0x57: {  	[tilespmem:s17], [sflag:$0x2] =	stream.indirect.gather [hbm4b:s4+s16], $0x80, s25, s16, $0xb8;
	[tilespmem:$0x1C520] =	vst v63  }
0x58: {  	_ =	swait.ge [sflag:s18], $0x3200  }
0x59: {  	[sflag:s18] =	ssyncset.done $0x0  }
0x5a: {  	s31 =	sadd.s32 $0x14CD0, s24;
	[sflag:s18] =	ssyncadd.s32 $0xFFFFCE00  }
0x5b: {  	[spmem:s2] =	stream.indirect.scatter.add.f32 [tilespmem:s15], [sflag:$0x3], $0x80, s31, s16, $0xb8;
	[tilespmem:$0x1C520] =	vst v63  }
0x5c: {  	_ =	swait.ge [sflag:s13], $0x3200  }
0x5d: {  	[sflag:s13] =	ssyncset.done $0x0  }
0x5e: {  	s26 =	sadd.s32 $0x13950, s24;
	[sflag:s13] =	ssyncadd.s32 $0xFFFFCE00  }
0x5f: {  	[tilespmem:s15], [sflag:$0x1] =	stream.indirect.gather [hbm4b:s4+s16], $0x80, s26, s16, $0xb8;
	[tilespmem:$0x1C520] =	vst v63  }
0x60: {  	_ =	swait.ge [sflag:s19], $0x3200  }
0x61: {  	[sflag:s19] =	ssyncset.done $0x0  }
0x62: {  	s29 =	sadd.s32 $0x14D38, s24;
	[sflag:s19] =	ssyncadd.s32 $0xFFFFCE00  }
0x63: {  	[spmem:s2] =	stream.indirect.scatter.add.f32 [tilespmem:s17], [sflag:$0x3], $0x80, s29, s16, $0xb8;
	[tilespmem:$0x1C520] =	vst v63  }
0x64: {  	_ =	swait.ge [sflag:s13], $0x3200  }
0x65: {  	[sflag:s13] =	ssyncset.done $0x0  }
0x66: {  	[sflag:s13] =	ssyncadd.s32 $0xFFFFCE00  }
0x67: {  	[tilespmem:s17], [sflag:$0x2] =	stream.indirect.gather [hbm4b:s4+s16], $0x80, s20, s16, $0xb8;
	[tilespmem:$0x1C520] =	vst v63  }
0x68: {  	_ =	swait.ge [sflag:s18], $0x3200  }
0x69: {  	[sflag:s18] =	ssyncset.done $0x0  }
0x6a: {  	[sflag:s18] =	ssyncadd.s32 $0xFFFFCE00  }
0x6b: {  	[spmem:s2] =	stream.indirect.scatter.add.f32 [tilespmem:s15], [sflag:$0x3], $0x80, s21, s16, $0xb8;
	[tilespmem:$0x1C520] =	vst v63  }
0x6c: {  	_ =	swait.ge [sflag:s13], $0x3200  }
0x6d: {  	[sflag:s13] =	ssyncset.done $0x0  }
0x6e: {  	[sflag:s13] =	ssyncadd.s32 $0xFFFFCE00  }
0x6f: {  	_ =	swait.ge [sflag:s19], $0x3200  }
0x70: {  	[sflag:s19] =	ssyncset.done $0x0  }
0x71: {  	[sflag:s19] =	ssyncadd.s32 $0xFFFFCE00  }
0x72: {  	[spmem:s2] =	stream.indirect.scatter.add.f32 [tilespmem:s17], [sflag:$0x3], $0x80, s22, s16, $0xb8;
	[tilespmem:$0x1C520] =	vst v63  }
0x73: {  	_ =	swait.ge [sflag:s13], $0x3200  }
.Ltmp4:
0x74: {  	s30 =	sshll.u32 s0, $0x6;
	[sflag:s13] =	ssyncset.done $0x0;
	(pc) =	sbr.rel @!p0 .LBB2_9-.Ltmp4, $4  }
0x75: {  	s24 =	sor.u32 $0x1C03, s30;
	s31 =	sshrl.u32 s11, $0x3;
	[sflag:s13] =	ssyncadd.s32 $0xFFFFCE00  }
0x76: {  	s25 =	sadd.s32 s31, s8;
	s26 =	sshrl.u32 s10, $0x3;
	[bflag:$0x0] =	sbarrier.arrive $0xFFFF  }
0x77: {  	[hbm:s25], [sflag:s24] =	dma.local [spmem:s26], $0x500  }
0x78: {  	s28 =	smov.u32 s10;
	s25 =	sadd.s32 $0xFFFFFFFF, s7;
	s26 =	sadd.s32 $0x2800, s11  }
.LBB2_8:
0x79: {  	_ =	swait.ge [sflag:s13], $0x500  }
0x7a: {  	s28 =	sadd.s32 $0x2800, s28;
	s29 =	sshrl.u32 s26, $0x3;
	p0 =	sne.s32 s25, $0x1  }
.Ltmp5:
0x7b: {  	s30 =	sshrl.u32 s28, $0x3;
	[sflag:s13] =	ssyncset.done $0x0;
	(pc) =	sbr.rel @p0 .LBB2_8-.Ltmp5, $4  }
0x7c: {  	s29 =	sadd.s32 s29, s8;
	[sflag:s13] =	ssyncadd.s32 $0xFFFFFB00  }
0x7d: {  	[hbm:s29], [sflag:s24] =	dma.local [spmem:s30], $0x500  }
0x7e: {  	s25 =	sadd.s32 $0xFFFFFFFF, s25  }
0x7f: {  	s26 =	sadd.s32 $0x2800, s26  }
.LBB2_9:
0x80: {  	s23 =	sadd.s32 $0x1, s23  }
0x81: {  	p0 =	sne.s32 s23, s9  }
.Ltmp6:
0x82: {  	_ = 	snop;
	(pc) =	sbr.rel @p0 .LBB2_1-.Ltmp6, $4  }
0x83: {  	_ = 	snop  }
0x84: {  	_ =	swait.ge [sflag:s13], $0x500  }
0x85: {  	[sflag:s13] =	ssyncset.done $0x0  }
0x86: {  	[sflag:s13] =	ssyncadd.s32 $0xFFFFFB00  }
0x87: {  	_ =	sfence.sel $0x180000  }
0x88: {  	[bflag:$0x0] =	sbarrier.arrive $0xFFFF  }
0x89: {  	p0 =	sne.s32 s0, $0x0;
	_ =	strace $0x9000004D  }
0x8a: {  	s0 =	sadd.s32 @!p0 $0x100000, s1;
	[bflag:$0x2] =	sbarrier.arrive $0xFFFF  }
0x8b: {  	[sflag:s0] =	ssyncadd.tile.s32 @!p0 $0x1;
	_ =	shalt  }
.Lfunc_end2:
_tile_overlayer_lowered:
.L_overlay_start_2:
0x8c: {  	(tag) =	ssettag $0x2  }
0x8d: {  	s0 =	rddreg [dreg:$0x0];
	s2 =	stileid.u32  }
0x8e: {  	s1 =	rddreg [dreg:$0x1];
	p0 =	sne.s32 s2, $0x0  }
0x8f: {  	s3 =	rddreg [dreg:$0x2];
	[bflag:$0x3] =	sbarrier.arrive $0xFFFF;
	s2 =	simm.s32 @!p0 $0x1C03  }
0x90: {  	[timem:s3], [sflag:s2] =	dma.local @!p0 [hbm:s0], s1  }
0x91: {  	s0 =	simm.s32 @!p0 $0x3  }
0x92: {  	_ =	swait.ge @!p0 [sflag:s0], s1  }
0x93: {  	s1 =	ssub.s32 @!p0 $0x0, s1;
	[sflag:s0] =	ssyncset.done @!p0 $0x0  }
0x94: {  	[sflag:s0] =	ssyncadd.s32 @!p0 s1  }
0x95: {  	[bflag:$0x3] =	sbarrier.arrive $0xFFFF  }
0x96: {  	_ =	shalt  }

// kernel: kernel.19.cloned.1.call-start
scs
__scs_entry_jumppad:
0x0: {  	(pc) =	sbr.rel $0x88, $3  }
0x1: {  	(tag) =	ssettag $0x0;
	lr =	simm.s32 $0x1  }
0x2: {  	[smem:$0x3F94] =	sst lr;
	_ =	strace $0xD0000000  }
0x3: {  	_ = 	snop  }
0x4: {  	_ = 	snop  }
0x5: {  	_ = 	snop  }
0x6: {  	_ = 	snop  }
0x7: {  	_ = 	snop  }
__scs_overlays_trampoline_lowered:
0x8: {  	[smem:$0x3FA3] =	sst s0  }
0x9: {  	[smem:$0x3FA4] =	sst s1  }
0xa: {  	[smem:$0x3FA5] =	sst s2  }
0xb: {  	[smem:$0x3FA6] =	sst s3  }
0xc: {  	[smem:$0x3FA7] =	sst s4  }
0xd: {  	[smem:$0x3FA8] =	sst s5  }
0xe: {  	[smem:$0x3FA9] =	sst s6  }
0xf: {  	[smem:$0x3FAA] =	sst s7  }
0x10: {  	[smem:$0x3FAB] =	sst s8  }
0x11: {  	[smem:$0x3FAC] =	sst s9;
	s0 =	simm.s32 @!p0 $0x0  }
0x12: {  	s1 =	sld [smem:$0x3F92];
	s0 =	simm.s32 @p0 $0x1  }
0x13: {  	[smem:$0x3FAD] =	sst s0;
	s0 =	simm.s32 @!p1 $0x0  }
0x14: {  	s2 =	sld [smem:$0x3F91];
	s0 =	simm.s32 @p1 $0x1  }
0x15: {  	[smem:$0x3FAE] =	sst s0;
	s0 =	simm.s32 @!p2 $0x0  }
0x16: {  	s3 =	sld [smem:$0x3FDB];
	s0 =	simm.s32 @p2 $0x1  }
0x17: {  	s4 =	simm.s32 $0x1BF5;
	[smem:$0x3FB0] =	sst s0  }
0x18: {  	s0 =	sld [smem:$0x3F93];
	_ =	swait.ge [sflag:s4], $0x0  }
0x19: {  	s7 =	sld [smem:$0x3F94]  }
0x1a: {  	s8 =	sadd.s32 $0xFFFFE003, lr  }
0x1b: {  	s9 =	sadd.s32 $0xFFFFFEF7, lr;
	s5 =	simm.s32 $0xFFFFFFFF;
	p2 =	slt.u32 s8, $0xFFFFF086  }
0x1c: {  	p1 =	slt.u32 s9, $0xF7A;
	s5 =	simm.s32 @!p2 $0x0  }
0x1d: {  	s5 =	simm.s32 @p1 $0x1;
	p0 =	seq.s32 s7, s2  }
0x1e: {  	s7 =	smul.u32 @!p0 $0xF7A, s2;
	p2 =	seq.s32 @!p0 s5, $0x0  }
0x1f: {  	s9 =	smul.u32 $0xF7A, s1;
	s8 =	simm.s32 @!p0 $0x1BF5;
	p2 =	por !p2, p0  }
0x20: {  	[sflag:s8] =	ssyncset.s32 @!p0 $0xFFFFF086;
	s6 =	sadd.s32 @!p0 s3, s7;
	s7 =	simm.s32 @!p0 $0x108  }
0x21: {  	s3 =	sadd.s32 s3, s9;
	s6 =	sadd.s32 @!p0 $0x88, s6;
	s7 =	simm.s32 @p2 $0x1082  }
0x22: {  	[simem:s7], [sflag:s8] =	dma.local @!p0 [hbm:s6], $0xF7A  }
0x23: {  	s9 =	sor.u32 $0xD0000000, s2;
	s6 =	simm.s32 $0x108;
	_ =	swait.ge @!p0 [sflag:s8], $0x0  }
0x24: {  	s3 =	sadd.s32 $0x88, s3;
	s6 =	simm.s32 @!p1 $0x1082;
	[sflag:s4] =	ssyncset.s32 $0xFFFFF086  }
0x25: {  	[simem:s6], [sflag:s4] =	dma.local [hbm:s3], $0xF7A  }
0x26: {  	[smem:$0x3F94] =	sst s1;
	(tag) =	ssettag s2;
	_ =	strace s9  }
0x27: {  	s1 =	sld [smem:$0x3FA4]  }
0x28: {  	s2 =	sld [smem:$0x3FA5]  }
0x29: {  	s4 =	sld [smem:$0x3FA7]  }
0x2a: {  	p0 =	seq.s32 s5, $0x0;
	s5 =	sld [smem:$0x3FA8]  }
0x2b: {  	s6 =	sld [smem:$0x3FA9]  }
0x2c: {  	s7 =	sld [smem:$0x3FAA]  }
0x2d: {  	s3 =	simm.s32 $0x108;
	s8 =	sld [smem:$0x3FAB]  }
0x2e: {  	s3 =	simm.s32 @!p0 $0x1082;
	s9 =	sld [smem:$0x3FAC]  }
0x2f: {  	lr =	sadd.s32 s0, s3;
	s0 =	sld [smem:$0x3FA3]  }
0x30: {  	s3 =	sld [smem:$0x3FA6]  }
0x31: {  	[smem:$0x3FAF] =	sst s10  }
0x32: {  	s10 =	sld [smem:$0x3FAD];
	_ =	sdelay $0x3  }
0x33: {  	p0 =	seq.s32 s10, $0x1;
	s10 =	sld [smem:$0x3FAF];
	_ =	sdelay $0x3  }
0x34: {  	[smem:$0x3FAF] =	sst s10  }
0x35: {  	s10 =	sld [smem:$0x3FAE];
	_ =	sdelay $0x3  }
0x36: {  	p1 =	seq.s32 s10, $0x1;
	s10 =	sld [smem:$0x3FAF];
	_ =	sdelay $0x3  }
0x37: {  	[smem:$0x3FAF] =	sst s10  }
0x38: {  	s10 =	sld [smem:$0x3FB0]  }
0x39: {  	_ = 	snop;
	(pc) =	sbr.ind lr, $3  }
0x3a: {  	_ = 	snop  }
0x3b: {  	_ = 	snop  }
0x3c: {  	p2 =	seq.s32 s10, $0x1;
	s10 =	sld [smem:$0x3FAF]  }
0x3d: {  	_ =	shalt  }
0x3e: {  	_ =	shalt  }
0x3f: {  	_ =	shalt  }
0x40: {  	_ =	shalt  }
0x41: {  	_ =	shalt  }
0x42: {  	_ =	shalt  }
0x43: {  	_ =	shalt  }
0x44: {  	_ =	shalt  }
0x45: {  	_ =	shalt  }
0x46: {  	_ =	shalt  }
0x47: {  	_ =	shalt  }
0x48: {  	_ =	shalt  }
0x49: {  	_ =	shalt  }
0x4a: {  	_ =	shalt  }
0x4b: {  	_ =	shalt  }
0x4c: {  	_ =	shalt  }
0x4d: {  	_ =	shalt  }
0x4e: {  	_ =	shalt  }
0x4f: {  	_ =	shalt  }
0x50: {  	_ =	shalt  }
0x51: {  	_ =	shalt  }
0x52: {  	_ =	shalt  }
0x53: {  	_ =	shalt  }
0x54: {  	_ =	shalt  }
0x55: {  	_ =	shalt  }
0x56: {  	_ =	shalt  }
0x57: {  	_ =	shalt  }
0x58: {  	_ =	shalt  }
0x59: {  	_ =	shalt  }
0x5a: {  	_ =	shalt  }
0x5b: {  	_ =	shalt  }
0x5c: {  	_ =	shalt  }
0x5d: {  	_ =	shalt  }
0x5e: {  	_ =	shalt  }
0x5f: {  	_ =	shalt  }
0x60: {  	_ =	shalt  }
0x61: {  	_ =	shalt  }
0x62: {  	_ =	shalt  }
0x63: {  	_ =	shalt  }
0x64: {  	_ =	shalt  }
0x65: {  	_ =	shalt  }
0x66: {  	_ =	shalt  }
0x67: {  	_ =	shalt  }
0x68: {  	_ =	shalt  }
0x69: {  	_ =	shalt  }
0x6a: {  	_ =	shalt  }
0x6b: {  	_ =	shalt  }
0x6c: {  	_ =	shalt  }
0x6d: {  	_ =	shalt  }
0x6e: {  	_ =	shalt  }
0x6f: {  	_ =	shalt  }
0x70: {  	_ =	shalt  }
0x71: {  	_ =	shalt  }
0x72: {  	_ =	shalt  }
0x73: {  	_ =	shalt  }
0x74: {  	_ =	shalt  }
0x75: {  	_ =	shalt  }
0x76: {  	_ =	shalt  }
0x77: {  	_ =	shalt  }
0x78: {  	_ =	shalt  }
0x79: {  	_ =	shalt  }
0x7a: {  	_ =	shalt  }
0x7b: {  	_ =	shalt  }
0x7c: {  	_ =	shalt  }
0x7d: {  	_ =	shalt  }
0x7e: {  	_ =	shalt  }
0x7f: {  	_ =	shalt  }
0x80: {  	_ =	shalt  }
0x81: {  	_ =	shalt  }
0x82: {  	_ =	shalt  }
0x83: {  	_ =	shalt  }
0x84: {  	_ =	shalt  }
0x85: {  	_ =	shalt  }
0x86: {  	_ =	shalt  }
0x87: {  	_ =	shalt  }
.Lfunc_end0:
.L_simem_size_0:
called_computation.3_lowered:
.L_overlay_start_0:
0x88: {  	s2 =	sld [smem:$0x3FD9]  }
0x89: {  	s3 =	sld [smem:$0x3FFE];
	_ =	sdelay $0x1  }
0x8a: {  	s1 =	srdreg.scid  }
0x8b: {  	s0 =	sand.u32 $0x1, s1  }
0x8c: {  	s17 =	sshll.u32 s0, $0xA;
	s2 =	sadd.s32 s3, s2  }
0x8d: {  	s2 =	sadd.s32 s2, s17  }
0x8e: {  	[smem:$0x3FBB] =	sst s2  }
0x8f: {  	_ = 	snop  }
0x90: {  	s2 =	sld [smem:$0x3FD0];
	(tm) =	ssettm $0x1  }
0x91: {  	s18 =	sld [smem:$0x3FFB];
	_ =	sdelay $0x3  }
0x92: {  	_ =	strace s18  }
0x93: {  	s3 =	sld [smem:$0x3FFC];
	_ =	sdelay $0x3  }
0x94: {  	_ =	strace s3  }
0x95: {  	s3 =	sld [smem:$0x3FFD];
	_ =	sdelay $0x3  }
0x96: {  	_ =	strace s3  }
0x97: {  	_ =	strace $0x8FFFFFFF  }
0x98: {  	s19 =	sld [smem:$0x3FDB];
	_ =	sdelay $0x1  }
0x99: {  	s4 =	simm.s32 $_scs_section_size  }
0x9a: {  	s5 =	simm.s32 $_size__tile_overlayer_lowered;
	s6 =	simm.s32 $_tile_overlayer_lowered  }
0x9b: {  	s22 =	simm.s32 $0x1BFF;
	s21 =	sshll.u32 s6, $0x1;
	s3 =	sadd.s32 s4, s19  }
0x9c: {  	s7 =	simm.s32 $0x0;
	s20 =	sshll.u32 s5, $0x1;
	s5 =	sadd.s32 s21, s3  }
0x9d: {  	[timem:s7], [sflag:s22] =	dma.local [hbm:s5], s20  }
0x9e: {  	_ =	swait.ge [sflag:s22], s20  }
0x9f: {  	s4 =	ssub.s32 $0x0, s20;
	[sflag:s22] =	ssyncset.done $0x0  }
0xa0: {  	[sflag:s22] =	ssyncadd.s32 s4;
	_ =	sdelay $0x1  }
0xa1: {  	s23 =	simm.s32 $0x1B8B  }
0xa2: {  	_ =	swait.ge [sflag:s23], $0x1  }
0xa3: {  	[sflag:s23] =	ssyncset.done $0x0  }
0xa4: {  	s25 =	simm.s32 $0x1B8E;
	s24 =	sld [smem:$0x3FFE];
	[sflag:s23] =	ssyncadd.s32 $0xFFFFFFFF  }
0xa5: {  	s26 =	simm.s32 $execute0_lowered;
	[smem:$0x3FD2] =	sst s25  }
0xa6: {  	s5 =	sshll.u32 s26, $0x1;
	_ =	strace $0x8000004F;
	[dreg:$0x1] =	wrdreg $0xFFFFFFFF  }
0xa7: {  	s28 =	simm.s32 $_size_execute0_lowered;
	s3 =	sadd.s32 s3, s5;
	[dreg:$0x0] =	wrdreg $0x0  }
0xa8: {  	s5 =	sshll.u32 s28, $0x1;
	[dreg:$0x2] =	wrdreg s3  }
0xa9: {  	[dreg:$0x3] =	wrdreg s5  }
0xaa: {  	[dreg:$0x4] =	wrdreg $0xC0  }
0xab: {  	_ =	task [dreg:s7], $0x5FFFF  }
0xac: {  	[dreg:$0x1] =	wrdreg $0xFFFFFFFF  }
0xad: {  	[dreg:$0x0] =	wrdreg $0x60  }
0xae: {  	[dreg:$0x2] =	wrdreg s2  }
0xaf: {  	[dreg:$0x3] =	wrdreg s24  }
0xb0: {  	[dreg:$0x4] =	wrdreg $0x9  }
0xb1: {  	_ =	task.clear_ibuf [dreg:s7], $0x5FFFF;
	_ =	strace $0x9000004F  }
0xb2: {  	s29 =	simm.s32 $0x9;
	_ =	strace $0x80000051  }
0xb3: {  	_ =	swait.ge [sflag:s29], $0x1  }
0xb4: {  	[sflag:s29] =	ssyncadd.s32 $0xFFFFFFFF  }
0xb5: {  	_ =	strace $0x90000051  }
0xb6: {  	_ =	sfence  }
0xb7: {  	s30 =	sld [smem:$0x0];
	_ =	sdelay $0x2  }
0xb8: {  	s31 =	sshll.u32 s1, $0xD;
	s1 =	sshrl.u32 s1, $0x2  }
0xb9: {  	s3 =	sand.u32 $0x4000, s31;
	s1 =	sadd.s32 s1, s30  }
0xba: {  	s0 =	sor.u32 s3, s0;
	s1 =	sshll.u32 s1, $0x11  }
0xbb: {  	s0 =	sor.u32 s1, s0  }
0xbc: {  	s0 =	sadd.s32 $0x8F2B, s0  }
0xbd: {  	[sflag:s0] =	ssyncadd.remote.s32 $0x1  }
0xbe: {  	_ =	sfence.sel $0xFFFF  }
0xbf: {  	[dreg:$0x0] =	wrdreg $0xFFFFFFFF;
	(pc) =	sbr.abs _section_cstart, $3  }
0xc0: {  	[dreg:$0x1] =	wrdreg $0xFFFFFFFF  }
0xc1: {  	_ =	task.clear_ibuf [dreg:s7], $0x2FFFF;
	_ =	strace $0x9FFFFFFF  }
0xc2: {  	(tm) =	ssettm $0x7FFFFFFF  }
0xc3: {  	_ =	shalt  }
tec
execute0_lowered:
.L_overlay_start_1:
0x0: {  	(tag) =	ssettag $0x1  }
0x1: {  	s2 =	rddreg [dreg:$0x0]  }
0x2: {  	s0 =	srdreg.scid;
	s5 =	rddreg [dreg:$0x1]  }
0x3: {  	s3 =	simm.s32 $0x0;
	s10 =	simm.s32 $0xC370;
	s4 =	sand.u32 $0x1, s0  }
0x4: {  	s11 =	simm.s32 $0xEA80;
	s0 =	stileid.u32;
	s1 =	sshll.u32 s4, $0x4  }
0x5: {  	s12 =	simm.s32 $0x0;
	s4 =	ssub.s32 $0x2, s4;
	s6 =	sor.u32 s0, s1  }
0x6: {  	v0 =	vlaneseq.u32;
	[smem:$0x7FF] =	sst s3;
	s8 =	sshrl.u32 s4, $0x1;
	s7 =	smul.u32 $0x271, s6  }
0x7: {  	v1 =	vand.u32 $0x3, v0;
	v0 =	vmul.u32 $0x2, v0;
	s1 =	rddreg [dreg:$0x2];
	s6 =	smul.u32 $0x4E2, s6;
	s8 =	ssub.s32 s4, s8  }
0x8: {  	v1 =	vmul.u32 $0x2, v1;
	_ =	strace $0x80000050;
	s8 =	smax.u32 s8, $0x1;
	s7 =	sadd.s32 s7, s5  }
0x9: {  	v2 =	vor.u32 $0x1, v0;
	s9 =	sadd.s32 s6, s5;
	s4 =	sadd.s32 $0x22800, s7;
	s5 =	sadd.s32 $0x1D800, s7  }
0xa: {  	v3 =	vor.u32 $0x2700, v0;
	v4 =	vor.u32 $0x2701, v0;
	v1 =	vor.u32 $0xFFFFFFF8, v1;
	s6 =	sadd.s32 $0x9E00, s9;
	s7 =	sadd.s32 $0x27800, s9;
	s9 =	simm.s32 $0x1  }
.LBB2_1:
0xb: {  	[tilespmem:s3], [sflag:$0x1] =	stream.linear.gather [hbm4b:s2+s3], $0x9C40, $0x38;
	[tilespmem:$0x11190] =	vst v63  }
0xc: {  	_ =	swait.ge [sflag:s9], $0x9C40  }
0xd: {  	[sflag:s9] =	ssyncset.done $0x0  }
0xe: {  	s13 =	simm.s32 $0x9C40;
	[sflag:s9] =	ssyncadd.s32 $0xFFFF63C0  }
0xf: {  	[tilespmem:s13], [sflag:$0x1] =	stream.linear.gather [hbm4b:s4+s3], $0x1388, $0x38;
	[tilespmem:$0x11190] =	vst v63  }
0x10: {  	_ =	swait.ge [sflag:s9], $0x1388  }
0x11: {  	[sflag:s9] =	ssyncset.done $0x0  }
0x12: {  	s14 =	simm.s32 $0xAFD8;
	[sflag:s9] =	ssyncadd.s32 $0xFFFFEC78  }
0x13: {  	[tilespmem:s14], [sflag:$0x1] =	stream.linear.gather [hbm4b:s5+s3], $0x1388, $0x38;
	[tilespmem:$0x11190] =	vst v63  }
0x14: {  	_ =	swait.ge [sflag:s9], $0x1388  }
0x15: {  	[sflag:s9] =	ssyncset.done $0x0  }
0x16: {  	[sflag:s9] =	ssyncadd.s32 $0xFFFFEC78  }
0x17: {  	[tilespmem:s10], [sflag:$0x1] =	stream.linear.gather [hbm4b:s6+s3], $0x2710, $0x38;
	[tilespmem:$0x11190] =	vst v63  }
0x18: {  	_ =	swait.ge [sflag:s9], $0x2710  }
0x19: {  	[sflag:s9] =	ssyncset.done $0x0  }
0x1a: {  	[sflag:s9] =	ssyncadd.s32 $0xFFFFD8F0  }
0x1b: {  	v5 =	vld [tilespmem:s13+$0x0]  }
0x1c: {  	v6 =	vld [tilespmem:s14+$0x0]  }
0x1d: {  	s16 =	simm.s32 $0x20;
	s15 =	simm.s32 $0x0  }
.LBB2_2:
0x1e: {  	p0 =	sne.s32 s16, $0x26E0;
	_ =	sdelay $0x1  }
0x1f: {  	v5 =	vshll.u32 v5, $0x2  }
0x20: {  	v6 =	vshll.u32 v6, $0x2;
	v7 =	vor.u32 $0x1, v5  }
0x21: {  	v8 =	vor.u32 $0x2, v6  }
0x22: {  	v9 =	vor.u32 s15, v0;
	v6 =	vor.u32 $0x3, v6  }
0x23: {  	v9 =	vand.u32 v1, v9  }
0x24: {  	v10 =	vor.u32 s15, v2;
	s15 =	smov.u32 s16;
	v5 =	vld.idx.msk [tilespmem:v5+s3+$0x0], $0xffff  }
0x25: {  	v7 =	vld.idx.msk [tilespmem:v7+s3+$0x0], $0xffff  }
0x26: {  	v8 =	vld.idx.msk [tilespmem:v8+s3+$0x0], $0xffff  }
0x27: {  	v6 =	vld.idx.msk [tilespmem:v6+s3+$0x0], $0xffff  }
0x28: {  	v11 =	vld.idx.msk [tilespmem:v9+s10+$0x0], $0xffff  }
0x29: {  	v12 =	vld.idx.msk [tilespmem:v10+s10+$0x0], $0xffff;
	_ =	sdelay $0x2  }
0x2a: {  	v5 =	vadd.f32 v8, v5  }
0x2b: {  	v6 =	vadd.f32 v6, v7  }
0x2c: {  	v5 =	vadd.f32 v11, v5  }
0x2d: {  	v6 =	vadd.f32 v12, v6  }
.Ltmp0:
0x2e: {  	[tilespmem:v9+s11+$0x0] =	vst.idx.msk $0xffff, v5;
	(pc) =	sbr.rel @p0 .LBB2_2-.Ltmp0, $4  }
0x2f: {  	s13 =	sadd.s32 $0x10, s13;
	[tilespmem:v10+s11+$0x0] =	vst.idx.msk $0xffff, v6  }
0x30: {  	s14 =	sadd.s32 $0x10, s14;
	v5 =	vld [tilespmem:s13+$0x0]  }
0x31: {  	v6 =	vld [tilespmem:s14+$0x0]  }
0x32: {  	s16 =	sadd.s32 $0x20, s16  }
0x33: {  	_ =	sdelay $0x1  }
0x34: {  	v5 =	vshll.u32 v5, $0x2  }
0x35: {  	v6 =	vshll.u32 v6, $0x2;
	v7 =	vor.u32 $0x1, v5  }
0x36: {  	v8 =	vor.u32 $0x2, v6  }
0x37: {  	v9 =	vor.u32 s15, v0;
	v6 =	vor.u32 $0x3, v6  }
0x38: {  	v9 =	vand.u32 v1, v9  }
0x39: {  	v10 =	vor.u32 s15, v2;
	v5 =	vld.idx.msk [tilespmem:v5+s3+$0x0], $0xffff  }
0x3a: {  	v7 =	vld.idx.msk [tilespmem:v7+s3+$0x0], $0xffff  }
0x3b: {  	v8 =	vld.idx.msk [tilespmem:v8+s3+$0x0], $0xffff  }
0x3c: {  	v6 =	vld.idx.msk [tilespmem:v6+s3+$0x0], $0xffff  }
0x3d: {  	v11 =	vld.idx.msk [tilespmem:v9+s10+$0x0], $0xffff  }
0x3e: {  	v12 =	vld.idx.msk [tilespmem:v10+s10+$0x0], $0xffff;
	_ =	sdelay $0x1  }
0x3f: {  	v5 =	vadd.f32 v8, v5  }
0x40: {  	v6 =	vadd.f32 v6, v7  }
0x41: {  	v5 =	vadd.f32 v11, v5  }
0x42: {  	v6 =	vadd.f32 v12, v6  }
0x43: {  	[tilespmem:v9+s11+$0x0] =	vst.idx.msk $0xffff, v5  }
0x44: {  	[tilespmem:v10+s11+$0x0] =	vst.idx.msk $0xffff, v6  }
0x45: {  	v5 =	vld [tilespmem:$0xAFC0]  }
0x46: {  	v6 =	vld [tilespmem:$0xC358];
	_ =	sdelay $0x3  }
0x47: {  	v5 =	vshll.u32 v5, $0x2  }
0x48: {  	v6 =	vshll.u32 v6, $0x2;
	v7 =	vor.u32 $0x1, v5  }
0x49: {  	v63 =	vor.u32 $0x2, v6  }
0x4a: {  	v6 =	vor.u32 $0x3, v6;
	_ =	sdelay $0x1  }
0x4b: {  	v5 =	vld.idx.msk [tilespmem:v5+s3+$0x0], $0xff  }
0x4c: {  	v7 =	vld.idx.msk [tilespmem:v7+s3+$0x0], $0xff  }
0x4d: {  	v8 =	vld.idx.msk [tilespmem:v63+s3+$0x0], $0xff  }
0x4e: {  	v6 =	vld.idx.msk [tilespmem:v6+s3+$0x0], $0xff  }
0x4f: {  	v9 =	vld.idx.msk [tilespmem:v3+s10+$0x0], $0xff  }
0x50: {  	v10 =	vld.idx.msk [tilespmem:v4+s10+$0x0], $0xff;
	_ =	sdelay $0x1  }
0x51: {  	v5 =	vadd.f32 v8, v5  }
0x52: {  	v6 =	vadd.f32 v6, v7  }
0x53: {  	v5 =	vadd.f32 v9, v5  }
0x54: {  	s12 =	sadd.s32 $0x1, s12;
	v6 =	vadd.f32 v10, v6  }
0x55: {  	p0 =	sne.s32 s12, s8;
	[tilespmem:v3+s11+$0x0] =	vst.idx.msk $0xff, v5  }
.Ltmp1:
0x56: {  	[tilespmem:v4+s11+$0x0] =	vst.idx.msk $0xff, v6;
	(pc) =	sbr.rel @p0 .LBB2_1-.Ltmp1, $4  }
0x57: {  	[hbm4b:s7+s3] =	stream.linear.scatter [tilespmem:s11], [sflag:$0x1], $0x2710, $0x38;
	[tilespmem:$0x11190] =	vst v63  }
0x58: {  	_ =	swait.ge [sflag:s9], $0x2710  }
0x59: {  	[sflag:s9] =	ssyncset.done $0x0  }
0x5a: {  	[sflag:s9] =	ssyncadd.s32 $0xFFFFD8F0  }
0x5b: {  	_ =	sfence.sel $0x180000  }
0x5c: {  	[bflag:$0x0] =	sbarrier.arrive $0xFFFF  }
0x5d: {  	p0 =	sne.s32 s0, $0x0;
	_ =	strace $0x90000050  }
0x5e: {  	s0 =	sadd.s32 @!p0 $0x100000, s1;
	[bflag:$0x2] =	sbarrier.arrive $0xFFFF  }
0x5f: {  	[sflag:s0] =	ssyncadd.tile.s32 @!p0 $0x1;
	_ =	shalt  }
.Lfunc_end2:
_tile_overlayer_lowered:
.L_overlay_start_2:
0x60: {  	(tag) =	ssettag $0x2  }
0x61: {  	s0 =	rddreg [dreg:$0x0];
	s2 =	stileid.u32  }
0x62: {  	s1 =	rddreg [dreg:$0x1];
	p0 =	sne.s32 s2, $0x0  }
0x63: {  	s3 =	rddreg [dreg:$0x2];
	[bflag:$0x3] =	sbarrier.arrive $0xFFFF;
	s2 =	simm.s32 @!p0 $0x1C01  }
0x64: {  	[timem:s3], [sflag:s2] =	dma.local @!p0 [hbm:s0], s1  }
0x65: {  	s0 =	simm.s32 @!p0 $0x1  }
0x66: {  	_ =	swait.ge @!p0 [sflag:s0], s1  }
0x67: {  	s1 =	ssub.s32 @!p0 $0x0, s1;
	[sflag:s0] =	ssyncset.done @!p0 $0x0  }
0x68: {  	[sflag:s0] =	ssyncadd.s32 @!p0 s1  }
0x69: {  	[bflag:$0x3] =	sbarrier.arrive $0xFFFF  }
0x6a: {  	_ =	shalt  }

</sc_bundles>
